<compile_context>
chip_gen: v7x
topology: tpu7x:2x2x1
jax: 0.10.2.dev20260603
libtpu: 0.0.44.dev20260713+nightly
codegen_flags: <defaults>
</compile_context>

<pallas_src>
import functools

import jax
import jax.numpy as jnp
from jax import lax
from jax.experimental import pallas as pl
from jax.experimental.pallas import tpu as pltpu
from jax.experimental.pallas import tpu_sc as plsc

BATCH = 16384
FEAT = 2048
NCLS = 2048
NUM_CORES = 2
NUM_SUBCORES = 16
NW = NUM_CORES * NUM_SUBCORES
LANES = 16

PACKED = FEAT // 2
ROWS_PER_W = BATCH // NW
CHUNK = 8
NCHUNK = ROWS_PER_W // CHUNK
NBUF = 4
GROUPS = FEAT // (2 * LANES)


def _make_body():
    mesh = plsc.VectorSubcoreMesh(core_axis_name="c", subcore_axis_name="s")

    @functools.partial(
        pl.kernel,
        out_type=jax.ShapeDtypeStruct((NW, LANES), jnp.float32),
        mesh=mesh,
        compiler_params=pltpu.CompilerParams(needs_layout_passes=False),
        scratch_types=(
            [pltpu.VMEM((ROWS_PER_W,), jnp.int32)]
            + [pltpu.VMEM((CHUNK, FEAT), jnp.float32)
               for _ in range(NBUF)]
            + [pltpu.VMEM((CHUNK, PACKED), jnp.uint32)
               for _ in range(NBUF)]
            + [pltpu.VMEM((LANES,), jnp.float32)]
            + [pltpu.SemaphoreType.DMA for _ in range(2 * NBUF)]
        ),
    )
    def body(x_hbm, t_hbm, table_hbm, out_hbm, idx_v, *rest):
        xbs = rest[0:NBUF]
        gbs = rest[NBUF:2 * NBUF]
        accv = rest[2 * NBUF]
        sxs = rest[2 * NBUF + 1: 3 * NBUF + 1]
        sgs = rest[3 * NBUF + 1: 4 * NBUF + 1]

        wid = lax.axis_index("s") * NUM_CORES + lax.axis_index("c")
        base = wid * ROWS_PER_W

        pltpu.sync_copy(t_hbm.at[pl.ds(base, ROWS_PER_W)], idx_v)

        slots = tuple((xbs[b], gbs[b], sxs[b], sgs[b]) for b in range(NBUF))

        def issue(ci, slot):
            xb, gb, sx, sg = slots[slot]
            pltpu.async_copy(
                x_hbm.at[pl.ds(base + ci * CHUNK, CHUNK)], xb, sx)
            pltpu.async_copy(
                table_hbm.at[idx_v.at[pl.ds(ci * CHUNK, CHUNK)]], gb, sg)

        def wait(slot):
            xb, gb, sx, sg = slots[slot]
            pltpu.make_async_copy(x_hbm.at[pl.ds(0, CHUNK)], xb, sx).wait()
            pltpu.make_async_copy(
                table_hbm.at[idx_v.at[pl.ds(0, CHUNK)]], gb, sg).wait()

        def chunk_sum(xb, gb, acc):
            def row_body(r, accs):
                def grp_body(g, accs):
                    out = []
                    for u in range(8):
                        a = accs[u]
                        gg = g * 8 + u
                        xa = xb[r, pl.ds(gg * LANES, LANES)]
                        xc = xb[r, pl.ds(PACKED + gg * LANES, LANES)]
                        cg = plsc.bitcast(
                            gb[r, pl.ds(gg * LANES, LANES)], jnp.bfloat16)
                        ca, cb2 = plsc.unpack(
                            cg, format=plsc.PackFormat.INTERLEAVED)
                        da = xa - ca
                        db = xc - cb2
                        a = a + da * da
                        a = a + db * db
                        out.append(a)
                    return tuple(out)

                return lax.fori_loop(0, GROUPS // 8, grp_body, accs)

            return lax.fori_loop(0, CHUNK, row_body, acc)

        for b in range(NBUF):
            issue(b, b)

        def ring_body(p, acc):
            for b in range(NBUF):
                ci = p * NBUF + b
                wait(b)
                acc = chunk_sum(slots[b][0], slots[b][1], acc)
                issue(ci + NBUF, b)
            return acc

        acc = tuple(jnp.zeros((LANES,), jnp.float32) for _ in range(8))
        acc = lax.fori_loop(0, NCHUNK // NBUF - 1, ring_body, acc)
        for b in range(NBUF):
            wait(b)
            acc = chunk_sum(slots[b][0], slots[b][1], acc)

        s01 = acc[0] + acc[1]
        s23 = acc[2] + acc[3]
        s45 = acc[4] + acc[5]
        s67 = acc[6] + acc[7]
        accv[...] = (s01 + s23) + (s45 + s67)
        pltpu.sync_copy(accv, out_hbm.at[wid])

    return body


_sc_loss = _make_body()


def _pack_centers(centers):
    lo = jax.lax.bitcast_convert_type(
        centers[:, :PACKED].astype(jnp.bfloat16), jnp.uint16)
    hi = jax.lax.bitcast_convert_type(
        centers[:, PACKED:].astype(jnp.bfloat16), jnp.uint16)
    return lo.astype(jnp.uint32) | (hi.astype(jnp.uint32) << 16)


@jax.jit
def kernel(inputs, targets, centers):
    table = _pack_centers(centers)
    partials = _sc_loss(inputs, targets.astype(jnp.int32), table)
    return jnp.sum(partials) / inputs.shape[0]

# --- scband reference (transcript-rebuilt; emitter-appended) ---
"""Pipeline reference for scband-center-linear-16733192585436 (READ-ONLY COPY).

The authoritative reference and input builder live on the scoring server;
editing this copy changes nothing except your own understanding.
"""

import jax, jax.numpy as jnp
import numpy as np
import math

NUM_CLASSES = 2048
FEAT_DIM = 2048
BATCH = 16384


def setup_inputs(seed: int = 0) -> dict:
    key = jax.random.key(seed)
    k1, k2, k3 = jax.random.split(key, 3)
    inputs = jax.random.normal(k1, (BATCH, FEAT_DIM), dtype=jnp.float32)
    targets = jax.random.randint(k2, (BATCH,), 0, FEAT_DIM, dtype=jnp.int64 if jax.config.jax_enable_x64 else jnp.int32)
    # Xavier-uniform init for centers of shape (feat_dim, num_classes)
    bound = math.sqrt(6.0 / (FEAT_DIM + NUM_CLASSES))
    centers = jax.random.uniform(k3, (FEAT_DIM, NUM_CLASSES), dtype=jnp.float32, minval=-bound, maxval=bound)
    return {"inputs": inputs, "targets": targets, "centers": centers}


def reference(inputs, targets, centers):
    # Faithful translation of CenterLinear.forward:
    #   cyi = centers[targets]  (row gather from the centers table)
    #   loss = ||inputs - cyi||_F^2 / b   (Frobenius norm squared, mean over batch)
    b = inputs.shape[0]
    cyi = jnp.take(centers, targets, axis=0)
    diff = inputs - cyi
    return jnp.power(jnp.linalg.norm(diff), 2) / b

if __name__ == "__main__":
    import jax
    _d = setup_inputs()
    print(jax.jit(kernel)(*tuple(_d.values())))

</pallas_src>

<mosaic_0001>
#map = affine_map<(d0, d1) -> (0, 0)>
#map1 = affine_map<(d0, d1) -> (0)>
module attributes {stable_mosaic.version = 14 : i64} {
  func.func @body(%arg0: i32, %arg1: i32, %arg2: memref<16384x2048xf32, #tpu.memory_space<hbm>>, %arg3: memref<16384xi32, #tpu.memory_space<hbm>>, %arg4: memref<2048x1024xi32, #tpu.memory_space<hbm>>, %arg5: memref<32x16xf32, #tpu.memory_space<hbm>>, %arg6: memref<512xi32, #tpu.memory_space<vmem>>, %arg7: memref<8x2048xf32, #tpu.memory_space<vmem>>, %arg8: memref<8x2048xf32, #tpu.memory_space<vmem>>, %arg9: memref<8x2048xf32, #tpu.memory_space<vmem>>, %arg10: memref<8x2048xf32, #tpu.memory_space<vmem>>, %arg11: memref<8x1024xi32, #tpu.memory_space<vmem>>, %arg12: memref<8x1024xi32, #tpu.memory_space<vmem>>, %arg13: memref<8x1024xi32, #tpu.memory_space<vmem>>, %arg14: memref<8x1024xi32, #tpu.memory_space<vmem>>, %arg15: memref<16xf32, #tpu.memory_space<vmem>>, %arg16: memref<!tpu.dma_semaphore, #tpu.memory_space<semaphore_mem>>, %arg17: memref<!tpu.dma_semaphore, #tpu.memory_space<semaphore_mem>>, %arg18: memref<!tpu.dma_semaphore, #tpu.memory_space<semaphore_mem>>, %arg19: memref<!tpu.dma_semaphore, #tpu.memory_space<semaphore_mem>>, %arg20: memref<!tpu.dma_semaphore, #tpu.memory_space<semaphore_mem>>, %arg21: memref<!tpu.dma_semaphore, #tpu.memory_space<semaphore_mem>>, %arg22: memref<!tpu.dma_semaphore, #tpu.memory_space<semaphore_mem>>, %arg23: memref<!tpu.dma_semaphore, #tpu.memory_space<semaphore_mem>>) attributes {dimension_semantics = [#tpu.dimension_semantics<core_parallel>, #tpu.dimension_semantics<subcore_parallel>], iteration_bounds = array<i64: 2, 16>, scalar_prefetch = 0 : i64, scratch_operands = 18 : i64, tpu.core_type = #tpu.core_type<sc_vector_subcore>, window_params = [{transform_indices = #map}, {transform_indices = #map1}, {transform_indices = #map}, {transform_indices = #map}]} {
    %mul3A = arith.constant 2 : i32
    %mul3A_0 = arith.muli %arg1, %mul3A : i32
    %add3A = arith.addi %mul3A_0, %arg0 : i32
    %mul3A_1 = arith.constant 512 : i32
    %mul3A_2 = arith.muli %add3A, %mul3A_1 : i32
    "tpu.region"() ({
      %run_scoped3A = tpu.sem_alloc : memref<!tpu.dma_semaphore, #tpu.memory_space<semaphore_mem>>
      %dma_start3A_141 = tpu.memref_slice %arg3[%mul3A_2] : memref<16384xi32, #tpu.memory_space<hbm>> -> memref<512xi32, #tpu.memory_space<hbm>>
      %dma_start3A_142 = tpu.memref_slice %arg3[%mul3A_2] : memref<16384xi32, #tpu.memory_space<hbm>> -> memref<512xi32, #tpu.memory_space<hbm>>
      tpu.enqueue_dma source(%dma_start3A_142 : memref<512xi32, #tpu.memory_space<hbm>>) target(%arg6 : memref<512xi32, #tpu.memory_space<vmem>>) target_semaphore(%run_scoped3A : memref<!tpu.dma_semaphore, #tpu.memory_space<semaphore_mem>>)
      %dma_wait3A_143 = tpu.memref_slice %arg3[%mul3A_2] : memref<16384xi32, #tpu.memory_space<hbm>> -> memref<512xi32, #tpu.memory_space<hbm>>
      %dma_wait3A_144 = tpu.memref_slice %arg3[%mul3A_2] : memref<16384xi32, #tpu.memory_space<hbm>> -> memref<512xi32, #tpu.memory_space<hbm>>
      tpu.wait_dma2 semaphore(%run_scoped3A : memref<!tpu.dma_semaphore, #tpu.memory_space<semaphore_mem>>) src(%dma_wait3A_144 : memref<512xi32, #tpu.memory_space<hbm>>) dst(%arg6 : memref<512xi32, #tpu.memory_space<vmem>>)
      tpu.yield
    }) : () -> ()
    %add3A_3 = arith.constant 0 : i32
    %add3A_4 = arith.addi %mul3A_2, %add3A_3 : i32
    %dma_start3A = arith.constant 0 : i32
    %dma_start3A_5 = tpu.memref_slice %arg2[%add3A_4, %dma_start3A] : memref<16384x2048xf32, #tpu.memory_space<hbm>> -> memref<8x2048xf32, #tpu.memory_space<hbm>>
    %dma_start3A_6 = arith.constant 0 : i32
    %dma_start3A_7 = tpu.memref_slice %arg2[%add3A_4, %dma_start3A_6] : memref<16384x2048xf32, #tpu.memory_space<hbm>> -> memref<8x2048xf32, #tpu.memory_space<hbm>>
    tpu.enqueue_dma source(%dma_start3A_7 : memref<8x2048xf32, #tpu.memory_space<hbm>>) target(%arg7 : memref<8x2048xf32, #tpu.memory_space<vmem>>) target_semaphore(%arg16 : memref<!tpu.dma_semaphore, #tpu.memory_space<semaphore_mem>>)
    %dma_start3A_8 = arith.constant 0 : i32
    %dma_start3A_9 = tpu.memref_slice %arg6[%dma_start3A_8] : memref<512xi32, #tpu.memory_space<vmem>> -> memref<8xi32, #tpu.memory_space<vmem>>
    %dma_start3A_10 = arith.constant 0 : i32
    %dma_start3A_11 = arith.constant 0 : i32
    %dma_start3A_12 = tpu.memref_slice %arg4[%dma_start3A_10, %dma_start3A_11] : memref<2048x1024xi32, #tpu.memory_space<hbm>> -> memref<2048x1024xi32, #tpu.memory_space<hbm>>
    tpu.enqueue_indirect_dma source(%dma_start3A_12 : memref<2048x1024xi32, #tpu.memory_space<hbm>>) target(%arg11 : memref<8x1024xi32, #tpu.memory_space<vmem>>) offsets(%dma_start3A_9 : memref<8xi32, #tpu.memory_space<vmem>>) semaphore(%arg20 : memref<!tpu.dma_semaphore, #tpu.memory_space<semaphore_mem>>)
    %add3A_13 = arith.constant 8 : i32
    %add3A_14 = arith.addi %mul3A_2, %add3A_13 : i32
    %dma_start3A_15 = arith.constant 0 : i32
    %dma_start3A_16 = tpu.memref_slice %arg2[%add3A_14, %dma_start3A_15] : memref<16384x2048xf32, #tpu.memory_space<hbm>> -> memref<8x2048xf32, #tpu.memory_space<hbm>>
    %dma_start3A_17 = arith.constant 0 : i32
    %dma_start3A_18 = tpu.memref_slice %arg2[%add3A_14, %dma_start3A_17] : memref<16384x2048xf32, #tpu.memory_space<hbm>> -> memref<8x2048xf32, #tpu.memory_space<hbm>>
    tpu.enqueue_dma source(%dma_start3A_18 : memref<8x2048xf32, #tpu.memory_space<hbm>>) target(%arg8 : memref<8x2048xf32, #tpu.memory_space<vmem>>) target_semaphore(%arg17 : memref<!tpu.dma_semaphore, #tpu.memory_space<semaphore_mem>>)
    %dma_start3A_19 = arith.constant 8 : i32
    %dma_start3A_20 = tpu.memref_slice %arg6[%dma_start3A_19] : memref<512xi32, #tpu.memory_space<vmem>> -> memref<8xi32, #tpu.memory_space<vmem>>
    %dma_start3A_21 = arith.constant 0 : i32
    %dma_start3A_22 = arith.constant 0 : i32
    %dma_start3A_23 = tpu.memref_slice %arg4[%dma_start3A_21, %dma_start3A_22] : memref<2048x1024xi32, #tpu.memory_space<hbm>> -> memref<2048x1024xi32, #tpu.memory_space<hbm>>
    tpu.enqueue_indirect_dma source(%dma_start3A_23 : memref<2048x1024xi32, #tpu.memory_space<hbm>>) target(%arg12 : memref<8x1024xi32, #tpu.memory_space<vmem>>) offsets(%dma_start3A_20 : memref<8xi32, #tpu.memory_space<vmem>>) semaphore(%arg21 : memref<!tpu.dma_semaphore, #tpu.memory_space<semaphore_mem>>)
    %add3A_24 = arith.constant 16 : i32
    %add3A_25 = arith.addi %mul3A_2, %add3A_24 : i32
    %dma_start3A_26 = arith.constant 0 : i32
    %dma_start3A_27 = tpu.memref_slice %arg2[%add3A_25, %dma_start3A_26] : memref<16384x2048xf32, #tpu.memory_space<hbm>> -> memref<8x2048xf32, #tpu.memory_space<hbm>>
    %dma_start3A_28 = arith.constant 0 : i32
    %dma_start3A_29 = tpu.memref_slice %arg2[%add3A_25, %dma_start3A_28] : memref<16384x2048xf32, #tpu.memory_space<hbm>> -> memref<8x2048xf32, #tpu.memory_space<hbm>>
    tpu.enqueue_dma source(%dma_start3A_29 : memref<8x2048xf32, #tpu.memory_space<hbm>>) target(%arg9 : memref<8x2048xf32, #tpu.memory_space<vmem>>) target_semaphore(%arg18 : memref<!tpu.dma_semaphore, #tpu.memory_space<semaphore_mem>>)
    %dma_start3A_30 = arith.constant 16 : i32
    %dma_start3A_31 = tpu.memref_slice %arg6[%dma_start3A_30] : memref<512xi32, #tpu.memory_space<vmem>> -> memref<8xi32, #tpu.memory_space<vmem>>
    %dma_start3A_32 = arith.constant 0 : i32
    %dma_start3A_33 = arith.constant 0 : i32
    %dma_start3A_34 = tpu.memref_slice %arg4[%dma_start3A_32, %dma_start3A_33] : memref<2048x1024xi32, #tpu.memory_space<hbm>> -> memref<2048x1024xi32, #tpu.memory_space<hbm>>
    tpu.enqueue_indirect_dma source(%dma_start3A_34 : memref<2048x1024xi32, #tpu.memory_space<hbm>>) target(%arg13 : memref<8x1024xi32, #tpu.memory_space<vmem>>) offsets(%dma_start3A_31 : memref<8xi32, #tpu.memory_space<vmem>>) semaphore(%arg22 : memref<!tpu.dma_semaphore, #tpu.memory_space<semaphore_mem>>)
    %add3A_35 = arith.constant 24 : i32
    %add3A_36 = arith.addi %mul3A_2, %add3A_35 : i32
    %dma_start3A_37 = arith.constant 0 : i32
    %dma_start3A_38 = tpu.memref_slice %arg2[%add3A_36, %dma_start3A_37] : memref<16384x2048xf32, #tpu.memory_space<hbm>> -> memref<8x2048xf32, #tpu.memory_space<hbm>>
    %dma_start3A_39 = arith.constant 0 : i32
    %dma_start3A_40 = tpu.memref_slice %arg2[%add3A_36, %dma_start3A_39] : memref<16384x2048xf32, #tpu.memory_space<hbm>> -> memref<8x2048xf32, #tpu.memory_space<hbm>>
    tpu.enqueue_dma source(%dma_start3A_40 : memref<8x2048xf32, #tpu.memory_space<hbm>>) target(%arg10 : memref<8x2048xf32, #tpu.memory_space<vmem>>) target_semaphore(%arg19 : memref<!tpu.dma_semaphore, #tpu.memory_space<semaphore_mem>>)
    %dma_start3A_41 = arith.constant 24 : i32
    %dma_start3A_42 = tpu.memref_slice %arg6[%dma_start3A_41] : memref<512xi32, #tpu.memory_space<vmem>> -> memref<8xi32, #tpu.memory_space<vmem>>
    %dma_start3A_43 = arith.constant 0 : i32
    %dma_start3A_44 = arith.constant 0 : i32
    %dma_start3A_45 = tpu.memref_slice %arg4[%dma_start3A_43, %dma_start3A_44] : memref<2048x1024xi32, #tpu.memory_space<hbm>> -> memref<2048x1024xi32, #tpu.memory_space<hbm>>
    tpu.enqueue_indirect_dma source(%dma_start3A_45 : memref<2048x1024xi32, #tpu.memory_space<hbm>>) target(%arg14 : memref<8x1024xi32, #tpu.memory_space<vmem>>) offsets(%dma_start3A_42 : memref<8xi32, #tpu.memory_space<vmem>>) semaphore(%arg23 : memref<!tpu.dma_semaphore, #tpu.memory_space<semaphore_mem>>)
    %broadcast_in_dim3A = arith.constant 0.000000e+00 : f32
    %broadcast_in_dim3A_46 = vector.broadcast %broadcast_in_dim3A : f32 to vector<16xf32>
    %broadcast_in_dim3A_47 = arith.constant 0.000000e+00 : f32
    %broadcast_in_dim3A_48 = vector.broadcast %broadcast_in_dim3A_47 : f32 to vector<16xf32>
    %broadcast_in_dim3A_49 = arith.constant 0.000000e+00 : f32
    %broadcast_in_dim3A_50 = vector.broadcast %broadcast_in_dim3A_49 : f32 to vector<16xf32>
    %broadcast_in_dim3A_51 = arith.constant 0.000000e+00 : f32
    %broadcast_in_dim3A_52 = vector.broadcast %broadcast_in_dim3A_51 : f32 to vector<16xf32>
    %broadcast_in_dim3A_53 = arith.constant 0.000000e+00 : f32
    %broadcast_in_dim3A_54 = vector.broadcast %broadcast_in_dim3A_53 : f32 to vector<16xf32>
    %broadcast_in_dim3A_55 = arith.constant 0.000000e+00 : f32
    %broadcast_in_dim3A_56 = vector.broadcast %broadcast_in_dim3A_55 : f32 to vector<16xf32>
    %broadcast_in_dim3A_57 = arith.constant 0.000000e+00 : f32
    %broadcast_in_dim3A_58 = vector.broadcast %broadcast_in_dim3A_57 : f32 to vector<16xf32>
    %broadcast_in_dim3A_59 = arith.constant 0.000000e+00 : f32
    %broadcast_in_dim3A_60 = vector.broadcast %broadcast_in_dim3A_59 : f32 to vector<16xf32>
    %scan3A = arith.constant 0 : i32
    %scan3A_61 = arith.constant 15 : i32
    %scan3A_62 = arith.addi %scan3A, %scan3A_61 : i32
    %scan3A_63 = arith.constant 1 : i32
    %scan3A_64:8 = scf.for %scan3A_141 = %scan3A to %scan3A_62 step %scan3A_63 iter_args(%scan3A_142 = %broadcast_in_dim3A_46, %scan3A_143 = %broadcast_in_dim3A_48, %scan3A_144 = %broadcast_in_dim3A_50, %scan3A_145 = %broadcast_in_dim3A_52, %scan3A_146 = %broadcast_in_dim3A_54, %scan3A_147 = %broadcast_in_dim3A_56, %scan3A_148 = %broadcast_in_dim3A_58, %scan3A_149 = %broadcast_in_dim3A_60) -> (vector<16xf32>, vector<16xf32>, vector<16xf32>, vector<16xf32>, vector<16xf32>, vector<16xf32>, vector<16xf32>, vector<16xf32>)  : i32 {
      %mul3A_150 = arith.constant 4 : i32
      %mul3A_151 = arith.muli %scan3A_141, %mul3A_150 : i32
      %add3A_152 = arith.constant 0 : i32
      %add3A_153 = arith.addi %mul3A_151, %add3A_152 : i32
      %dma_wait3A_154 = arith.constant 0 : i32
      %dma_wait3A_155 = arith.constant 0 : i32
      %dma_wait3A_156 = tpu.memref_slice %arg2[%dma_wait3A_154, %dma_wait3A_155] : memref<16384x2048xf32, #tpu.memory_space<hbm>> -> memref<8x2048xf32, #tpu.memory_space<hbm>>
      %dma_wait3A_157 = arith.constant 0 : i32
      %dma_wait3A_158 = arith.constant 0 : i32
      %dma_wait3A_159 = tpu.memref_slice %arg2[%dma_wait3A_157, %dma_wait3A_158] : memref<16384x2048xf32, #tpu.memory_space<hbm>> -> memref<8x2048xf32, #tpu.memory_space<hbm>>
      tpu.wait_dma2 semaphore(%arg16 : memref<!tpu.dma_semaphore, #tpu.memory_space<semaphore_mem>>) src(%dma_wait3A_159 : memref<8x2048xf32, #tpu.memory_space<hbm>>) dst(%arg7 : memref<8x2048xf32, #tpu.memory_space<vmem>>)
      %dma_wait3A_160 = arith.constant 0 : i32
      %dma_wait3A_161 = tpu.memref_slice %arg6[%dma_wait3A_160] : memref<512xi32, #tpu.memory_space<vmem>> -> memref<8xi32, #tpu.memory_space<vmem>>
      %dma_wait3A_162 = arith.constant 0 : i32
      %dma_wait3A_163 = arith.constant 0 : i32
      %dma_wait3A_164 = tpu.memref_slice %arg4[%dma_wait3A_162, %dma_wait3A_163] : memref<2048x1024xi32, #tpu.memory_space<hbm>> -> memref<2048x1024xi32, #tpu.memory_space<hbm>>
      tpu.wait_indirect_dma semaphore(%arg20 : memref<!tpu.dma_semaphore, #tpu.memory_space<semaphore_mem>>) src(%dma_wait3A_164 : memref<2048x1024xi32, #tpu.memory_space<hbm>>) dst(%arg11 : memref<8x1024xi32, #tpu.memory_space<vmem>>)
      %scan3A_165 = arith.constant 0 : i32
      %scan3A_166 = arith.constant 8 : i32
      %scan3A_167 = arith.addi %scan3A_165, %scan3A_166 : i32
      %scan3A_168 = arith.constant 1 : i32
      %scan3A_169:8 = scf.for %scan3A_294 = %scan3A_165 to %scan3A_167 step %scan3A_168 iter_args(%scan3A_295 = %scan3A_142, %scan3A_296 = %scan3A_143, %scan3A_297 = %scan3A_144, %scan3A_298 = %scan3A_145, %scan3A_299 = %scan3A_146, %scan3A_300 = %scan3A_147, %scan3A_301 = %scan3A_148, %scan3A_302 = %scan3A_149) -> (vector<16xf32>, vector<16xf32>, vector<16xf32>, vector<16xf32>, vector<16xf32>, vector<16xf32>, vector<16xf32>, vector<16xf32>)  : i32 {
        %scan3A_303 = arith.constant 0 : i32
        %scan3A_304 = arith.constant 8 : i32
        %scan3A_305 = arith.addi %scan3A_303, %scan3A_304 : i32
        %scan3A_306 = arith.constant 1 : i32
        %scan3A_307:8 = scf.for %scan3A_309 = %scan3A_303 to %scan3A_305 step %scan3A_306 iter_args(%scan3A_310 = %scan3A_295, %scan3A_311 = %scan3A_296, %scan3A_312 = %scan3A_297, %scan3A_313 = %scan3A_298, %scan3A_314 = %scan3A_299, %scan3A_315 = %scan3A_300, %scan3A_316 = %scan3A_301, %scan3A_317 = %scan3A_302) -> (vector<16xf32>, vector<16xf32>, vector<16xf32>, vector<16xf32>, vector<16xf32>, vector<16xf32>, vector<16xf32>, vector<16xf32>)  : i32 {
          %mul3A_318 = arith.constant 8 : i32
          %mul3A_319 = arith.muli %scan3A_309, %mul3A_318 : i32
          %add3A_320 = arith.constant 0 : i32
          %add3A_321 = arith.addi %mul3A_319, %add3A_320 : i32
          %mul3A_322 = arith.constant 16 : i32
          %mul3A_323 = arith.muli %add3A_321, %mul3A_322 : i32
          %get3A = arith.index_cast %scan3A_294 : i32 to index
          %get3A_324 = arith.index_cast %mul3A_323 : i32 to index
          %get3A_325 = tpu.vector_load %arg7[%get3A, %get3A_324] {strides = array<i32>} : memref<8x2048xf32, #tpu.memory_space<vmem>>, vector<16xf32>,
          %mul3A_326 = arith.constant 16 : i32
          %mul3A_327 = arith.muli %add3A_321, %mul3A_326 : i32
          %add3A_328 = arith.constant 1024 : i32
          %add3A_329 = arith.addi %add3A_328, %mul3A_327 : i32
          %get3A_330 = arith.index_cast %scan3A_294 : i32 to index
          %get3A_331 = arith.index_cast %add3A_329 : i32 to index
          %get3A_332 = tpu.vector_load %arg7[%get3A_330, %get3A_331] {strides = array<i32>} : memref<8x2048xf32, #tpu.memory_space<vmem>>, vector<16xf32>,
          %mul3A_333 = arith.constant 16 : i32
          %mul3A_334 = arith.muli %add3A_321, %mul3A_333 : i32
          %get3A_335 = arith.index_cast %scan3A_294 : i32 to index
          %get3A_336 = arith.index_cast %mul3A_334 : i32 to index
          %get3A_337 = tpu.vector_load %arg11[%get3A_335, %get3A_336] {strides = array<i32>} : memref<8x1024xi32, #tpu.memory_space<vmem>>, vector<16xi32>,
          %bitcast3A = vector.bitcast %get3A_337 : vector<16xi32> to vector<32xbf16>
          %unpack3A = tpu.unpack_subelements %bitcast3A, 0 {pack_format = #tpu.pack_format<interleaved>} : vector<32xbf16> -> vector<16xf32>
          %unpack3A_338 = tpu.unpack_subelements %bitcast3A, 1 {pack_format = #tpu.pack_format<interleaved>} : vector<32xbf16> -> vector<16xf32>
          %sub3A = arith.subf %get3A_325, %unpack3A : vector<16xf32>
          %sub3A_339 = arith.subf %get3A_332, %unpack3A_338 : vector<16xf32>
          %mul3A_340 = arith.mulf %sub3A, %sub3A : vector<16xf32>
          %add3A_341 = arith.addf %scan3A_310, %mul3A_340 : vector<16xf32>
          %mul3A_342 = arith.mulf %sub3A_339, %sub3A_339 : vector<16xf32>
          %add3A_343 = arith.addf %add3A_341, %mul3A_342 : vector<16xf32>
          %mul3A_344 = arith.constant 8 : i32
          %mul3A_345 = arith.muli %scan3A_309, %mul3A_344 : i32
          %add3A_346 = arith.constant 1 : i32
          %add3A_347 = arith.addi %mul3A_345, %add3A_346 : i32
          %mul3A_348 = arith.constant 16 : i32
          %mul3A_349 = arith.muli %add3A_347, %mul3A_348 : i32
          %get3A_350 = arith.index_cast %scan3A_294 : i32 to index
          %get3A_351 = arith.index_cast %mul3A_349 : i32 to index
          %get3A_352 = tpu.vector_load %arg7[%get3A_350, %get3A_351] {strides = array<i32>} : memref<8x2048xf32, #tpu.memory_space<vmem>>, vector<16xf32>,
          %mul3A_353 = arith.constant 16 : i32
          %mul3A_354 = arith.muli %add3A_347, %mul3A_353 : i32
          %add3A_355 = arith.constant 1024 : i32
          %add3A_356 = arith.addi %add3A_355, %mul3A_354 : i32
          %get3A_357 = arith.index_cast %scan3A_294 : i32 to index
          %get3A_358 = arith.index_cast %add3A_356 : i32 to index
          %get3A_359 = tpu.vector_load %arg7[%get3A_357, %get3A_358] {strides = array<i32>} : memref<8x2048xf32, #tpu.memory_space<vmem>>, vector<16xf32>,
          %mul3A_360 = arith.constant 16 : i32
          %mul3A_361 = arith.muli %add3A_347, %mul3A_360 : i32
          %get3A_362 = arith.index_cast %scan3A_294 : i32 to index
          %get3A_363 = arith.index_cast %mul3A_361 : i32 to index
          %get3A_364 = tpu.vector_load %arg11[%get3A_362, %get3A_363] {strides = array<i32>} : memref<8x1024xi32, #tpu.memory_space<vmem>>, vector<16xi32>,
          %bitcast3A_365 = vector.bitcast %get3A_364 : vector<16xi32> to vector<32xbf16>
          %unpack3A_366 = tpu.unpack_subelements %bitcast3A_365, 0 {pack_format = #tpu.pack_format<interleaved>} : vector<32xbf16> -> vector<16xf32>
          %unpack3A_367 = tpu.unpack_subelements %bitcast3A_365, 1 {pack_format = #tpu.pack_format<interleaved>} : vector<32xbf16> -> vector<16xf32>
          %sub3A_368 = arith.subf %get3A_352, %unpack3A_366 : vector<16xf32>
          %sub3A_369 = arith.subf %get3A_359, %unpack3A_367 : vector<16xf32>
          %mul3A_370 = arith.mulf %sub3A_368, %sub3A_368 : vector<16xf32>
          %add3A_371 = arith.addf %scan3A_311, %mul3A_370 : vector<16xf32>
          %mul3A_372 = arith.mulf %sub3A_369, %sub3A_369 : vector<16xf32>
          %add3A_373 = arith.addf %add3A_371, %mul3A_372 : vector<16xf32>
          %mul3A_374 = arith.constant 8 : i32
          %mul3A_375 = arith.muli %scan3A_309, %mul3A_374 : i32
          %add3A_376 = arith.constant 2 : i32
          %add3A_377 = arith.addi %mul3A_375, %add3A_376 : i32
          %mul3A_378 = arith.constant 16 : i32
          %mul3A_379 = arith.muli %add3A_377, %mul3A_378 : i32
          %get3A_380 = arith.index_cast %scan3A_294 : i32 to index
          %get3A_381 = arith.index_cast %mul3A_379 : i32 to index
          %get3A_382 = tpu.vector_load %arg7[%get3A_380, %get3A_381] {strides = array<i32>} : memref<8x2048xf32, #tpu.memory_space<vmem>>, vector<16xf32>,
          %mul3A_383 = arith.constant 16 : i32
          %mul3A_384 = arith.muli %add3A_377, %mul3A_383 : i32
          %add3A_385 = arith.constant 1024 : i32
          %add3A_386 = arith.addi %add3A_385, %mul3A_384 : i32
          %get3A_387 = arith.index_cast %scan3A_294 : i32 to index
          %get3A_388 = arith.index_cast %add3A_386 : i32 to index
          %get3A_389 = tpu.vector_load %arg7[%get3A_387, %get3A_388] {strides = array<i32>} : memref<8x2048xf32, #tpu.memory_space<vmem>>, vector<16xf32>,
          %mul3A_390 = arith.constant 16 : i32
          %mul3A_391 = arith.muli %add3A_377, %mul3A_390 : i32
          %get3A_392 = arith.index_cast %scan3A_294 : i32 to index
          %get3A_393 = arith.index_cast %mul3A_391 : i32 to index
          %get3A_394 = tpu.vector_load %arg11[%get3A_392, %get3A_393] {strides = array<i32>} : memref<8x1024xi32, #tpu.memory_space<vmem>>, vector<16xi32>,
          %bitcast3A_395 = vector.bitcast %get3A_394 : vector<16xi32> to vector<32xbf16>
          %unpack3A_396 = tpu.unpack_subelements %bitcast3A_395, 0 {pack_format = #tpu.pack_format<interleaved>} : vector<32xbf16> -> vector<16xf32>
          %unpack3A_397 = tpu.unpack_subelements %bitcast3A_395, 1 {pack_format = #tpu.pack_format<interleaved>} : vector<32xbf16> -> vector<16xf32>
          %sub3A_398 = arith.subf %get3A_382, %unpack3A_396 : vector<16xf32>
          %sub3A_399 = arith.subf %get3A_389, %unpack3A_397 : vector<16xf32>
          %mul3A_400 = arith.mulf %sub3A_398, %sub3A_398 : vector<16xf32>
          %add3A_401 = arith.addf %scan3A_312, %mul3A_400 : vector<16xf32>
          %mul3A_402 = arith.mulf %sub3A_399, %sub3A_399 : vector<16xf32>
          %add3A_403 = arith.addf %add3A_401, %mul3A_402 : vector<16xf32>
          %mul3A_404 = arith.constant 8 : i32
          %mul3A_405 = arith.muli %scan3A_309, %mul3A_404 : i32
          %add3A_406 = arith.constant 3 : i32
          %add3A_407 = arith.addi %mul3A_405, %add3A_406 : i32
          %mul3A_408 = arith.constant 16 : i32
          %mul3A_409 = arith.muli %add3A_407, %mul3A_408 : i32
          %get3A_410 = arith.index_cast %scan3A_294 : i32 to index
          %get3A_411 = arith.index_cast %mul3A_409 : i32 to index
          %get3A_412 = tpu.vector_load %arg7[%get3A_410, %get3A_411] {strides = array<i32>} : memref<8x2048xf32, #tpu.memory_space<vmem>>, vector<16xf32>,
          %mul3A_413 = arith.constant 16 : i32
          %mul3A_414 = arith.muli %add3A_407, %mul3A_413 : i32
          %add3A_415 = arith.constant 1024 : i32
          %add3A_416 = arith.addi %add3A_415, %mul3A_414 : i32
          %get3A_417 = arith.index_cast %scan3A_294 : i32 to index
          %get3A_418 = arith.index_cast %add3A_416 : i32 to index
          %get3A_419 = tpu.vector_load %arg7[%get3A_417, %get3A_418] {strides = array<i32>} : memref<8x2048xf32, #tpu.memory_space<vmem>>, vector<16xf32>,
          %mul3A_420 = arith.constant 16 : i32
          %mul3A_421 = arith.muli %add3A_407, %mul3A_420 : i32
          %get3A_422 = arith.index_cast %scan3A_294 : i32 to index
          %get3A_423 = arith.index_cast %mul3A_421 : i32 to index
          %get3A_424 = tpu.vector_load %arg11[%get3A_422, %get3A_423] {strides = array<i32>} : memref<8x1024xi32, #tpu.memory_space<vmem>>, vector<16xi32>,
          %bitcast3A_425 = vector.bitcast %get3A_424 : vector<16xi32> to vector<32xbf16>
          %unpack3A_426 = tpu.unpack_subelements %bitcast3A_425, 0 {pack_format = #tpu.pack_format<interleaved>} : vector<32xbf16> -> vector<16xf32>
          %unpack3A_427 = tpu.unpack_subelements %bitcast3A_425, 1 {pack_format = #tpu.pack_format<interleaved>} : vector<32xbf16> -> vector<16xf32>
          %sub3A_428 = arith.subf %get3A_412, %unpack3A_426 : vector<16xf32>
          %sub3A_429 = arith.subf %get3A_419, %unpack3A_427 : vector<16xf32>
          %mul3A_430 = arith.mulf %sub3A_428, %sub3A_428 : vector<16xf32>
          %add3A_431 = arith.addf %scan3A_313, %mul3A_430 : vector<16xf32>
          %mul3A_432 = arith.mulf %sub3A_429, %sub3A_429 : vector<16xf32>
          %add3A_433 = arith.addf %add3A_431, %mul3A_432 : vector<16xf32>
          %mul3A_434 = arith.constant 8 : i32
          %mul3A_435 = arith.muli %scan3A_309, %mul3A_434 : i32
          %add3A_436 = arith.constant 4 : i32
          %add3A_437 = arith.addi %mul3A_435, %add3A_436 : i32
          %mul3A_438 = arith.constant 16 : i32
          %mul3A_439 = arith.muli %add3A_437, %mul3A_438 : i32
          %get3A_440 = arith.index_cast %scan3A_294 : i32 to index
          %get3A_441 = arith.index_cast %mul3A_439 : i32 to index
          %get3A_442 = tpu.vector_load %arg7[%get3A_440, %get3A_441] {strides = array<i32>} : memref<8x2048xf32, #tpu.memory_space<vmem>>, vector<16xf32>,
          %mul3A_443 = arith.constant 16 : i32
          %mul3A_444 = arith.muli %add3A_437, %mul3A_443 : i32
          %add3A_445 = arith.constant 1024 : i32
          %add3A_446 = arith.addi %add3A_445, %mul3A_444 : i32
          %get3A_447 = arith.index_cast %scan3A_294 : i32 to index
          %get3A_448 = arith.index_cast %add3A_446 : i32 to index
          %get3A_449 = tpu.vector_load %arg7[%get3A_447, %get3A_448] {strides = array<i32>} : memref<8x2048xf32, #tpu.memory_space<vmem>>, vector<16xf32>,
          %mul3A_450 = arith.constant 16 : i32
          %mul3A_451 = arith.muli %add3A_437, %mul3A_450 : i32
          %get3A_452 = arith.index_cast %scan3A_294 : i32 to index
          %get3A_453 = arith.index_cast %mul3A_451 : i32 to index
          %get3A_454 = tpu.vector_load %arg11[%get3A_452, %get3A_453] {strides = array<i32>} : memref<8x1024xi32, #tpu.memory_space<vmem>>, vector<16xi32>,
          %bitcast3A_455 = vector.bitcast %get3A_454 : vector<16xi32> to vector<32xbf16>
          %unpack3A_456 = tpu.unpack_subelements %bitcast3A_455, 0 {pack_format = #tpu.pack_format<interleaved>} : vector<32xbf16> -> vector<16xf32>
          %unpack3A_457 = tpu.unpack_subelements %bitcast3A_455, 1 {pack_format = #tpu.pack_format<interleaved>} : vector<32xbf16> -> vector<16xf32>
          %sub3A_458 = arith.subf %get3A_442, %unpack3A_456 : vector<16xf32>
          %sub3A_459 = arith.subf %get3A_449, %unpack3A_457 : vector<16xf32>
          %mul3A_460 = arith.mulf %sub3A_458, %sub3A_458 : vector<16xf32>
          %add3A_461 = arith.addf %scan3A_314, %mul3A_460 : vector<16xf32>
          %mul3A_462 = arith.mulf %sub3A_459, %sub3A_459 : vector<16xf32>
          %add3A_463 = arith.addf %add3A_461, %mul3A_462 : vector<16xf32>
          %mul3A_464 = arith.constant 8 : i32
          %mul3A_465 = arith.muli %scan3A_309, %mul3A_464 : i32
          %add3A_466 = arith.constant 5 : i32
          %add3A_467 = arith.addi %mul3A_465, %add3A_466 : i32
          %mul3A_468 = arith.constant 16 : i32
          %mul3A_469 = arith.muli %add3A_467, %mul3A_468 : i32
          %get3A_470 = arith.index_cast %scan3A_294 : i32 to index
          %get3A_471 = arith.index_cast %mul3A_469 : i32 to index
          %get3A_472 = tpu.vector_load %arg7[%get3A_470, %get3A_471] {strides = array<i32>} : memref<8x2048xf32, #tpu.memory_space<vmem>>, vector<16xf32>,
          %mul3A_473 = arith.constant 16 : i32
          %mul3A_474 = arith.muli %add3A_467, %mul3A_473 : i32
          %add3A_475 = arith.constant 1024 : i32
          %add3A_476 = arith.addi %add3A_475, %mul3A_474 : i32
          %get3A_477 = arith.index_cast %scan3A_294 : i32 to index
          %get3A_478 = arith.index_cast %add3A_476 : i32 to index
          %get3A_479 = tpu.vector_load %arg7[%get3A_477, %get3A_478] {strides = array<i32>} : memref<8x2048xf32, #tpu.memory_space<vmem>>, vector<16xf32>,
          %mul3A_480 = arith.constant 16 : i32
          %mul3A_481 = arith.muli %add3A_467, %mul3A_480 : i32
          %get3A_482 = arith.index_cast %scan3A_294 : i32 to index
          %get3A_483 = arith.index_cast %mul3A_481 : i32 to index
          %get3A_484 = tpu.vector_load %arg11[%get3A_482, %get3A_483] {strides = array<i32>} : memref<8x1024xi32, #tpu.memory_space<vmem>>, vector<16xi32>,
          %bitcast3A_485 = vector.bitcast %get3A_484 : vector<16xi32> to vector<32xbf16>
          %unpack3A_486 = tpu.unpack_subelements %bitcast3A_485, 0 {pack_format = #tpu.pack_format<interleaved>} : vector<32xbf16> -> vector<16xf32>
          %unpack3A_487 = tpu.unpack_subelements %bitcast3A_485, 1 {pack_format = #tpu.pack_format<interleaved>} : vector<32xbf16> -> vector<16xf32>
          %sub3A_488 = arith.subf %get3A_472, %unpack3A_486 : vector<16xf32>
          %sub3A_489 = arith.subf %get3A_479, %unpack3A_487 : vector<16xf32>
          %mul3A_490 = arith.mulf %sub3A_488, %sub3A_488 : vector<16xf32>
          %add3A_491 = arith.addf %scan3A_315, %mul3A_490 : vector<16xf32>
          %mul3A_492 = arith.mulf %sub3A_489, %sub3A_489 : vector<16xf32>
          %add3A_493 = arith.addf %add3A_491, %mul3A_492 : vector<16xf32>
          %mul3A_494 = arith.constant 8 : i32
          %mul3A_495 = arith.muli %scan3A_309, %mul3A_494 : i32
          %add3A_496 = arith.constant 6 : i32
          %add3A_497 = arith.addi %mul3A_495, %add3A_496 : i32
          %mul3A_498 = arith.constant 16 : i32
          %mul3A_499 = arith.muli %add3A_497, %mul3A_498 : i32
          %get3A_500 = arith.index_cast %scan3A_294 : i32 to index
          %get3A_501 = arith.index_cast %mul3A_499 : i32 to index
          %get3A_502 = tpu.vector_load %arg7[%get3A_500, %get3A_501] {strides = array<i32>} : memref<8x2048xf32, #tpu.memory_space<vmem>>, vector<16xf32>,
          %mul3A_503 = arith.constant 16 : i32
          %mul3A_504 = arith.muli %add3A_497, %mul3A_503 : i32
          %add3A_505 = arith.constant 1024 : i32
          %add3A_506 = arith.addi %add3A_505, %mul3A_504 : i32
          %get3A_507 = arith.index_cast %scan3A_294 : i32 to index
          %get3A_508 = arith.index_cast %add3A_506 : i32 to index
          %get3A_509 = tpu.vector_load %arg7[%get3A_507, %get3A_508] {strides = array<i32>} : memref<8x2048xf32, #tpu.memory_space<vmem>>, vector<16xf32>,
          %mul3A_510 = arith.constant 16 : i32
          %mul3A_511 = arith.muli %add3A_497, %mul3A_510 : i32
          %get3A_512 = arith.index_cast %scan3A_294 : i32 to index
          %get3A_513 = arith.index_cast %mul3A_511 : i32 to index
          %get3A_514 = tpu.vector_load %arg11[%get3A_512, %get3A_513] {strides = array<i32>} : memref<8x1024xi32, #tpu.memory_space<vmem>>, vector<16xi32>,
          %bitcast3A_515 = vector.bitcast %get3A_514 : vector<16xi32> to vector<32xbf16>
          %unpack3A_516 = tpu.unpack_subelements %bitcast3A_515, 0 {pack_format = #tpu.pack_format<interleaved>} : vector<32xbf16> -> vector<16xf32>
          %unpack3A_517 = tpu.unpack_subelements %bitcast3A_515, 1 {pack_format = #tpu.pack_format<interleaved>} : vector<32xbf16> -> vector<16xf32>
          %sub3A_518 = arith.subf %get3A_502, %unpack3A_516 : vector<16xf32>
          %sub3A_519 = arith.subf %get3A_509, %unpack3A_517 : vector<16xf32>
          %mul3A_520 = arith.mulf %sub3A_518, %sub3A_518 : vector<16xf32>
          %add3A_521 = arith.addf %scan3A_316, %mul3A_520 : vector<16xf32>
          %mul3A_522 = arith.mulf %sub3A_519, %sub3A_519 : vector<16xf32>
          %add3A_523 = arith.addf %add3A_521, %mul3A_522 : vector<16xf32>
          %mul3A_524 = arith.constant 8 : i32
          %mul3A_525 = arith.muli %scan3A_309, %mul3A_524 : i32
          %add3A_526 = arith.constant 7 : i32
          %add3A_527 = arith.addi %mul3A_525, %add3A_526 : i32
          %mul3A_528 = arith.constant 16 : i32
          %mul3A_529 = arith.muli %add3A_527, %mul3A_528 : i32
          %get3A_530 = arith.index_cast %scan3A_294 : i32 to index
          %get3A_531 = arith.index_cast %mul3A_529 : i32 to index
          %get3A_532 = tpu.vector_load %arg7[%get3A_530, %get3A_531] {strides = array<i32>} : memref<8x2048xf32, #tpu.memory_space<vmem>>, vector<16xf32>,
          %mul3A_533 = arith.constant 16 : i32
          %mul3A_534 = arith.muli %add3A_527, %mul3A_533 : i32
          %add3A_535 = arith.constant 1024 : i32
          %add3A_536 = arith.addi %add3A_535, %mul3A_534 : i32
          %get3A_537 = arith.index_cast %scan3A_294 : i32 to index
          %get3A_538 = arith.index_cast %add3A_536 : i32 to index
          %get3A_539 = tpu.vector_load %arg7[%get3A_537, %get3A_538] {strides = array<i32>} : memref<8x2048xf32, #tpu.memory_space<vmem>>, vector<16xf32>,
          %mul3A_540 = arith.constant 16 : i32
          %mul3A_541 = arith.muli %add3A_527, %mul3A_540 : i32
          %get3A_542 = arith.index_cast %scan3A_294 : i32 to index
          %get3A_543 = arith.index_cast %mul3A_541 : i32 to index
          %get3A_544 = tpu.vector_load %arg11[%get3A_542, %get3A_543] {strides = array<i32>} : memref<8x1024xi32, #tpu.memory_space<vmem>>, vector<16xi32>,
          %bitcast3A_545 = vector.bitcast %get3A_544 : vector<16xi32> to vector<32xbf16>
          %unpack3A_546 = tpu.unpack_subelements %bitcast3A_545, 0 {pack_format = #tpu.pack_format<interleaved>} : vector<32xbf16> -> vector<16xf32>
          %unpack3A_547 = tpu.unpack_subelements %bitcast3A_545, 1 {pack_format = #tpu.pack_format<interleaved>} : vector<32xbf16> -> vector<16xf32>
          %sub3A_548 = arith.subf %get3A_532, %unpack3A_546 : vector<16xf32>
          %sub3A_549 = arith.subf %get3A_539, %unpack3A_547 : vector<16xf32>
          %mul3A_550 = arith.mulf %sub3A_548, %sub3A_548 : vector<16xf32>
          %add3A_551 = arith.addf %scan3A_317, %mul3A_550 : vector<16xf32>
          %mul3A_552 = arith.mulf %sub3A_549, %sub3A_549 : vector<16xf32>
          %add3A_553 = arith.addf %add3A_551, %mul3A_552 : vector<16xf32>
          scf.yield %add3A_343, %add3A_373, %add3A_403, %add3A_433, %add3A_463, %add3A_493, %add3A_523, %add3A_553 : vector<16xf32>, vector<16xf32>, vector<16xf32>, vector<16xf32>, vector<16xf32>, vector<16xf32>, vector<16xf32>, vector<16xf32>
        }
        %scan3A_308 = arith.constant 8 : i32
        scf.yield %scan3A_307#0, %scan3A_307#1, %scan3A_307#2, %scan3A_307#3, %scan3A_307#4, %scan3A_307#5, %scan3A_307#6, %scan3A_307#7 : vector<16xf32>, vector<16xf32>, vector<16xf32>, vector<16xf32>, vector<16xf32>, vector<16xf32>, vector<16xf32>, vector<16xf32>
      }
      %scan3A_170 = arith.constant 8 : i32
      %add3A_171 = arith.constant 4 : i32
      %add3A_172 = arith.addi %add3A_153, %add3A_171 : i32
      %mul3A_173 = arith.constant 8 : i32
      %mul3A_174 = arith.muli %add3A_172, %mul3A_173 : i32
      %add3A_175 = arith.addi %mul3A_2, %mul3A_174 : i32
      %dma_start3A_176 = arith.constant 0 : i32
      %dma_start3A_177 = tpu.memref_slice %arg2[%add3A_175, %dma_start3A_176] : memref<16384x2048xf32, #tpu.memory_space<hbm>> -> memref<8x2048xf32, #tpu.memory_space<hbm>>
      %dma_start3A_178 = arith.constant 0 : i32
      %dma_start3A_179 = tpu.memref_slice %arg2[%add3A_175, %dma_start3A_178] : memref<16384x2048xf32, #tpu.memory_space<hbm>> -> memref<8x2048xf32, #tpu.memory_space<hbm>>
      tpu.enqueue_dma source(%dma_start3A_179 : memref<8x2048xf32, #tpu.memory_space<hbm>>) target(%arg7 : memref<8x2048xf32, #tpu.memory_space<vmem>>) target_semaphore(%arg16 : memref<!tpu.dma_semaphore, #tpu.memory_space<semaphore_mem>>)
      %mul3A_180 = arith.constant 8 : i32
      %mul3A_181 = arith.muli %add3A_172, %mul3A_180 : i32
      %dma_start3A_182 = tpu.memref_slice %arg6[%mul3A_181] : memref<512xi32, #tpu.memory_space<vmem>> -> memref<8xi32, #tpu.memory_space<vmem>>
      %dma_start3A_183 = arith.constant 0 : i32
      %dma_start3A_184 = arith.constant 0 : i32
      %dma_start3A_185 = tpu.memref_slice %arg4[%dma_start3A_183, %dma_start3A_184] : memref<2048x1024xi32, #tpu.memory_space<hbm>> -> memref<2048x1024xi32, #tpu.memory_space<hbm>>
      tpu.enqueue_indirect_dma source(%dma_start3A_185 : memref<2048x1024xi32, #tpu.memory_space<hbm>>) target(%arg11 : memref<8x1024xi32, #tpu.memory_space<vmem>>) offsets(%dma_start3A_182 : memref<8xi32, #tpu.memory_space<vmem>>) semaphore(%arg20 : memref<!tpu.dma_semaphore, #tpu.memory_space<semaphore_mem>>)
      %mul3A_186 = arith.constant 4 : i32
      %mul3A_187 = arith.muli %scan3A_141, %mul3A_186 : i32
      %add3A_188 = arith.constant 1 : i32
      %add3A_189 = arith.addi %mul3A_187, %add3A_188 : i32
      %dma_wait3A_190 = arith.constant 0 : i32
      %dma_wait3A_191 = arith.constant 0 : i32
      %dma_wait3A_192 = tpu.memref_slice %arg2[%dma_wait3A_190, %dma_wait3A_191] : memref<16384x2048xf32, #tpu.memory_space<hbm>> -> memref<8x2048xf32, #tpu.memory_space<hbm>>
      %dma_wait3A_193 = arith.constant 0 : i32
      %dma_wait3A_194 = arith.constant 0 : i32
      %dma_wait3A_195 = tpu.memref_slice %arg2[%dma_wait3A_193, %dma_wait3A_194] : memref<16384x2048xf32, #tpu.memory_space<hbm>> -> memref<8x2048xf32, #tpu.memory_space<hbm>>
      tpu.wait_dma2 semaphore(%arg17 : memref<!tpu.dma_semaphore, #tpu.memory_space<semaphore_mem>>) src(%dma_wait3A_195 : memref<8x2048xf32, #tpu.memory_space<hbm>>) dst(%arg8 : memref<8x2048xf32, #tpu.memory_space<vmem>>)
      %dma_wait3A_196 = arith.constant 0 : i32
      %dma_wait3A_197 = tpu.memref_slice %arg6[%dma_wait3A_196] : memref<512xi32, #tpu.memory_space<vmem>> -> memref<8xi32, #tpu.memory_space<vmem>>
      %dma_wait3A_198 = arith.constant 0 : i32
      %dma_wait3A_199 = arith.constant 0 : i32
      %dma_wait3A_200 = tpu.memref_slice %arg4[%dma_wait3A_198, %dma_wait3A_199] : memref<2048x1024xi32, #tpu.memory_space<hbm>> -> memref<2048x1024xi32, #tpu.memory_space<hbm>>
      tpu.wait_indirect_dma semaphore(%arg21 : memref<!tpu.dma_semaphore, #tpu.memory_space<semaphore_mem>>) src(%dma_wait3A_200 : memref<2048x1024xi32, #tpu.memory_space<hbm>>) dst(%arg12 : memref<8x1024xi32, #tpu.memory_space<vmem>>)
      %scan3A_201 = arith.constant 0 : i32
      %scan3A_202 = arith.constant 8 : i32
      %scan3A_203 = arith.addi %scan3A_201, %scan3A_202 : i32
      %scan3A_204 = arith.constant 1 : i32
      %scan3A_205:8 = scf.for %scan3A_294 = %scan3A_201 to %scan3A_203 step %scan3A_204 iter_args(%scan3A_295 = %scan3A_169#0, %scan3A_296 = %scan3A_169#1, %scan3A_297 = %scan3A_169#2, %scan3A_298 = %scan3A_169#3, %scan3A_299 = %scan3A_169#4, %scan3A_300 = %scan3A_169#5, %scan3A_301 = %scan3A_169#6, %scan3A_302 = %scan3A_169#7) -> (vector<16xf32>, vector<16xf32>, vector<16xf32>, vector<16xf32>, vector<16xf32>, vector<16xf32>, vector<16xf32>, vector<16xf32>)  : i32 {
        %scan3A_303 = arith.constant 0 : i32
        %scan3A_304 = arith.constant 8 : i32
        %scan3A_305 = arith.addi %scan3A_303, %scan3A_304 : i32
        %scan3A_306 = arith.constant 1 : i32
        %scan3A_307:8 = scf.for %scan3A_309 = %scan3A_303 to %scan3A_305 step %scan3A_306 iter_args(%scan3A_310 = %scan3A_295, %scan3A_311 = %scan3A_296, %scan3A_312 = %scan3A_297, %scan3A_313 = %scan3A_298, %scan3A_314 = %scan3A_299, %scan3A_315 = %scan3A_300, %scan3A_316 = %scan3A_301, %scan3A_317 = %scan3A_302) -> (vector<16xf32>, vector<16xf32>, vector<16xf32>, vector<16xf32>, vector<16xf32>, vector<16xf32>, vector<16xf32>, vector<16xf32>)  : i32 {
          %mul3A_318 = arith.constant 8 : i32
          %mul3A_319 = arith.muli %scan3A_309, %mul3A_318 : i32
          %add3A_320 = arith.constant 0 : i32
          %add3A_321 = arith.addi %mul3A_319, %add3A_320 : i32
          %mul3A_322 = arith.constant 16 : i32
          %mul3A_323 = arith.muli %add3A_321, %mul3A_322 : i32
          %get3A = arith.index_cast %scan3A_294 : i32 to index
          %get3A_324 = arith.index_cast %mul3A_323 : i32 to index
          %get3A_325 = tpu.vector_load %arg8[%get3A, %get3A_324] {strides = array<i32>} : memref<8x2048xf32, #tpu.memory_space<vmem>>, vector<16xf32>,
          %mul3A_326 = arith.constant 16 : i32
          %mul3A_327 = arith.muli %add3A_321, %mul3A_326 : i32
          %add3A_328 = arith.constant 1024 : i32
          %add3A_329 = arith.addi %add3A_328, %mul3A_327 : i32
          %get3A_330 = arith.index_cast %scan3A_294 : i32 to index
          %get3A_331 = arith.index_cast %add3A_329 : i32 to index
          %get3A_332 = tpu.vector_load %arg8[%get3A_330, %get3A_331] {strides = array<i32>} : memref<8x2048xf32, #tpu.memory_space<vmem>>, vector<16xf32>,
          %mul3A_333 = arith.constant 16 : i32
          %mul3A_334 = arith.muli %add3A_321, %mul3A_333 : i32
          %get3A_335 = arith.index_cast %scan3A_294 : i32 to index
          %get3A_336 = arith.index_cast %mul3A_334 : i32 to index
          %get3A_337 = tpu.vector_load %arg12[%get3A_335, %get3A_336] {strides = array<i32>} : memref<8x1024xi32, #tpu.memory_space<vmem>>, vector<16xi32>,
          %bitcast3A = vector.bitcast %get3A_337 : vector<16xi32> to vector<32xbf16>
          %unpack3A = tpu.unpack_subelements %bitcast3A, 0 {pack_format = #tpu.pack_format<interleaved>} : vector<32xbf16> -> vector<16xf32>
          %unpack3A_338 = tpu.unpack_subelements %bitcast3A, 1 {pack_format = #tpu.pack_format<interleaved>} : vector<32xbf16> -> vector<16xf32>
          %sub3A = arith.subf %get3A_325, %unpack3A : vector<16xf32>
          %sub3A_339 = arith.subf %get3A_332, %unpack3A_338 : vector<16xf32>
          %mul3A_340 = arith.mulf %sub3A, %sub3A : vector<16xf32>
          %add3A_341 = arith.addf %scan3A_310, %mul3A_340 : vector<16xf32>
          %mul3A_342 = arith.mulf %sub3A_339, %sub3A_339 : vector<16xf32>
          %add3A_343 = arith.addf %add3A_341, %mul3A_342 : vector<16xf32>
          %mul3A_344 = arith.constant 8 : i32
          %mul3A_345 = arith.muli %scan3A_309, %mul3A_344 : i32
          %add3A_346 = arith.constant 1 : i32
          %add3A_347 = arith.addi %mul3A_345, %add3A_346 : i32
          %mul3A_348 = arith.constant 16 : i32
          %mul3A_349 = arith.muli %add3A_347, %mul3A_348 : i32
          %get3A_350 = arith.index_cast %scan3A_294 : i32 to index
          %get3A_351 = arith.index_cast %mul3A_349 : i32 to index
          %get3A_352 = tpu.vector_load %arg8[%get3A_350, %get3A_351] {strides = array<i32>} : memref<8x2048xf32, #tpu.memory_space<vmem>>, vector<16xf32>,
          %mul3A_353 = arith.constant 16 : i32
          %mul3A_354 = arith.muli %add3A_347, %mul3A_353 : i32
          %add3A_355 = arith.constant 1024 : i32
          %add3A_356 = arith.addi %add3A_355, %mul3A_354 : i32
          %get3A_357 = arith.index_cast %scan3A_294 : i32 to index
          %get3A_358 = arith.index_cast %add3A_356 : i32 to index
          %get3A_359 = tpu.vector_load %arg8[%get3A_357, %get3A_358] {strides = array<i32>} : memref<8x2048xf32, #tpu.memory_space<vmem>>, vector<16xf32>,
          %mul3A_360 = arith.constant 16 : i32
          %mul3A_361 = arith.muli %add3A_347, %mul3A_360 : i32
          %get3A_362 = arith.index_cast %scan3A_294 : i32 to index
          %get3A_363 = arith.index_cast %mul3A_361 : i32 to index
          %get3A_364 = tpu.vector_load %arg12[%get3A_362, %get3A_363] {strides = array<i32>} : memref<8x1024xi32, #tpu.memory_space<vmem>>, vector<16xi32>,
          %bitcast3A_365 = vector.bitcast %get3A_364 : vector<16xi32> to vector<32xbf16>
          %unpack3A_366 = tpu.unpack_subelements %bitcast3A_365, 0 {pack_format = #tpu.pack_format<interleaved>} : vector<32xbf16> -> vector<16xf32>
          %unpack3A_367 = tpu.unpack_subelements %bitcast3A_365, 1 {pack_format = #tpu.pack_format<interleaved>} : vector<32xbf16> -> vector<16xf32>
          %sub3A_368 = arith.subf %get3A_352, %unpack3A_366 : vector<16xf32>
          %sub3A_369 = arith.subf %get3A_359, %unpack3A_367 : vector<16xf32>
          %mul3A_370 = arith.mulf %sub3A_368, %sub3A_368 : vector<16xf32>
          %add3A_371 = arith.addf %scan3A_311, %mul3A_370 : vector<16xf32>
          %mul3A_372 = arith.mulf %sub3A_369, %sub3A_369 : vector<16xf32>
          %add3A_373 = arith.addf %add3A_371, %mul3A_372 : vector<16xf32>
          %mul3A_374 = arith.constant 8 : i32
          %mul3A_375 = arith.muli %scan3A_309, %mul3A_374 : i32
          %add3A_376 = arith.constant 2 : i32
          %add3A_377 = arith.addi %mul3A_375, %add3A_376 : i32
          %mul3A_378 = arith.constant 16 : i32
          %mul3A_379 = arith.muli %add3A_377, %mul3A_378 : i32
          %get3A_380 = arith.index_cast %scan3A_294 : i32 to index
          %get3A_381 = arith.index_cast %mul3A_379 : i32 to index
          %get3A_382 = tpu.vector_load %arg8[%get3A_380, %get3A_381] {strides = array<i32>} : memref<8x2048xf32, #tpu.memory_space<vmem>>, vector<16xf32>,
          %mul3A_383 = arith.constant 16 : i32
          %mul3A_384 = arith.muli %add3A_377, %mul3A_383 : i32
          %add3A_385 = arith.constant 1024 : i32
          %add3A_386 = arith.addi %add3A_385, %mul3A_384 : i32
          %get3A_387 = arith.index_cast %scan3A_294 : i32 to index
          %get3A_388 = arith.index_cast %add3A_386 : i32 to index
          %get3A_389 = tpu.vector_load %arg8[%get3A_387, %get3A_388] {strides = array<i32>} : memref<8x2048xf32, #tpu.memory_space<vmem>>, vector<16xf32>,
          %mul3A_390 = arith.constant 16 : i32
          %mul3A_391 = arith.muli %add3A_377, %mul3A_390 : i32
          %get3A_392 = arith.index_cast %scan3A_294 : i32 to index
          %get3A_393 = arith.index_cast %mul3A_391 : i32 to index
          %get3A_394 = tpu.vector_load %arg12[%get3A_392, %get3A_393] {strides = array<i32>} : memref<8x1024xi32, #tpu.memory_space<vmem>>, vector<16xi32>,
          %bitcast3A_395 = vector.bitcast %get3A_394 : vector<16xi32> to vector<32xbf16>
          %unpack3A_396 = tpu.unpack_subelements %bitcast3A_395, 0 {pack_format = #tpu.pack_format<interleaved>} : vector<32xbf16> -> vector<16xf32>
          %unpack3A_397 = tpu.unpack_subelements %bitcast3A_395, 1 {pack_format = #tpu.pack_format<interleaved>} : vector<32xbf16> -> vector<16xf32>
          %sub3A_398 = arith.subf %get3A_382, %unpack3A_396 : vector<16xf32>
          %sub3A_399 = arith.subf %get3A_389, %unpack3A_397 : vector<16xf32>
          %mul3A_400 = arith.mulf %sub3A_398, %sub3A_398 : vector<16xf32>
          %add3A_401 = arith.addf %scan3A_312, %mul3A_400 : vector<16xf32>
          %mul3A_402 = arith.mulf %sub3A_399, %sub3A_399 : vector<16xf32>
          %add3A_403 = arith.addf %add3A_401, %mul3A_402 : vector<16xf32>
          %mul3A_404 = arith.constant 8 : i32
          %mul3A_405 = arith.muli %scan3A_309, %mul3A_404 : i32
          %add3A_406 = arith.constant 3 : i32
          %add3A_407 = arith.addi %mul3A_405, %add3A_406 : i32
          %mul3A_408 = arith.constant 16 : i32
          %mul3A_409 = arith.muli %add3A_407, %mul3A_408 : i32
          %get3A_410 = arith.index_cast %scan3A_294 : i32 to index
          %get3A_411 = arith.index_cast %mul3A_409 : i32 to index
          %get3A_412 = tpu.vector_load %arg8[%get3A_410, %get3A_411] {strides = array<i32>} : memref<8x2048xf32, #tpu.memory_space<vmem>>, vector<16xf32>,
          %mul3A_413 = arith.constant 16 : i32
          %mul3A_414 = arith.muli %add3A_407, %mul3A_413 : i32
          %add3A_415 = arith.constant 1024 : i32
          %add3A_416 = arith.addi %add3A_415, %mul3A_414 : i32
          %get3A_417 = arith.index_cast %scan3A_294 : i32 to index
          %get3A_418 = arith.index_cast %add3A_416 : i32 to index
          %get3A_419 = tpu.vector_load %arg8[%get3A_417, %get3A_418] {strides = array<i32>} : memref<8x2048xf32, #tpu.memory_space<vmem>>, vector<16xf32>,
          %mul3A_420 = arith.constant 16 : i32
          %mul3A_421 = arith.muli %add3A_407, %mul3A_420 : i32
          %get3A_422 = arith.index_cast %scan3A_294 : i32 to index
          %get3A_423 = arith.index_cast %mul3A_421 : i32 to index
          %get3A_424 = tpu.vector_load %arg12[%get3A_422, %get3A_423] {strides = array<i32>} : memref<8x1024xi32, #tpu.memory_space<vmem>>, vector<16xi32>,
          %bitcast3A_425 = vector.bitcast %get3A_424 : vector<16xi32> to vector<32xbf16>
          %unpack3A_426 = tpu.unpack_subelements %bitcast3A_425, 0 {pack_format = #tpu.pack_format<interleaved>} : vector<32xbf16> -> vector<16xf32>
          %unpack3A_427 = tpu.unpack_subelements %bitcast3A_425, 1 {pack_format = #tpu.pack_format<interleaved>} : vector<32xbf16> -> vector<16xf32>
          %sub3A_428 = arith.subf %get3A_412, %unpack3A_426 : vector<16xf32>
          %sub3A_429 = arith.subf %get3A_419, %unpack3A_427 : vector<16xf32>
          %mul3A_430 = arith.mulf %sub3A_428, %sub3A_428 : vector<16xf32>
          %add3A_431 = arith.addf %scan3A_313, %mul3A_430 : vector<16xf32>
          %mul3A_432 = arith.mulf %sub3A_429, %sub3A_429 : vector<16xf32>
          %add3A_433 = arith.addf %add3A_431, %mul3A_432 : vector<16xf32>
          %mul3A_434 = arith.constant 8 : i32
          %mul3A_435 = arith.muli %scan3A_309, %mul3A_434 : i32
          %add3A_436 = arith.constant 4 : i32
          %add3A_437 = arith.addi %mul3A_435, %add3A_436 : i32
          %mul3A_438 = arith.constant 16 : i32
          %mul3A_439 = arith.muli %add3A_437, %mul3A_438 : i32
          %get3A_440 = arith.index_cast %scan3A_294 : i32 to index
          %get3A_441 = arith.index_cast %mul3A_439 : i32 to index
          %get3A_442 = tpu.vector_load %arg8[%get3A_440, %get3A_441] {strides = array<i32>} : memref<8x2048xf32, #tpu.memory_space<vmem>>, vector<16xf32>,
          %mul3A_443 = arith.constant 16 : i32
          %mul3A_444 = arith.muli %add3A_437, %mul3A_443 : i32
          %add3A_445 = arith.constant 1024 : i32
          %add3A_446 = arith.addi %add3A_445, %mul3A_444 : i32
          %get3A_447 = arith.index_cast %scan3A_294 : i32 to index
          %get3A_448 = arith.index_cast %add3A_446 : i32 to index
          %get3A_449 = tpu.vector_load %arg8[%get3A_447, %get3A_448] {strides = array<i32>} : memref<8x2048xf32, #tpu.memory_space<vmem>>, vector<16xf32>,
          %mul3A_450 = arith.constant 16 : i32
          %mul3A_451 = arith.muli %add3A_437, %mul3A_450 : i32
          %get3A_452 = arith.index_cast %scan3A_294 : i32 to index
          %get3A_453 = arith.index_cast %mul3A_451 : i32 to index
          %get3A_454 = tpu.vector_load %arg12[%get3A_452, %get3A_453] {strides = array<i32>} : memref<8x1024xi32, #tpu.memory_space<vmem>>, vector<16xi32>,
          %bitcast3A_455 = vector.bitcast %get3A_454 : vector<16xi32> to vector<32xbf16>
          %unpack3A_456 = tpu.unpack_subelements %bitcast3A_455, 0 {pack_format = #tpu.pack_format<interleaved>} : vector<32xbf16> -> vector<16xf32>
          %unpack3A_457 = tpu.unpack_subelements %bitcast3A_455, 1 {pack_format = #tpu.pack_format<interleaved>} : vector<32xbf16> -> vector<16xf32>
          %sub3A_458 = arith.subf %get3A_442, %unpack3A_456 : vector<16xf32>
          %sub3A_459 = arith.subf %get3A_449, %unpack3A_457 : vector<16xf32>
          %mul3A_460 = arith.mulf %sub3A_458, %sub3A_458 : vector<16xf32>
          %add3A_461 = arith.addf %scan3A_314, %mul3A_460 : vector<16xf32>
          %mul3A_462 = arith.mulf %sub3A_459, %sub3A_459 : vector<16xf32>
          %add3A_463 = arith.addf %add3A_461, %mul3A_462 : vector<16xf32>
          %mul3A_464 = arith.constant 8 : i32
          %mul3A_465 = arith.muli %scan3A_309, %mul3A_464 : i32
          %add3A_466 = arith.constant 5 : i32
          %add3A_467 = arith.addi %mul3A_465, %add3A_466 : i32
          %mul3A_468 = arith.constant 16 : i32
          %mul3A_469 = arith.muli %add3A_467, %mul3A_468 : i32
          %get3A_470 = arith.index_cast %scan3A_294 : i32 to index
          %get3A_471 = arith.index_cast %mul3A_469 : i32 to index
          %get3A_472 = tpu.vector_load %arg8[%get3A_470, %get3A_471] {strides = array<i32>} : memref<8x2048xf32, #tpu.memory_space<vmem>>, vector<16xf32>,
          %mul3A_473 = arith.constant 16 : i32
          %mul3A_474 = arith.muli %add3A_467, %mul3A_473 : i32
          %add3A_475 = arith.constant 1024 : i32
          %add3A_476 = arith.addi %add3A_475, %mul3A_474 : i32
          %get3A_477 = arith.index_cast %scan3A_294 : i32 to index
          %get3A_478 = arith.index_cast %add3A_476 : i32 to index
          %get3A_479 = tpu.vector_load %arg8[%get3A_477, %get3A_478] {strides = array<i32>} : memref<8x2048xf32, #tpu.memory_space<vmem>>, vector<16xf32>,
          %mul3A_480 = arith.constant 16 : i32
          %mul3A_481 = arith.muli %add3A_467, %mul3A_480 : i32
          %get3A_482 = arith.index_cast %scan3A_294 : i32 to index
          %get3A_483 = arith.index_cast %mul3A_481 : i32 to index
          %get3A_484 = tpu.vector_load %arg12[%get3A_482, %get3A_483] {strides = array<i32>} : memref<8x1024xi32, #tpu.memory_space<vmem>>, vector<16xi32>,
          %bitcast3A_485 = vector.bitcast %get3A_484 : vector<16xi32> to vector<32xbf16>
          %unpack3A_486 = tpu.unpack_subelements %bitcast3A_485, 0 {pack_format = #tpu.pack_format<interleaved>} : vector<32xbf16> -> vector<16xf32>
          %unpack3A_487 = tpu.unpack_subelements %bitcast3A_485, 1 {pack_format = #tpu.pack_format<interleaved>} : vector<32xbf16> -> vector<16xf32>
          %sub3A_488 = arith.subf %get3A_472, %unpack3A_486 : vector<16xf32>
          %sub3A_489 = arith.subf %get3A_479, %unpack3A_487 : vector<16xf32>
          %mul3A_490 = arith.mulf %sub3A_488, %sub3A_488 : vector<16xf32>
          %add3A_491 = arith.addf %scan3A_315, %mul3A_490 : vector<16xf32>
          %mul3A_492 = arith.mulf %sub3A_489, %sub3A_489 : vector<16xf32>
          %add3A_493 = arith.addf %add3A_491, %mul3A_492 : vector<16xf32>
          %mul3A_494 = arith.constant 8 : i32
          %mul3A_495 = arith.muli %scan3A_309, %mul3A_494 : i32
          %add3A_496 = arith.constant 6 : i32
          %add3A_497 = arith.addi %mul3A_495, %add3A_496 : i32
          %mul3A_498 = arith.constant 16 : i32
          %mul3A_499 = arith.muli %add3A_497, %mul3A_498 : i32
          %get3A_500 = arith.index_cast %scan3A_294 : i32 to index
          %get3A_501 = arith.index_cast %mul3A_499 : i32 to index
          %get3A_502 = tpu.vector_load %arg8[%get3A_500, %get3A_501] {strides = array<i32>} : memref<8x2048xf32, #tpu.memory_space<vmem>>, vector<16xf32>,
          %mul3A_503 = arith.constant 16 : i32
          %mul3A_504 = arith.muli %add3A_497, %mul3A_503 : i32
          %add3A_505 = arith.constant 1024 : i32
          %add3A_506 = arith.addi %add3A_505, %mul3A_504 : i32
          %get3A_507 = arith.index_cast %scan3A_294 : i32 to index
          %get3A_508 = arith.index_cast %add3A_506 : i32 to index
          %get3A_509 = tpu.vector_load %arg8[%get3A_507, %get3A_508] {strides = array<i32>} : memref<8x2048xf32, #tpu.memory_space<vmem>>, vector<16xf32>,
          %mul3A_510 = arith.constant 16 : i32
          %mul3A_511 = arith.muli %add3A_497, %mul3A_510 : i32
          %get3A_512 = arith.index_cast %scan3A_294 : i32 to index
          %get3A_513 = arith.index_cast %mul3A_511 : i32 to index
          %get3A_514 = tpu.vector_load %arg12[%get3A_512, %get3A_513] {strides = array<i32>} : memref<8x1024xi32, #tpu.memory_space<vmem>>, vector<16xi32>,
          %bitcast3A_515 = vector.bitcast %get3A_514 : vector<16xi32> to vector<32xbf16>
          %unpack3A_516 = tpu.unpack_subelements %bitcast3A_515, 0 {pack_format = #tpu.pack_format<interleaved>} : vector<32xbf16> -> vector<16xf32>
          %unpack3A_517 = tpu.unpack_subelements %bitcast3A_515, 1 {pack_format = #tpu.pack_format<interleaved>} : vector<32xbf16> -> vector<16xf32>
          %sub3A_518 = arith.subf %get3A_502, %unpack3A_516 : vector<16xf32>
          %sub3A_519 = arith.subf %get3A_509, %unpack3A_517 : vector<16xf32>
          %mul3A_520 = arith.mulf %sub3A_518, %sub3A_518 : vector<16xf32>
          %add3A_521 = arith.addf %scan3A_316, %mul3A_520 : vector<16xf32>
          %mul3A_522 = arith.mulf %sub3A_519, %sub3A_519 : vector<16xf32>
          %add3A_523 = arith.addf %add3A_521, %mul3A_522 : vector<16xf32>
          %mul3A_524 = arith.constant 8 : i32
          %mul3A_525 = arith.muli %scan3A_309, %mul3A_524 : i32
          %add3A_526 = arith.constant 7 : i32
          %add3A_527 = arith.addi %mul3A_525, %add3A_526 : i32
          %mul3A_528 = arith.constant 16 : i32
          %mul3A_529 = arith.muli %add3A_527, %mul3A_528 : i32
          %get3A_530 = arith.index_cast %scan3A_294 : i32 to index
          %get3A_531 = arith.index_cast %mul3A_529 : i32 to index
          %get3A_532 = tpu.vector_load %arg8[%get3A_530, %get3A_531] {strides = array<i32>} : memref<8x2048xf32, #tpu.memory_space<vmem>>, vector<16xf32>,
          %mul3A_533 = arith.constant 16 : i32
          %mul3A_534 = arith.muli %add3A_527, %mul3A_533 : i32
          %add3A_535 = arith.constant 1024 : i32
          %add3A_536 = arith.addi %add3A_535, %mul3A_534 : i32
          %get3A_537 = arith.index_cast %scan3A_294 : i32 to index
          %get3A_538 = arith.index_cast %add3A_536 : i32 to index
          %get3A_539 = tpu.vector_load %arg8[%get3A_537, %get3A_538] {strides = array<i32>} : memref<8x2048xf32, #tpu.memory_space<vmem>>, vector<16xf32>,
          %mul3A_540 = arith.constant 16 : i32
          %mul3A_541 = arith.muli %add3A_527, %mul3A_540 : i32
          %get3A_542 = arith.index_cast %scan3A_294 : i32 to index
          %get3A_543 = arith.index_cast %mul3A_541 : i32 to index
          %get3A_544 = tpu.vector_load %arg12[%get3A_542, %get3A_543] {strides = array<i32>} : memref<8x1024xi32, #tpu.memory_space<vmem>>, vector<16xi32>,
          %bitcast3A_545 = vector.bitcast %get3A_544 : vector<16xi32> to vector<32xbf16>
          %unpack3A_546 = tpu.unpack_subelements %bitcast3A_545, 0 {pack_format = #tpu.pack_format<interleaved>} : vector<32xbf16> -> vector<16xf32>
          %unpack3A_547 = tpu.unpack_subelements %bitcast3A_545, 1 {pack_format = #tpu.pack_format<interleaved>} : vector<32xbf16> -> vector<16xf32>
          %sub3A_548 = arith.subf %get3A_532, %unpack3A_546 : vector<16xf32>
          %sub3A_549 = arith.subf %get3A_539, %unpack3A_547 : vector<16xf32>
          %mul3A_550 = arith.mulf %sub3A_548, %sub3A_548 : vector<16xf32>
          %add3A_551 = arith.addf %scan3A_317, %mul3A_550 : vector<16xf32>
          %mul3A_552 = arith.mulf %sub3A_549, %sub3A_549 : vector<16xf32>
          %add3A_553 = arith.addf %add3A_551, %mul3A_552 : vector<16xf32>
          scf.yield %add3A_343, %add3A_373, %add3A_403, %add3A_433, %add3A_463, %add3A_493, %add3A_523, %add3A_553 : vector<16xf32>, vector<16xf32>, vector<16xf32>, vector<16xf32>, vector<16xf32>, vector<16xf32>, vector<16xf32>, vector<16xf32>
        }
        %scan3A_308 = arith.constant 8 : i32
        scf.yield %scan3A_307#0, %scan3A_307#1, %scan3A_307#2, %scan3A_307#3, %scan3A_307#4, %scan3A_307#5, %scan3A_307#6, %scan3A_307#7 : vector<16xf32>, vector<16xf32>, vector<16xf32>, vector<16xf32>, vector<16xf32>, vector<16xf32>, vector<16xf32>, vector<16xf32>
      }
      %scan3A_206 = arith.constant 8 : i32
      %add3A_207 = arith.constant 4 : i32
      %add3A_208 = arith.addi %add3A_189, %add3A_207 : i32
      %mul3A_209 = arith.constant 8 : i32
      %mul3A_210 = arith.muli %add3A_208, %mul3A_209 : i32
      %add3A_211 = arith.addi %mul3A_2, %mul3A_210 : i32
      %dma_start3A_212 = arith.constant 0 : i32
      %dma_start3A_213 = tpu.memref_slice %arg2[%add3A_211, %dma_start3A_212] : memref<16384x2048xf32, #tpu.memory_space<hbm>> -> memref<8x2048xf32, #tpu.memory_space<hbm>>
      %dma_start3A_214 = arith.constant 0 : i32
      %dma_start3A_215 = tpu.memref_slice %arg2[%add3A_211, %dma_start3A_214] : memref<16384x2048xf32, #tpu.memory_space<hbm>> -> memref<8x2048xf32, #tpu.memory_space<hbm>>
      tpu.enqueue_dma source(%dma_start3A_215 : memref<8x2048xf32, #tpu.memory_space<hbm>>) target(%arg8 : memref<8x2048xf32, #tpu.memory_space<vmem>>) target_semaphore(%arg17 : memref<!tpu.dma_semaphore, #tpu.memory_space<semaphore_mem>>)
      %mul3A_216 = arith.constant 8 : i32
      %mul3A_217 = arith.muli %add3A_208, %mul3A_216 : i32
      %dma_start3A_218 = tpu.memref_slice %arg6[%mul3A_217] : memref<512xi32, #tpu.memory_space<vmem>> -> memref<8xi32, #tpu.memory_space<vmem>>
      %dma_start3A_219 = arith.constant 0 : i32
      %dma_start3A_220 = arith.constant 0 : i32
      %dma_start3A_221 = tpu.memref_slice %arg4[%dma_start3A_219, %dma_start3A_220] : memref<2048x1024xi32, #tpu.memory_space<hbm>> -> memref<2048x1024xi32, #tpu.memory_space<hbm>>
      tpu.enqueue_indirect_dma source(%dma_start3A_221 : memref<2048x1024xi32, #tpu.memory_space<hbm>>) target(%arg12 : memref<8x1024xi32, #tpu.memory_space<vmem>>) offsets(%dma_start3A_218 : memref<8xi32, #tpu.memory_space<vmem>>) semaphore(%arg21 : memref<!tpu.dma_semaphore, #tpu.memory_space<semaphore_mem>>)
      %mul3A_222 = arith.constant 4 : i32
      %mul3A_223 = arith.muli %scan3A_141, %mul3A_222 : i32
      %add3A_224 = arith.constant 2 : i32
      %add3A_225 = arith.addi %mul3A_223, %add3A_224 : i32
      %dma_wait3A_226 = arith.constant 0 : i32
      %dma_wait3A_227 = arith.constant 0 : i32
      %dma_wait3A_228 = tpu.memref_slice %arg2[%dma_wait3A_226, %dma_wait3A_227] : memref<16384x2048xf32, #tpu.memory_space<hbm>> -> memref<8x2048xf32, #tpu.memory_space<hbm>>
      %dma_wait3A_229 = arith.constant 0 : i32
      %dma_wait3A_230 = arith.constant 0 : i32
      %dma_wait3A_231 = tpu.memref_slice %arg2[%dma_wait3A_229, %dma_wait3A_230] : memref<16384x2048xf32, #tpu.memory_space<hbm>> -> memref<8x2048xf32, #tpu.memory_space<hbm>>
      tpu.wait_dma2 semaphore(%arg18 : memref<!tpu.dma_semaphore, #tpu.memory_space<semaphore_mem>>) src(%dma_wait3A_231 : memref<8x2048xf32, #tpu.memory_space<hbm>>) dst(%arg9 : memref<8x2048xf32, #tpu.memory_space<vmem>>)
      %dma_wait3A_232 = arith.constant 0 : i32
      %dma_wait3A_233 = tpu.memref_slice %arg6[%dma_wait3A_232] : memref<512xi32, #tpu.memory_space<vmem>> -> memref<8xi32, #tpu.memory_space<vmem>>
      %dma_wait3A_234 = arith.constant 0 : i32
      %dma_wait3A_235 = arith.constant 0 : i32
      %dma_wait3A_236 = tpu.memref_slice %arg4[%dma_wait3A_234, %dma_wait3A_235] : memref<2048x1024xi32, #tpu.memory_space<hbm>> -> memref<2048x1024xi32, #tpu.memory_space<hbm>>
      tpu.wait_indirect_dma semaphore(%arg22 : memref<!tpu.dma_semaphore, #tpu.memory_space<semaphore_mem>>) src(%dma_wait3A_236 : memref<2048x1024xi32, #tpu.memory_space<hbm>>) dst(%arg13 : memref<8x1024xi32, #tpu.memory_space<vmem>>)
      %scan3A_237 = arith.constant 0 : i32
      %scan3A_238 = arith.constant 8 : i32
      %scan3A_239 = arith.addi %scan3A_237, %scan3A_238 : i32
      %scan3A_240 = arith.constant 1 : i32
      %scan3A_241:8 = scf.for %scan3A_294 = %scan3A_237 to %scan3A_239 step %scan3A_240 iter_args(%scan3A_295 = %scan3A_205#0, %scan3A_296 = %scan3A_205#1, %scan3A_297 = %scan3A_205#2, %scan3A_298 = %scan3A_205#3, %scan3A_299 = %scan3A_205#4, %scan3A_300 = %scan3A_205#5, %scan3A_301 = %scan3A_205#6, %scan3A_302 = %scan3A_205#7) -> (vector<16xf32>, vector<16xf32>, vector<16xf32>, vector<16xf32>, vector<16xf32>, vector<16xf32>, vector<16xf32>, vector<16xf32>)  : i32 {
        %scan3A_303 = arith.constant 0 : i32
        %scan3A_304 = arith.constant 8 : i32
        %scan3A_305 = arith.addi %scan3A_303, %scan3A_304 : i32
        %scan3A_306 = arith.constant 1 : i32
        %scan3A_307:8 = scf.for %scan3A_309 = %scan3A_303 to %scan3A_305 step %scan3A_306 iter_args(%scan3A_310 = %scan3A_295, %scan3A_311 = %scan3A_296, %scan3A_312 = %scan3A_297, %scan3A_313 = %scan3A_298, %scan3A_314 = %scan3A_299, %scan3A_315 = %scan3A_300, %scan3A_316 = %scan3A_301, %scan3A_317 = %scan3A_302) -> (vector<16xf32>, vector<16xf32>, vector<16xf32>, vector<16xf32>, vector<16xf32>, vector<16xf32>, vector<16xf32>, vector<16xf32>)  : i32 {
          %mul3A_318 = arith.constant 8 : i32
          %mul3A_319 = arith.muli %scan3A_309, %mul3A_318 : i32
          %add3A_320 = arith.constant 0 : i32
          %add3A_321 = arith.addi %mul3A_319, %add3A_320 : i32
          %mul3A_322 = arith.constant 16 : i32
          %mul3A_323 = arith.muli %add3A_321, %mul3A_322 : i32
          %get3A = arith.index_cast %scan3A_294 : i32 to index
          %get3A_324 = arith.index_cast %mul3A_323 : i32 to index
          %get3A_325 = tpu.vector_load %arg9[%get3A, %get3A_324] {strides = array<i32>} : memref<8x2048xf32, #tpu.memory_space<vmem>>, vector<16xf32>,
          %mul3A_326 = arith.constant 16 : i32
          %mul3A_327 = arith.muli %add3A_321, %mul3A_326 : i32
          %add3A_328 = arith.constant 1024 : i32
          %add3A_329 = arith.addi %add3A_328, %mul3A_327 : i32
          %get3A_330 = arith.index_cast %scan3A_294 : i32 to index
          %get3A_331 = arith.index_cast %add3A_329 : i32 to index
          %get3A_332 = tpu.vector_load %arg9[%get3A_330, %get3A_331] {strides = array<i32>} : memref<8x2048xf32, #tpu.memory_space<vmem>>, vector<16xf32>,
          %mul3A_333 = arith.constant 16 : i32
          %mul3A_334 = arith.muli %add3A_321, %mul3A_333 : i32
          %get3A_335 = arith.index_cast %scan3A_294 : i32 to index
          %get3A_336 = arith.index_cast %mul3A_334 : i32 to index
          %get3A_337 = tpu.vector_load %arg13[%get3A_335, %get3A_336] {strides = array<i32>} : memref<8x1024xi32, #tpu.memory_space<vmem>>, vector<16xi32>,
          %bitcast3A = vector.bitcast %get3A_337 : vector<16xi32> to vector<32xbf16>
          %unpack3A = tpu.unpack_subelements %bitcast3A, 0 {pack_format = #tpu.pack_format<interleaved>} : vector<32xbf16> -> vector<16xf32>
          %unpack3A_338 = tpu.unpack_subelements %bitcast3A, 1 {pack_format = #tpu.pack_format<interleaved>} : vector<32xbf16> -> vector<16xf32>
          %sub3A = arith.subf %get3A_325, %unpack3A : vector<16xf32>
          %sub3A_339 = arith.subf %get3A_332, %unpack3A_338 : vector<16xf32>
          %mul3A_340 = arith.mulf %sub3A, %sub3A : vector<16xf32>
          %add3A_341 = arith.addf %scan3A_310, %mul3A_340 : vector<16xf32>
          %mul3A_342 = arith.mulf %sub3A_339, %sub3A_339 : vector<16xf32>
          %add3A_343 = arith.addf %add3A_341, %mul3A_342 : vector<16xf32>
          %mul3A_344 = arith.constant 8 : i32
          %mul3A_345 = arith.muli %scan3A_309, %mul3A_344 : i32
          %add3A_346 = arith.constant 1 : i32
          %add3A_347 = arith.addi %mul3A_345, %add3A_346 : i32
          %mul3A_348 = arith.constant 16 : i32
          %mul3A_349 = arith.muli %add3A_347, %mul3A_348 : i32
          %get3A_350 = arith.index_cast %scan3A_294 : i32 to index
          %get3A_351 = arith.index_cast %mul3A_349 : i32 to index
          %get3A_352 = tpu.vector_load %arg9[%get3A_350, %get3A_351] {strides = array<i32>} : memref<8x2048xf32, #tpu.memory_space<vmem>>, vector<16xf32>,
          %mul3A_353 = arith.constant 16 : i32
          %mul3A_354 = arith.muli %add3A_347, %mul3A_353 : i32
          %add3A_355 = arith.constant 1024 : i32
          %add3A_356 = arith.addi %add3A_355, %mul3A_354 : i32
          %get3A_357 = arith.index_cast %scan3A_294 : i32 to index
          %get3A_358 = arith.index_cast %add3A_356 : i32 to index
          %get3A_359 = tpu.vector_load %arg9[%get3A_357, %get3A_358] {strides = array<i32>} : memref<8x2048xf32, #tpu.memory_space<vmem>>, vector<16xf32>,
          %mul3A_360 = arith.constant 16 : i32
          %mul3A_361 = arith.muli %add3A_347, %mul3A_360 : i32
          %get3A_362 = arith.index_cast %scan3A_294 : i32 to index
          %get3A_363 = arith.index_cast %mul3A_361 : i32 to index
          %get3A_364 = tpu.vector_load %arg13[%get3A_362, %get3A_363] {strides = array<i32>} : memref<8x1024xi32, #tpu.memory_space<vmem>>, vector<16xi32>,
          %bitcast3A_365 = vector.bitcast %get3A_364 : vector<16xi32> to vector<32xbf16>
          %unpack3A_366 = tpu.unpack_subelements %bitcast3A_365, 0 {pack_format = #tpu.pack_format<interleaved>} : vector<32xbf16> -> vector<16xf32>
          %unpack3A_367 = tpu.unpack_subelements %bitcast3A_365, 1 {pack_format = #tpu.pack_format<interleaved>} : vector<32xbf16> -> vector<16xf32>
          %sub3A_368 = arith.subf %get3A_352, %unpack3A_366 : vector<16xf32>
          %sub3A_369 = arith.subf %get3A_359, %unpack3A_367 : vector<16xf32>
          %mul3A_370 = arith.mulf %sub3A_368, %sub3A_368 : vector<16xf32>
          %add3A_371 = arith.addf %scan3A_311, %mul3A_370 : vector<16xf32>
          %mul3A_372 = arith.mulf %sub3A_369, %sub3A_369 : vector<16xf32>
          %add3A_373 = arith.addf %add3A_371, %mul3A_372 : vector<16xf32>
          %mul3A_374 = arith.constant 8 : i32
          %mul3A_375 = arith.muli %scan3A_309, %mul3A_374 : i32
          %add3A_376 = arith.constant 2 : i32
          %add3A_377 = arith.addi %mul3A_375, %add3A_376 : i32
          %mul3A_378 = arith.constant 16 : i32
          %mul3A_379 = arith.muli %add3A_377, %mul3A_378 : i32
          %get3A_380 = arith.index_cast %scan3A_294 : i32 to index
          %get3A_381 = arith.index_cast %mul3A_379 : i32 to index
          %get3A_382 = tpu.vector_load %arg9[%get3A_380, %get3A_381] {strides = array<i32>} : memref<8x2048xf32, #tpu.memory_space<vmem>>, vector<16xf32>,
          %mul3A_383 = arith.constant 16 : i32
          %mul3A_384 = arith.muli %add3A_377, %mul3A_383 : i32
          %add3A_385 = arith.constant 1024 : i32
          %add3A_386 = arith.addi %add3A_385, %mul3A_384 : i32
          %get3A_387 = arith.index_cast %scan3A_294 : i32 to index
          %get3A_388 = arith.index_cast %add3A_386 : i32 to index
          %get3A_389 = tpu.vector_load %arg9[%get3A_387, %get3A_388] {strides = array<i32>} : memref<8x2048xf32, #tpu.memory_space<vmem>>, vector<16xf32>,
          %mul3A_390 = arith.constant 16 : i32
          %mul3A_391 = arith.muli %add3A_377, %mul3A_390 : i32
          %get3A_392 = arith.index_cast %scan3A_294 : i32 to index
          %get3A_393 = arith.index_cast %mul3A_391 : i32 to index
          %get3A_394 = tpu.vector_load %arg13[%get3A_392, %get3A_393] {strides = array<i32>} : memref<8x1024xi32, #tpu.memory_space<vmem>>, vector<16xi32>,
          %bitcast3A_395 = vector.bitcast %get3A_394 : vector<16xi32> to vector<32xbf16>
          %unpack3A_396 = tpu.unpack_subelements %bitcast3A_395, 0 {pack_format = #tpu.pack_format<interleaved>} : vector<32xbf16> -> vector<16xf32>
          %unpack3A_397 = tpu.unpack_subelements %bitcast3A_395, 1 {pack_format = #tpu.pack_format<interleaved>} : vector<32xbf16> -> vector<16xf32>
          %sub3A_398 = arith.subf %get3A_382, %unpack3A_396 : vector<16xf32>
          %sub3A_399 = arith.subf %get3A_389, %unpack3A_397 : vector<16xf32>
          %mul3A_400 = arith.mulf %sub3A_398, %sub3A_398 : vector<16xf32>
          %add3A_401 = arith.addf %scan3A_312, %mul3A_400 : vector<16xf32>
          %mul3A_402 = arith.mulf %sub3A_399, %sub3A_399 : vector<16xf32>
          %add3A_403 = arith.addf %add3A_401, %mul3A_402 : vector<16xf32>
          %mul3A_404 = arith.constant 8 : i32
          %mul3A_405 = arith.muli %scan3A_309, %mul3A_404 : i32
          %add3A_406 = arith.constant 3 : i32
          %add3A_407 = arith.addi %mul3A_405, %add3A_406 : i32
          %mul3A_408 = arith.constant 16 : i32
          %mul3A_409 = arith.muli %add3A_407, %mul3A_408 : i32
          %get3A_410 = arith.index_cast %scan3A_294 : i32 to index
          %get3A_411 = arith.index_cast %mul3A_409 : i32 to index
          %get3A_412 = tpu.vector_load %arg9[%get3A_410, %get3A_411] {strides = array<i32>} : memref<8x2048xf32, #tpu.memory_space<vmem>>, vector<16xf32>,
          %mul3A_413 = arith.constant 16 : i32
          %mul3A_414 = arith.muli %add3A_407, %mul3A_413 : i32
          %add3A_415 = arith.constant 1024 : i32
          %add3A_416 = arith.addi %add3A_415, %mul3A_414 : i32
          %get3A_417 = arith.index_cast %scan3A_294 : i32 to index
          %get3A_418 = arith.index_cast %add3A_416 : i32 to index
          %get3A_419 = tpu.vector_load %arg9[%get3A_417, %get3A_418] {strides = array<i32>} : memref<8x2048xf32, #tpu.memory_space<vmem>>, vector<16xf32>,
          %mul3A_420 = arith.constant 16 : i32
          %mul3A_421 = arith.muli %add3A_407, %mul3A_420 : i32
          %get3A_422 = arith.index_cast %scan3A_294 : i32 to index
          %get3A_423 = arith.index_cast %mul3A_421 : i32 to index
          %get3A_424 = tpu.vector_load %arg13[%get3A_422, %get3A_423] {strides = array<i32>} : memref<8x1024xi32, #tpu.memory_space<vmem>>, vector<16xi32>,
          %bitcast3A_425 = vector.bitcast %get3A_424 : vector<16xi32> to vector<32xbf16>
          %unpack3A_426 = tpu.unpack_subelements %bitcast3A_425, 0 {pack_format = #tpu.pack_format<interleaved>} : vector<32xbf16> -> vector<16xf32>
          %unpack3A_427 = tpu.unpack_subelements %bitcast3A_425, 1 {pack_format = #tpu.pack_format<interleaved>} : vector<32xbf16> -> vector<16xf32>
          %sub3A_428 = arith.subf %get3A_412, %unpack3A_426 : vector<16xf32>
          %sub3A_429 = arith.subf %get3A_419, %unpack3A_427 : vector<16xf32>
          %mul3A_430 = arith.mulf %sub3A_428, %sub3A_428 : vector<16xf32>
          %add3A_431 = arith.addf %scan3A_313, %mul3A_430 : vector<16xf32>
          %mul3A_432 = arith.mulf %sub3A_429, %sub3A_429 : vector<16xf32>
          %add3A_433 = arith.addf %add3A_431, %mul3A_432 : vector<16xf32>
          %mul3A_434 = arith.constant 8 : i32
          %mul3A_435 = arith.muli %scan3A_309, %mul3A_434 : i32
          %add3A_436 = arith.constant 4 : i32
          %add3A_437 = arith.addi %mul3A_435, %add3A_436 : i32
          %mul3A_438 = arith.constant 16 : i32
          %mul3A_439 = arith.muli %add3A_437, %mul3A_438 : i32
          %get3A_440 = arith.index_cast %scan3A_294 : i32 to index
          %get3A_441 = arith.index_cast %mul3A_439 : i32 to index
          %get3A_442 = tpu.vector_load %arg9[%get3A_440, %get3A_441] {strides = array<i32>} : memref<8x2048xf32, #tpu.memory_space<vmem>>, vector<16xf32>,
          %mul3A_443 = arith.constant 16 : i32
          %mul3A_444 = arith.muli %add3A_437, %mul3A_443 : i32
          %add3A_445 = arith.constant 1024 : i32
          %add3A_446 = arith.addi %add3A_445, %mul3A_444 : i32
          %get3A_447 = arith.index_cast %scan3A_294 : i32 to index
          %get3A_448 = arith.index_cast %add3A_446 : i32 to index
          %get3A_449 = tpu.vector_load %arg9[%get3A_447, %get3A_448] {strides = array<i32>} : memref<8x2048xf32, #tpu.memory_space<vmem>>, vector<16xf32>,
          %mul3A_450 = arith.constant 16 : i32
          %mul3A_451 = arith.muli %add3A_437, %mul3A_450 : i32
          %get3A_452 = arith.index_cast %scan3A_294 : i32 to index
          %get3A_453 = arith.index_cast %mul3A_451 : i32 to index
          %get3A_454 = tpu.vector_load %arg13[%get3A_452, %get3A_453] {strides = array<i32>} : memref<8x1024xi32, #tpu.memory_space<vmem>>, vector<16xi32>,
          %bitcast3A_455 = vector.bitcast %get3A_454 : vector<16xi32> to vector<32xbf16>
          %unpack3A_456 = tpu.unpack_subelements %bitcast3A_455, 0 {pack_format = #tpu.pack_format<interleaved>} : vector<32xbf16> -> vector<16xf32>
          %unpack3A_457 = tpu.unpack_subelements %bitcast3A_455, 1 {pack_format = #tpu.pack_format<interleaved>} : vector<32xbf16> -> vector<16xf32>
          %sub3A_458 = arith.subf %get3A_442, %unpack3A_456 : vector<16xf32>
          %sub3A_459 = arith.subf %get3A_449, %unpack3A_457 : vector<16xf32>
          %mul3A_460 = arith.mulf %sub3A_458, %sub3A_458 : vector<16xf32>
          %add3A_461 = arith.addf %scan3A_314, %mul3A_460 : vector<16xf32>
          %mul3A_462 = arith.mulf %sub3A_459, %sub3A_459 : vector<16xf32>
          %add3A_463 = arith.addf %add3A_461, %mul3A_462 : vector<16xf32>
          %mul3A_464 = arith.constant 8 : i32
          %mul3A_465 = arith.muli %scan3A_309, %mul3A_464 : i32
          %add3A_466 = arith.constant 5 : i32
          %add3A_467 = arith.addi %mul3A_465, %add3A_466 : i32
          %mul3A_468 = arith.constant 16 : i32
          %mul3A_469 = arith.muli %add3A_467, %mul3A_468 : i32
          %get3A_470 = arith.index_cast %scan3A_294 : i32 to index
          %get3A_471 = arith.index_cast %mul3A_469 : i32 to index
          %get3A_472 = tpu.vector_load %arg9[%get3A_470, %get3A_471] {strides = array<i32>} : memref<8x2048xf32, #tpu.memory_space<vmem>>, vector<16xf32>,
          %mul3A_473 = arith.constant 16 : i32
          %mul3A_474 = arith.muli %add3A_467, %mul3A_473 : i32
          %add3A_475 = arith.constant 1024 : i32
          %add3A_476 = arith.addi %add3A_475, %mul3A_474 : i32
          %get3A_477 = arith.index_cast %scan3A_294 : i32 to index
          %get3A_478 = arith.index_cast %add3A_476 : i32 to index
          %get3A_479 = tpu.vector_load %arg9[%get3A_477, %get3A_478] {strides = array<i32>} : memref<8x2048xf32, #tpu.memory_space<vmem>>, vector<16xf32>,
          %mul3A_480 = arith.constant 16 : i32
          %mul3A_481 = arith.muli %add3A_467, %mul3A_480 : i32
          %get3A_482 = arith.index_cast %scan3A_294 : i32 to index
          %get3A_483 = arith.index_cast %mul3A_481 : i32 to index
          %get3A_484 = tpu.vector_load %arg13[%get3A_482, %get3A_483] {strides = array<i32>} : memref<8x1024xi32, #tpu.memory_space<vmem>>, vector<16xi32>,
          %bitcast3A_485 = vector.bitcast %get3A_484 : vector<16xi32> to vector<32xbf16>
          %unpack3A_486 = tpu.unpack_subelements %bitcast3A_485, 0 {pack_format = #tpu.pack_format<interleaved>} : vector<32xbf16> -> vector<16xf32>
          %unpack3A_487 = tpu.unpack_subelements %bitcast3A_485, 1 {pack_format = #tpu.pack_format<interleaved>} : vector<32xbf16> -> vector<16xf32>
          %sub3A_488 = arith.subf %get3A_472, %unpack3A_486 : vector<16xf32>
          %sub3A_489 = arith.subf %get3A_479, %unpack3A_487 : vector<16xf32>
          %mul3A_490 = arith.mulf %sub3A_488, %sub3A_488 : vector<16xf32>
          %add3A_491 = arith.addf %scan3A_315, %mul3A_490 : vector<16xf32>
          %mul3A_492 = arith.mulf %sub3A_489, %sub3A_489 : vector<16xf32>
          %add3A_493 = arith.addf %add3A_491, %mul3A_492 : vector<16xf32>
          %mul3A_494 = arith.constant 8 : i32
          %mul3A_495 = arith.muli %scan3A_309, %mul3A_494 : i32
          %add3A_496 = arith.constant 6 : i32
          %add3A_497 = arith.addi %mul3A_495, %add3A_496 : i32
          %mul3A_498 = arith.constant 16 : i32
          %mul3A_499 = arith.muli %add3A_497, %mul3A_498 : i32
          %get3A_500 = arith.index_cast %scan3A_294 : i32 to index
          %get3A_501 = arith.index_cast %mul3A_499 : i32 to index
          %get3A_502 = tpu.vector_load %arg9[%get3A_500, %get3A_501] {strides = array<i32>} : memref<8x2048xf32, #tpu.memory_space<vmem>>, vector<16xf32>,
          %mul3A_503 = arith.constant 16 : i32
          %mul3A_504 = arith.muli %add3A_497, %mul3A_503 : i32
          %add3A_505 = arith.constant 1024 : i32
          %add3A_506 = arith.addi %add3A_505, %mul3A_504 : i32
          %get3A_507 = arith.index_cast %scan3A_294 : i32 to index
          %get3A_508 = arith.index_cast %add3A_506 : i32 to index
          %get3A_509 = tpu.vector_load %arg9[%get3A_507, %get3A_508] {strides = array<i32>} : memref<8x2048xf32, #tpu.memory_space<vmem>>, vector<16xf32>,
          %mul3A_510 = arith.constant 16 : i32
          %mul3A_511 = arith.muli %add3A_497, %mul3A_510 : i32
          %get3A_512 = arith.index_cast %scan3A_294 : i32 to index
          %get3A_513 = arith.index_cast %mul3A_511 : i32 to index
          %get3A_514 = tpu.vector_load %arg13[%get3A_512, %get3A_513] {strides = array<i32>} : memref<8x1024xi32, #tpu.memory_space<vmem>>, vector<16xi32>,
          %bitcast3A_515 = vector.bitcast %get3A_514 : vector<16xi32> to vector<32xbf16>
          %unpack3A_516 = tpu.unpack_subelements %bitcast3A_515, 0 {pack_format = #tpu.pack_format<interleaved>} : vector<32xbf16> -> vector<16xf32>
          %unpack3A_517 = tpu.unpack_subelements %bitcast3A_515, 1 {pack_format = #tpu.pack_format<interleaved>} : vector<32xbf16> -> vector<16xf32>
          %sub3A_518 = arith.subf %get3A_502, %unpack3A_516 : vector<16xf32>
          %sub3A_519 = arith.subf %get3A_509, %unpack3A_517 : vector<16xf32>
          %mul3A_520 = arith.mulf %sub3A_518, %sub3A_518 : vector<16xf32>
          %add3A_521 = arith.addf %scan3A_316, %mul3A_520 : vector<16xf32>
          %mul3A_522 = arith.mulf %sub3A_519, %sub3A_519 : vector<16xf32>
          %add3A_523 = arith.addf %add3A_521, %mul3A_522 : vector<16xf32>
          %mul3A_524 = arith.constant 8 : i32
          %mul3A_525 = arith.muli %scan3A_309, %mul3A_524 : i32
          %add3A_526 = arith.constant 7 : i32
          %add3A_527 = arith.addi %mul3A_525, %add3A_526 : i32
          %mul3A_528 = arith.constant 16 : i32
          %mul3A_529 = arith.muli %add3A_527, %mul3A_528 : i32
          %get3A_530 = arith.index_cast %scan3A_294 : i32 to index
          %get3A_531 = arith.index_cast %mul3A_529 : i32 to index
          %get3A_532 = tpu.vector_load %arg9[%get3A_530, %get3A_531] {strides = array<i32>} : memref<8x2048xf32, #tpu.memory_space<vmem>>, vector<16xf32>,
          %mul3A_533 = arith.constant 16 : i32
          %mul3A_534 = arith.muli %add3A_527, %mul3A_533 : i32
          %add3A_535 = arith.constant 1024 : i32
          %add3A_536 = arith.addi %add3A_535, %mul3A_534 : i32
          %get3A_537 = arith.index_cast %scan3A_294 : i32 to index
          %get3A_538 = arith.index_cast %add3A_536 : i32 to index
          %get3A_539 = tpu.vector_load %arg9[%get3A_537, %get3A_538] {strides = array<i32>} : memref<8x2048xf32, #tpu.memory_space<vmem>>, vector<16xf32>,
          %mul3A_540 = arith.constant 16 : i32
          %mul3A_541 = arith.muli %add3A_527, %mul3A_540 : i32
          %get3A_542 = arith.index_cast %scan3A_294 : i32 to index
          %get3A_543 = arith.index_cast %mul3A_541 : i32 to index
          %get3A_544 = tpu.vector_load %arg13[%get3A_542, %get3A_543] {strides = array<i32>} : memref<8x1024xi32, #tpu.memory_space<vmem>>, vector<16xi32>,
          %bitcast3A_545 = vector.bitcast %get3A_544 : vector<16xi32> to vector<32xbf16>
          %unpack3A_546 = tpu.unpack_subelements %bitcast3A_545, 0 {pack_format = #tpu.pack_format<interleaved>} : vector<32xbf16> -> vector<16xf32>
          %unpack3A_547 = tpu.unpack_subelements %bitcast3A_545, 1 {pack_format = #tpu.pack_format<interleaved>} : vector<32xbf16> -> vector<16xf32>
          %sub3A_548 = arith.subf %get3A_532, %unpack3A_546 : vector<16xf32>
          %sub3A_549 = arith.subf %get3A_539, %unpack3A_547 : vector<16xf32>
          %mul3A_550 = arith.mulf %sub3A_548, %sub3A_548 : vector<16xf32>
          %add3A_551 = arith.addf %scan3A_317, %mul3A_550 : vector<16xf32>
          %mul3A_552 = arith.mulf %sub3A_549, %sub3A_549 : vector<16xf32>
          %add3A_553 = arith.addf %add3A_551, %mul3A_552 : vector<16xf32>
          scf.yield %add3A_343, %add3A_373, %add3A_403, %add3A_433, %add3A_463, %add3A_493, %add3A_523, %add3A_553 : vector<16xf32>, vector<16xf32>, vector<16xf32>, vector<16xf32>, vector<16xf32>, vector<16xf32>, vector<16xf32>, vector<16xf32>
        }
        %scan3A_308 = arith.constant 8 : i32
        scf.yield %scan3A_307#0, %scan3A_307#1, %scan3A_307#2, %scan3A_307#3, %scan3A_307#4, %scan3A_307#5, %scan3A_307#6, %scan3A_307#7 : vector<16xf32>, vector<16xf32>, vector<16xf32>, vector<16xf32>, vector<16xf32>, vector<16xf32>, vector<16xf32>, vector<16xf32>
      }
      %scan3A_242 = arith.constant 8 : i32
      %add3A_243 = arith.constant 4 : i32
      %add3A_244 = arith.addi %add3A_225, %add3A_243 : i32
      %mul3A_245 = arith.constant 8 : i32
      %mul3A_246 = arith.muli %add3A_244, %mul3A_245 : i32
      %add3A_247 = arith.addi %mul3A_2, %mul3A_246 : i32
      %dma_start3A_248 = arith.constant 0 : i32
      %dma_start3A_249 = tpu.memref_slice %arg2[%add3A_247, %dma_start3A_248] : memref<16384x2048xf32, #tpu.memory_space<hbm>> -> memref<8x2048xf32, #tpu.memory_space<hbm>>
      %dma_start3A_250 = arith.constant 0 : i32
      %dma_start3A_251 = tpu.memref_slice %arg2[%add3A_247, %dma_start3A_250] : memref<16384x2048xf32, #tpu.memory_space<hbm>> -> memref<8x2048xf32, #tpu.memory_space<hbm>>
      tpu.enqueue_dma source(%dma_start3A_251 : memref<8x2048xf32, #tpu.memory_space<hbm>>) target(%arg9 : memref<8x2048xf32, #tpu.memory_space<vmem>>) target_semaphore(%arg18 : memref<!tpu.dma_semaphore, #tpu.memory_space<semaphore_mem>>)
      %mul3A_252 = arith.constant 8 : i32
      %mul3A_253 = arith.muli %add3A_244, %mul3A_252 : i32
      %dma_start3A_254 = tpu.memref_slice %arg6[%mul3A_253] : memref<512xi32, #tpu.memory_space<vmem>> -> memref<8xi32, #tpu.memory_space<vmem>>
      %dma_start3A_255 = arith.constant 0 : i32
      %dma_start3A_256 = arith.constant 0 : i32
      %dma_start3A_257 = tpu.memref_slice %arg4[%dma_start3A_255, %dma_start3A_256] : memref<2048x1024xi32, #tpu.memory_space<hbm>> -> memref<2048x1024xi32, #tpu.memory_space<hbm>>
      tpu.enqueue_indirect_dma source(%dma_start3A_257 : memref<2048x1024xi32, #tpu.memory_space<hbm>>) target(%arg13 : memref<8x1024xi32, #tpu.memory_space<vmem>>) offsets(%dma_start3A_254 : memref<8xi32, #tpu.memory_space<vmem>>) semaphore(%arg22 : memref<!tpu.dma_semaphore, #tpu.memory_space<semaphore_mem>>)
      %mul3A_258 = arith.constant 4 : i32
      %mul3A_259 = arith.muli %scan3A_141, %mul3A_258 : i32
      %add3A_260 = arith.constant 3 : i32
      %add3A_261 = arith.addi %mul3A_259, %add3A_260 : i32
      %dma_wait3A_262 = arith.constant 0 : i32
      %dma_wait3A_263 = arith.constant 0 : i32
      %dma_wait3A_264 = tpu.memref_slice %arg2[%dma_wait3A_262, %dma_wait3A_263] : memref<16384x2048xf32, #tpu.memory_space<hbm>> -> memref<8x2048xf32, #tpu.memory_space<hbm>>
      %dma_wait3A_265 = arith.constant 0 : i32
      %dma_wait3A_266 = arith.constant 0 : i32
      %dma_wait3A_267 = tpu.memref_slice %arg2[%dma_wait3A_265, %dma_wait3A_266] : memref<16384x2048xf32, #tpu.memory_space<hbm>> -> memref<8x2048xf32, #tpu.memory_space<hbm>>
      tpu.wait_dma2 semaphore(%arg19 : memref<!tpu.dma_semaphore, #tpu.memory_space<semaphore_mem>>) src(%dma_wait3A_267 : memref<8x2048xf32, #tpu.memory_space<hbm>>) dst(%arg10 : memref<8x2048xf32, #tpu.memory_space<vmem>>)
      %dma_wait3A_268 = arith.constant 0 : i32
      %dma_wait3A_269 = tpu.memref_slice %arg6[%dma_wait3A_268] : memref<512xi32, #tpu.memory_space<vmem>> -> memref<8xi32, #tpu.memory_space<vmem>>
      %dma_wait3A_270 = arith.constant 0 : i32
      %dma_wait3A_271 = arith.constant 0 : i32
      %dma_wait3A_272 = tpu.memref_slice %arg4[%dma_wait3A_270, %dma_wait3A_271] : memref<2048x1024xi32, #tpu.memory_space<hbm>> -> memref<2048x1024xi32, #tpu.memory_space<hbm>>
      tpu.wait_indirect_dma semaphore(%arg23 : memref<!tpu.dma_semaphore, #tpu.memory_space<semaphore_mem>>) src(%dma_wait3A_272 : memref<2048x1024xi32, #tpu.memory_space<hbm>>) dst(%arg14 : memref<8x1024xi32, #tpu.memory_space<vmem>>)
      %scan3A_273 = arith.constant 0 : i32
      %scan3A_274 = arith.constant 8 : i32
      %scan3A_275 = arith.addi %scan3A_273, %scan3A_274 : i32
      %scan3A_276 = arith.constant 1 : i32
      %scan3A_277:8 = scf.for %scan3A_294 = %scan3A_273 to %scan3A_275 step %scan3A_276 iter_args(%scan3A_295 = %scan3A_241#0, %scan3A_296 = %scan3A_241#1, %scan3A_297 = %scan3A_241#2, %scan3A_298 = %scan3A_241#3, %scan3A_299 = %scan3A_241#4, %scan3A_300 = %scan3A_241#5, %scan3A_301 = %scan3A_241#6, %scan3A_302 = %scan3A_241#7) -> (vector<16xf32>, vector<16xf32>, vector<16xf32>, vector<16xf32>, vector<16xf32>, vector<16xf32>, vector<16xf32>, vector<16xf32>)  : i32 {
        %scan3A_303 = arith.constant 0 : i32
        %scan3A_304 = arith.constant 8 : i32
        %scan3A_305 = arith.addi %scan3A_303, %scan3A_304 : i32
        %scan3A_306 = arith.constant 1 : i32
        %scan3A_307:8 = scf.for %scan3A_309 = %scan3A_303 to %scan3A_305 step %scan3A_306 iter_args(%scan3A_310 = %scan3A_295, %scan3A_311 = %scan3A_296, %scan3A_312 = %scan3A_297, %scan3A_313 = %scan3A_298, %scan3A_314 = %scan3A_299, %scan3A_315 = %scan3A_300, %scan3A_316 = %scan3A_301, %scan3A_317 = %scan3A_302) -> (vector<16xf32>, vector<16xf32>, vector<16xf32>, vector<16xf32>, vector<16xf32>, vector<16xf32>, vector<16xf32>, vector<16xf32>)  : i32 {
          %mul3A_318 = arith.constant 8 : i32
          %mul3A_319 = arith.muli %scan3A_309, %mul3A_318 : i32
          %add3A_320 = arith.constant 0 : i32
          %add3A_321 = arith.addi %mul3A_319, %add3A_320 : i32
          %mul3A_322 = arith.constant 16 : i32
          %mul3A_323 = arith.muli %add3A_321, %mul3A_322 : i32
          %get3A = arith.index_cast %scan3A_294 : i32 to index
          %get3A_324 = arith.index_cast %mul3A_323 : i32 to index
          %get3A_325 = tpu.vector_load %arg10[%get3A, %get3A_324] {strides = array<i32>} : memref<8x2048xf32, #tpu.memory_space<vmem>>, vector<16xf32>,
          %mul3A_326 = arith.constant 16 : i32
          %mul3A_327 = arith.muli %add3A_321, %mul3A_326 : i32
          %add3A_328 = arith.constant 1024 : i32
          %add3A_329 = arith.addi %add3A_328, %mul3A_327 : i32
          %get3A_330 = arith.index_cast %scan3A_294 : i32 to index
          %get3A_331 = arith.index_cast %add3A_329 : i32 to index
          %get3A_332 = tpu.vector_load %arg10[%get3A_330, %get3A_331] {strides = array<i32>} : memref<8x2048xf32, #tpu.memory_space<vmem>>, vector<16xf32>,
          %mul3A_333 = arith.constant 16 : i32
          %mul3A_334 = arith.muli %add3A_321, %mul3A_333 : i32
          %get3A_335 = arith.index_cast %scan3A_294 : i32 to index
          %get3A_336 = arith.index_cast %mul3A_334 : i32 to index
          %get3A_337 = tpu.vector_load %arg14[%get3A_335, %get3A_336] {strides = array<i32>} : memref<8x1024xi32, #tpu.memory_space<vmem>>, vector<16xi32>,
          %bitcast3A = vector.bitcast %get3A_337 : vector<16xi32> to vector<32xbf16>
          %unpack3A = tpu.unpack_subelements %bitcast3A, 0 {pack_format = #tpu.pack_format<interleaved>} : vector<32xbf16> -> vector<16xf32>
          %unpack3A_338 = tpu.unpack_subelements %bitcast3A, 1 {pack_format = #tpu.pack_format<interleaved>} : vector<32xbf16> -> vector<16xf32>
          %sub3A = arith.subf %get3A_325, %unpack3A : vector<16xf32>
          %sub3A_339 = arith.subf %get3A_332, %unpack3A_338 : vector<16xf32>
          %mul3A_340 = arith.mulf %sub3A, %sub3A : vector<16xf32>
          %add3A_341 = arith.addf %scan3A_310, %mul3A_340 : vector<16xf32>
          %mul3A_342 = arith.mulf %sub3A_339, %sub3A_339 : vector<16xf32>
          %add3A_343 = arith.addf %add3A_341, %mul3A_342 : vector<16xf32>
          %mul3A_344 = arith.constant 8 : i32
          %mul3A_345 = arith.muli %scan3A_309, %mul3A_344 : i32
          %add3A_346 = arith.constant 1 : i32
          %add3A_347 = arith.addi %mul3A_345, %add3A_346 : i32
          %mul3A_348 = arith.constant 16 : i32
          %mul3A_349 = arith.muli %add3A_347, %mul3A_348 : i32
          %get3A_350 = arith.index_cast %scan3A_294 : i32 to index
          %get3A_351 = arith.index_cast %mul3A_349 : i32 to index
          %get3A_352 = tpu.vector_load %arg10[%get3A_350, %get3A_351] {strides = array<i32>} : memref<8x2048xf32, #tpu.memory_space<vmem>>, vector<16xf32>,
          %mul3A_353 = arith.constant 16 : i32
          %mul3A_354 = arith.muli %add3A_347, %mul3A_353 : i32
          %add3A_355 = arith.constant 1024 : i32
          %add3A_356 = arith.addi %add3A_355, %mul3A_354 : i32
          %get3A_357 = arith.index_cast %scan3A_294 : i32 to index
          %get3A_358 = arith.index_cast %add3A_356 : i32 to index
          %get3A_359 = tpu.vector_load %arg10[%get3A_357, %get3A_358] {strides = array<i32>} : memref<8x2048xf32, #tpu.memory_space<vmem>>, vector<16xf32>,
          %mul3A_360 = arith.constant 16 : i32
          %mul3A_361 = arith.muli %add3A_347, %mul3A_360 : i32
          %get3A_362 = arith.index_cast %scan3A_294 : i32 to index
          %get3A_363 = arith.index_cast %mul3A_361 : i32 to index
          %get3A_364 = tpu.vector_load %arg14[%get3A_362, %get3A_363] {strides = array<i32>} : memref<8x1024xi32, #tpu.memory_space<vmem>>, vector<16xi32>,
          %bitcast3A_365 = vector.bitcast %get3A_364 : vector<16xi32> to vector<32xbf16>
          %unpack3A_366 = tpu.unpack_subelements %bitcast3A_365, 0 {pack_format = #tpu.pack_format<interleaved>} : vector<32xbf16> -> vector<16xf32>
          %unpack3A_367 = tpu.unpack_subelements %bitcast3A_365, 1 {pack_format = #tpu.pack_format<interleaved>} : vector<32xbf16> -> vector<16xf32>
          %sub3A_368 = arith.subf %get3A_352, %unpack3A_366 : vector<16xf32>
          %sub3A_369 = arith.subf %get3A_359, %unpack3A_367 : vector<16xf32>
          %mul3A_370 = arith.mulf %sub3A_368, %sub3A_368 : vector<16xf32>
          %add3A_371 = arith.addf %scan3A_311, %mul3A_370 : vector<16xf32>
          %mul3A_372 = arith.mulf %sub3A_369, %sub3A_369 : vector<16xf32>
          %add3A_373 = arith.addf %add3A_371, %mul3A_372 : vector<16xf32>
          %mul3A_374 = arith.constant 8 : i32
          %mul3A_375 = arith.muli %scan3A_309, %mul3A_374 : i32
          %add3A_376 = arith.constant 2 : i32
          %add3A_377 = arith.addi %mul3A_375, %add3A_376 : i32
          %mul3A_378 = arith.constant 16 : i32
          %mul3A_379 = arith.muli %add3A_377, %mul3A_378 : i32
          %get3A_380 = arith.index_cast %scan3A_294 : i32 to index
          %get3A_381 = arith.index_cast %mul3A_379 : i32 to index
          %get3A_382 = tpu.vector_load %arg10[%get3A_380, %get3A_381] {strides = array<i32>} : memref<8x2048xf32, #tpu.memory_space<vmem>>, vector<16xf32>,
          %mul3A_383 = arith.constant 16 : i32
          %mul3A_384 = arith.muli %add3A_377, %mul3A_383 : i32
          %add3A_385 = arith.constant 1024 : i32
          %add3A_386 = arith.addi %add3A_385, %mul3A_384 : i32
          %get3A_387 = arith.index_cast %scan3A_294 : i32 to index
          %get3A_388 = arith.index_cast %add3A_386 : i32 to index
          %get3A_389 = tpu.vector_load %arg10[%get3A_387, %get3A_388] {strides = array<i32>} : memref<8x2048xf32, #tpu.memory_space<vmem>>, vector<16xf32>,
          %mul3A_390 = arith.constant 16 : i32
          %mul3A_391 = arith.muli %add3A_377, %mul3A_390 : i32
          %get3A_392 = arith.index_cast %scan3A_294 : i32 to index
          %get3A_393 = arith.index_cast %mul3A_391 : i32 to index
          %get3A_394 = tpu.vector_load %arg14[%get3A_392, %get3A_393] {strides = array<i32>} : memref<8x1024xi32, #tpu.memory_space<vmem>>, vector<16xi32>,
          %bitcast3A_395 = vector.bitcast %get3A_394 : vector<16xi32> to vector<32xbf16>
          %unpack3A_396 = tpu.unpack_subelements %bitcast3A_395, 0 {pack_format = #tpu.pack_format<interleaved>} : vector<32xbf16> -> vector<16xf32>
          %unpack3A_397 = tpu.unpack_subelements %bitcast3A_395, 1 {pack_format = #tpu.pack_format<interleaved>} : vector<32xbf16> -> vector<16xf32>
          %sub3A_398 = arith.subf %get3A_382, %unpack3A_396 : vector<16xf32>
          %sub3A_399 = arith.subf %get3A_389, %unpack3A_397 : vector<16xf32>
          %mul3A_400 = arith.mulf %sub3A_398, %sub3A_398 : vector<16xf32>
          %add3A_401 = arith.addf %scan3A_312, %mul3A_400 : vector<16xf32>
          %mul3A_402 = arith.mulf %sub3A_399, %sub3A_399 : vector<16xf32>
          %add3A_403 = arith.addf %add3A_401, %mul3A_402 : vector<16xf32>
          %mul3A_404 = arith.constant 8 : i32
          %mul3A_405 = arith.muli %scan3A_309, %mul3A_404 : i32
          %add3A_406 = arith.constant 3 : i32
          %add3A_407 = arith.addi %mul3A_405, %add3A_406 : i32
          %mul3A_408 = arith.constant 16 : i32
          %mul3A_409 = arith.muli %add3A_407, %mul3A_408 : i32
          %get3A_410 = arith.index_cast %scan3A_294 : i32 to index
          %get3A_411 = arith.index_cast %mul3A_409 : i32 to index
          %get3A_412 = tpu.vector_load %arg10[%get3A_410, %get3A_411] {strides = array<i32>} : memref<8x2048xf32, #tpu.memory_space<vmem>>, vector<16xf32>,
          %mul3A_413 = arith.constant 16 : i32
          %mul3A_414 = arith.muli %add3A_407, %mul3A_413 : i32
          %add3A_415 = arith.constant 1024 : i32
          %add3A_416 = arith.addi %add3A_415, %mul3A_414 : i32
          %get3A_417 = arith.index_cast %scan3A_294 : i32 to index
          %get3A_418 = arith.index_cast %add3A_416 : i32 to index
          %get3A_419 = tpu.vector_load %arg10[%get3A_417, %get3A_418] {strides = array<i32>} : memref<8x2048xf32, #tpu.memory_space<vmem>>, vector<16xf32>,
          %mul3A_420 = arith.constant 16 : i32
          %mul3A_421 = arith.muli %add3A_407, %mul3A_420 : i32
          %get3A_422 = arith.index_cast %scan3A_294 : i32 to index
          %get3A_423 = arith.index_cast %mul3A_421 : i32 to index
          %get3A_424 = tpu.vector_load %arg14[%get3A_422, %get3A_423] {strides = array<i32>} : memref<8x1024xi32, #tpu.memory_space<vmem>>, vector<16xi32>,
          %bitcast3A_425 = vector.bitcast %get3A_424 : vector<16xi32> to vector<32xbf16>
          %unpack3A_426 = tpu.unpack_subelements %bitcast3A_425, 0 {pack_format = #tpu.pack_format<interleaved>} : vector<32xbf16> -> vector<16xf32>
          %unpack3A_427 = tpu.unpack_subelements %bitcast3A_425, 1 {pack_format = #tpu.pack_format<interleaved>} : vector<32xbf16> -> vector<16xf32>
          %sub3A_428 = arith.subf %get3A_412, %unpack3A_426 : vector<16xf32>
          %sub3A_429 = arith.subf %get3A_419, %unpack3A_427 : vector<16xf32>
          %mul3A_430 = arith.mulf %sub3A_428, %sub3A_428 : vector<16xf32>
          %add3A_431 = arith.addf %scan3A_313, %mul3A_430 : vector<16xf32>
          %mul3A_432 = arith.mulf %sub3A_429, %sub3A_429 : vector<16xf32>
          %add3A_433 = arith.addf %add3A_431, %mul3A_432 : vector<16xf32>
          %mul3A_434 = arith.constant 8 : i32
          %mul3A_435 = arith.muli %scan3A_309, %mul3A_434 : i32
          %add3A_436 = arith.constant 4 : i32
          %add3A_437 = arith.addi %mul3A_435, %add3A_436 : i32
          %mul3A_438 = arith.constant 16 : i32
          %mul3A_439 = arith.muli %add3A_437, %mul3A_438 : i32
          %get3A_440 = arith.index_cast %scan3A_294 : i32 to index
          %get3A_441 = arith.index_cast %mul3A_439 : i32 to index
          %get3A_442 = tpu.vector_load %arg10[%get3A_440, %get3A_441] {strides = array<i32>} : memref<8x2048xf32, #tpu.memory_space<vmem>>, vector<16xf32>,
          %mul3A_443 = arith.constant 16 : i32
          %mul3A_444 = arith.muli %add3A_437, %mul3A_443 : i32
          %add3A_445 = arith.constant 1024 : i32
          %add3A_446 = arith.addi %add3A_445, %mul3A_444 : i32
          %get3A_447 = arith.index_cast %scan3A_294 : i32 to index
          %get3A_448 = arith.index_cast %add3A_446 : i32 to index
          %get3A_449 = tpu.vector_load %arg10[%get3A_447, %get3A_448] {strides = array<i32>} : memref<8x2048xf32, #tpu.memory_space<vmem>>, vector<16xf32>,
          %mul3A_450 = arith.constant 16 : i32
          %mul3A_451 = arith.muli %add3A_437, %mul3A_450 : i32
          %get3A_452 = arith.index_cast %scan3A_294 : i32 to index
          %get3A_453 = arith.index_cast %mul3A_451 : i32 to index
          %get3A_454 = tpu.vector_load %arg14[%get3A_452, %get3A_453] {strides = array<i32>} : memref<8x1024xi32, #tpu.memory_space<vmem>>, vector<16xi32>,
          %bitcast3A_455 = vector.bitcast %get3A_454 : vector<16xi32> to vector<32xbf16>
          %unpack3A_456 = tpu.unpack_subelements %bitcast3A_455, 0 {pack_format = #tpu.pack_format<interleaved>} : vector<32xbf16> -> vector<16xf32>
          %unpack3A_457 = tpu.unpack_subelements %bitcast3A_455, 1 {pack_format = #tpu.pack_format<interleaved>} : vector<32xbf16> -> vector<16xf32>
          %sub3A_458 = arith.subf %get3A_442, %unpack3A_456 : vector<16xf32>
          %sub3A_459 = arith.subf %get3A_449, %unpack3A_457 : vector<16xf32>
          %mul3A_460 = arith.mulf %sub3A_458, %sub3A_458 : vector<16xf32>
          %add3A_461 = arith.addf %scan3A_314, %mul3A_460 : vector<16xf32>
          %mul3A_462 = arith.mulf %sub3A_459, %sub3A_459 : vector<16xf32>
          %add3A_463 = arith.addf %add3A_461, %mul3A_462 : vector<16xf32>
          %mul3A_464 = arith.constant 8 : i32
          %mul3A_465 = arith.muli %scan3A_309, %mul3A_464 : i32
          %add3A_466 = arith.constant 5 : i32
          %add3A_467 = arith.addi %mul3A_465, %add3A_466 : i32
          %mul3A_468 = arith.constant 16 : i32
          %mul3A_469 = arith.muli %add3A_467, %mul3A_468 : i32
          %get3A_470 = arith.index_cast %scan3A_294 : i32 to index
          %get3A_471 = arith.index_cast %mul3A_469 : i32 to index
          %get3A_472 = tpu.vector_load %arg10[%get3A_470, %get3A_471] {strides = array<i32>} : memref<8x2048xf32, #tpu.memory_space<vmem>>, vector<16xf32>,
          %mul3A_473 = arith.constant 16 : i32
          %mul3A_474 = arith.muli %add3A_467, %mul3A_473 : i32
          %add3A_475 = arith.constant 1024 : i32
          %add3A_476 = arith.addi %add3A_475, %mul3A_474 : i32
          %get3A_477 = arith.index_cast %scan3A_294 : i32 to index
          %get3A_478 = arith.index_cast %add3A_476 : i32 to index
          %get3A_479 = tpu.vector_load %arg10[%get3A_477, %get3A_478] {strides = array<i32>} : memref<8x2048xf32, #tpu.memory_space<vmem>>, vector<16xf32>,
          %mul3A_480 = arith.constant 16 : i32
          %mul3A_481 = arith.muli %add3A_467, %mul3A_480 : i32
          %get3A_482 = arith.index_cast %scan3A_294 : i32 to index
          %get3A_483 = arith.index_cast %mul3A_481 : i32 to index
          %get3A_484 = tpu.vector_load %arg14[%get3A_482, %get3A_483] {strides = array<i32>} : memref<8x1024xi32, #tpu.memory_space<vmem>>, vector<16xi32>,
          %bitcast3A_485 = vector.bitcast %get3A_484 : vector<16xi32> to vector<32xbf16>
          %unpack3A_486 = tpu.unpack_subelements %bitcast3A_485, 0 {pack_format = #tpu.pack_format<interleaved>} : vector<32xbf16> -> vector<16xf32>
          %unpack3A_487 = tpu.unpack_subelements %bitcast3A_485, 1 {pack_format = #tpu.pack_format<interleaved>} : vector<32xbf16> -> vector<16xf32>
          %sub3A_488 = arith.subf %get3A_472, %unpack3A_486 : vector<16xf32>
          %sub3A_489 = arith.subf %get3A_479, %unpack3A_487 : vector<16xf32>
          %mul3A_490 = arith.mulf %sub3A_488, %sub3A_488 : vector<16xf32>
          %add3A_491 = arith.addf %scan3A_315, %mul3A_490 : vector<16xf32>
          %mul3A_492 = arith.mulf %sub3A_489, %sub3A_489 : vector<16xf32>
          %add3A_493 = arith.addf %add3A_491, %mul3A_492 : vector<16xf32>
          %mul3A_494 = arith.constant 8 : i32
          %mul3A_495 = arith.muli %scan3A_309, %mul3A_494 : i32
          %add3A_496 = arith.constant 6 : i32
          %add3A_497 = arith.addi %mul3A_495, %add3A_496 : i32
          %mul3A_498 = arith.constant 16 : i32
          %mul3A_499 = arith.muli %add3A_497, %mul3A_498 : i32
          %get3A_500 = arith.index_cast %scan3A_294 : i32 to index
          %get3A_501 = arith.index_cast %mul3A_499 : i32 to index
          %get3A_502 = tpu.vector_load %arg10[%get3A_500, %get3A_501] {strides = array<i32>} : memref<8x2048xf32, #tpu.memory_space<vmem>>, vector<16xf32>,
          %mul3A_503 = arith.constant 16 : i32
          %mul3A_504 = arith.muli %add3A_497, %mul3A_503 : i32
          %add3A_505 = arith.constant 1024 : i32
          %add3A_506 = arith.addi %add3A_505, %mul3A_504 : i32
          %get3A_507 = arith.index_cast %scan3A_294 : i32 to index
          %get3A_508 = arith.index_cast %add3A_506 : i32 to index
          %get3A_509 = tpu.vector_load %arg10[%get3A_507, %get3A_508] {strides = array<i32>} : memref<8x2048xf32, #tpu.memory_space<vmem>>, vector<16xf32>,
          %mul3A_510 = arith.constant 16 : i32
          %mul3A_511 = arith.muli %add3A_497, %mul3A_510 : i32
          %get3A_512 = arith.index_cast %scan3A_294 : i32 to index
          %get3A_513 = arith.index_cast %mul3A_511 : i32 to index
          %get3A_514 = tpu.vector_load %arg14[%get3A_512, %get3A_513] {strides = array<i32>} : memref<8x1024xi32, #tpu.memory_space<vmem>>, vector<16xi32>,
          %bitcast3A_515 = vector.bitcast %get3A_514 : vector<16xi32> to vector<32xbf16>
          %unpack3A_516 = tpu.unpack_subelements %bitcast3A_515, 0 {pack_format = #tpu.pack_format<interleaved>} : vector<32xbf16> -> vector<16xf32>
          %unpack3A_517 = tpu.unpack_subelements %bitcast3A_515, 1 {pack_format = #tpu.pack_format<interleaved>} : vector<32xbf16> -> vector<16xf32>
          %sub3A_518 = arith.subf %get3A_502, %unpack3A_516 : vector<16xf32>
          %sub3A_519 = arith.subf %get3A_509, %unpack3A_517 : vector<16xf32>
          %mul3A_520 = arith.mulf %sub3A_518, %sub3A_518 : vector<16xf32>
          %add3A_521 = arith.addf %scan3A_316, %mul3A_520 : vector<16xf32>
          %mul3A_522 = arith.mulf %sub3A_519, %sub3A_519 : vector<16xf32>
          %add3A_523 = arith.addf %add3A_521, %mul3A_522 : vector<16xf32>
          %mul3A_524 = arith.constant 8 : i32
          %mul3A_525 = arith.muli %scan3A_309, %mul3A_524 : i32
          %add3A_526 = arith.constant 7 : i32
          %add3A_527 = arith.addi %mul3A_525, %add3A_526 : i32
          %mul3A_528 = arith.constant 16 : i32
          %mul3A_529 = arith.muli %add3A_527, %mul3A_528 : i32
          %get3A_530 = arith.index_cast %scan3A_294 : i32 to index
          %get3A_531 = arith.index_cast %mul3A_529 : i32 to index
          %get3A_532 = tpu.vector_load %arg10[%get3A_530, %get3A_531] {strides = array<i32>} : memref<8x2048xf32, #tpu.memory_space<vmem>>, vector<16xf32>,
          %mul3A_533 = arith.constant 16 : i32
          %mul3A_534 = arith.muli %add3A_527, %mul3A_533 : i32
          %add3A_535 = arith.constant 1024 : i32
          %add3A_536 = arith.addi %add3A_535, %mul3A_534 : i32
          %get3A_537 = arith.index_cast %scan3A_294 : i32 to index
          %get3A_538 = arith.index_cast %add3A_536 : i32 to index
          %get3A_539 = tpu.vector_load %arg10[%get3A_537, %get3A_538] {strides = array<i32>} : memref<8x2048xf32, #tpu.memory_space<vmem>>, vector<16xf32>,
          %mul3A_540 = arith.constant 16 : i32
          %mul3A_541 = arith.muli %add3A_527, %mul3A_540 : i32
          %get3A_542 = arith.index_cast %scan3A_294 : i32 to index
          %get3A_543 = arith.index_cast %mul3A_541 : i32 to index
          %get3A_544 = tpu.vector_load %arg14[%get3A_542, %get3A_543] {strides = array<i32>} : memref<8x1024xi32, #tpu.memory_space<vmem>>, vector<16xi32>,
          %bitcast3A_545 = vector.bitcast %get3A_544 : vector<16xi32> to vector<32xbf16>
          %unpack3A_546 = tpu.unpack_subelements %bitcast3A_545, 0 {pack_format = #tpu.pack_format<interleaved>} : vector<32xbf16> -> vector<16xf32>
          %unpack3A_547 = tpu.unpack_subelements %bitcast3A_545, 1 {pack_format = #tpu.pack_format<interleaved>} : vector<32xbf16> -> vector<16xf32>
          %sub3A_548 = arith.subf %get3A_532, %unpack3A_546 : vector<16xf32>
          %sub3A_549 = arith.subf %get3A_539, %unpack3A_547 : vector<16xf32>
          %mul3A_550 = arith.mulf %sub3A_548, %sub3A_548 : vector<16xf32>
          %add3A_551 = arith.addf %scan3A_317, %mul3A_550 : vector<16xf32>
          %mul3A_552 = arith.mulf %sub3A_549, %sub3A_549 : vector<16xf32>
          %add3A_553 = arith.addf %add3A_551, %mul3A_552 : vector<16xf32>
          scf.yield %add3A_343, %add3A_373, %add3A_403, %add3A_433, %add3A_463, %add3A_493, %add3A_523, %add3A_553 : vector<16xf32>, vector<16xf32>, vector<16xf32>, vector<16xf32>, vector<16xf32>, vector<16xf32>, vector<16xf32>, vector<16xf32>
        }
        %scan3A_308 = arith.constant 8 : i32
        scf.yield %scan3A_307#0, %scan3A_307#1, %scan3A_307#2, %scan3A_307#3, %scan3A_307#4, %scan3A_307#5, %scan3A_307#6, %scan3A_307#7 : vector<16xf32>, vector<16xf32>, vector<16xf32>, vector<16xf32>, vector<16xf32>, vector<16xf32>, vector<16xf32>, vector<16xf32>
      }
      %scan3A_278 = arith.constant 8 : i32
      %add3A_279 = arith.constant 4 : i32
      %add3A_280 = arith.addi %add3A_261, %add3A_279 : i32
      %mul3A_281 = arith.constant 8 : i32
      %mul3A_282 = arith.muli %add3A_280, %mul3A_281 : i32
      %add3A_283 = arith.addi %mul3A_2, %mul3A_282 : i32
      %dma_start3A_284 = arith.constant 0 : i32
      %dma_start3A_285 = tpu.memref_slice %arg2[%add3A_283, %dma_start3A_284] : memref<16384x2048xf32, #tpu.memory_space<hbm>> -> memref<8x2048xf32, #tpu.memory_space<hbm>>
      %dma_start3A_286 = arith.constant 0 : i32
      %dma_start3A_287 = tpu.memref_slice %arg2[%add3A_283, %dma_start3A_286] : memref<16384x2048xf32, #tpu.memory_space<hbm>> -> memref<8x2048xf32, #tpu.memory_space<hbm>>
      tpu.enqueue_dma source(%dma_start3A_287 : memref<8x2048xf32, #tpu.memory_space<hbm>>) target(%arg10 : memref<8x2048xf32, #tpu.memory_space<vmem>>) target_semaphore(%arg19 : memref<!tpu.dma_semaphore, #tpu.memory_space<semaphore_mem>>)
      %mul3A_288 = arith.constant 8 : i32
      %mul3A_289 = arith.muli %add3A_280, %mul3A_288 : i32
      %dma_start3A_290 = tpu.memref_slice %arg6[%mul3A_289] : memref<512xi32, #tpu.memory_space<vmem>> -> memref<8xi32, #tpu.memory_space<vmem>>
      %dma_start3A_291 = arith.constant 0 : i32
      %dma_start3A_292 = arith.constant 0 : i32
      %dma_start3A_293 = tpu.memref_slice %arg4[%dma_start3A_291, %dma_start3A_292] : memref<2048x1024xi32, #tpu.memory_space<hbm>> -> memref<2048x1024xi32, #tpu.memory_space<hbm>>
      tpu.enqueue_indirect_dma source(%dma_start3A_293 : memref<2048x1024xi32, #tpu.memory_space<hbm>>) target(%arg14 : memref<8x1024xi32, #tpu.memory_space<vmem>>) offsets(%dma_start3A_290 : memref<8xi32, #tpu.memory_space<vmem>>) semaphore(%arg23 : memref<!tpu.dma_semaphore, #tpu.memory_space<semaphore_mem>>)
      scf.yield %scan3A_277#0, %scan3A_277#1, %scan3A_277#2, %scan3A_277#3, %scan3A_277#4, %scan3A_277#5, %scan3A_277#6, %scan3A_277#7 : vector<16xf32>, vector<16xf32>, vector<16xf32>, vector<16xf32>, vector<16xf32>, vector<16xf32>, vector<16xf32>, vector<16xf32>
    }
    %scan3A_65 = arith.constant 15 : i32
    %dma_wait3A = arith.constant 0 : i32
    %dma_wait3A_66 = arith.constant 0 : i32
    %dma_wait3A_67 = tpu.memref_slice %arg2[%dma_wait3A, %dma_wait3A_66] : memref<16384x2048xf32, #tpu.memory_space<hbm>> -> memref<8x2048xf32, #tpu.memory_space<hbm>>
    %dma_wait3A_68 = arith.constant 0 : i32
    %dma_wait3A_69 = arith.constant 0 : i32
    %dma_wait3A_70 = tpu.memref_slice %arg2[%dma_wait3A_68, %dma_wait3A_69] : memref<16384x2048xf32, #tpu.memory_space<hbm>> -> memref<8x2048xf32, #tpu.memory_space<hbm>>
    tpu.wait_dma2 semaphore(%arg16 : memref<!tpu.dma_semaphore, #tpu.memory_space<semaphore_mem>>) src(%dma_wait3A_70 : memref<8x2048xf32, #tpu.memory_space<hbm>>) dst(%arg7 : memref<8x2048xf32, #tpu.memory_space<vmem>>)
    %dma_wait3A_71 = arith.constant 0 : i32
    %dma_wait3A_72 = tpu.memref_slice %arg6[%dma_wait3A_71] : memref<512xi32, #tpu.memory_space<vmem>> -> memref<8xi32, #tpu.memory_space<vmem>>
    %dma_wait3A_73 = arith.constant 0 : i32
    %dma_wait3A_74 = arith.constant 0 : i32
    %dma_wait3A_75 = tpu.memref_slice %arg4[%dma_wait3A_73, %dma_wait3A_74] : memref<2048x1024xi32, #tpu.memory_space<hbm>> -> memref<2048x1024xi32, #tpu.memory_space<hbm>>
    tpu.wait_indirect_dma semaphore(%arg20 : memref<!tpu.dma_semaphore, #tpu.memory_space<semaphore_mem>>) src(%dma_wait3A_75 : memref<2048x1024xi32, #tpu.memory_space<hbm>>) dst(%arg11 : memref<8x1024xi32, #tpu.memory_space<vmem>>)
    %scan3A_76 = arith.constant 0 : i32
    %scan3A_77 = arith.constant 8 : i32
    %scan3A_78 = arith.addi %scan3A_76, %scan3A_77 : i32
    %scan3A_79 = arith.constant 1 : i32
    %scan3A_80:8 = scf.for %scan3A_141 = %scan3A_76 to %scan3A_78 step %scan3A_79 iter_args(%scan3A_142 = %scan3A_64#0, %scan3A_143 = %scan3A_64#1, %scan3A_144 = %scan3A_64#2, %scan3A_145 = %scan3A_64#3, %scan3A_146 = %scan3A_64#4, %scan3A_147 = %scan3A_64#5, %scan3A_148 = %scan3A_64#6, %scan3A_149 = %scan3A_64#7) -> (vector<16xf32>, vector<16xf32>, vector<16xf32>, vector<16xf32>, vector<16xf32>, vector<16xf32>, vector<16xf32>, vector<16xf32>)  : i32 {
      %scan3A_150 = arith.constant 0 : i32
      %scan3A_151 = arith.constant 8 : i32
      %scan3A_152 = arith.addi %scan3A_150, %scan3A_151 : i32
      %scan3A_153 = arith.constant 1 : i32
      %scan3A_154:8 = scf.for %scan3A_156 = %scan3A_150 to %scan3A_152 step %scan3A_153 iter_args(%scan3A_157 = %scan3A_142, %scan3A_158 = %scan3A_143, %scan3A_159 = %scan3A_144, %scan3A_160 = %scan3A_145, %scan3A_161 = %scan3A_146, %scan3A_162 = %scan3A_147, %scan3A_163 = %scan3A_148, %scan3A_164 = %scan3A_149) -> (vector<16xf32>, vector<16xf32>, vector<16xf32>, vector<16xf32>, vector<16xf32>, vector<16xf32>, vector<16xf32>, vector<16xf32>)  : i32 {
        %mul3A_165 = arith.constant 8 : i32
        %mul3A_166 = arith.muli %scan3A_156, %mul3A_165 : i32
        %add3A_167 = arith.constant 0 : i32
        %add3A_168 = arith.addi %mul3A_166, %add3A_167 : i32
        %mul3A_169 = arith.constant 16 : i32
        %mul3A_170 = arith.muli %add3A_168, %mul3A_169 : i32
        %get3A = arith.index_cast %scan3A_141 : i32 to index
        %get3A_171 = arith.index_cast %mul3A_170 : i32 to index
        %get3A_172 = tpu.vector_load %arg7[%get3A, %get3A_171] {strides = array<i32>} : memref<8x2048xf32, #tpu.memory_space<vmem>>, vector<16xf32>,
        %mul3A_173 = arith.constant 16 : i32
        %mul3A_174 = arith.muli %add3A_168, %mul3A_173 : i32
        %add3A_175 = arith.constant 1024 : i32
        %add3A_176 = arith.addi %add3A_175, %mul3A_174 : i32
        %get3A_177 = arith.index_cast %scan3A_141 : i32 to index
        %get3A_178 = arith.index_cast %add3A_176 : i32 to index
        %get3A_179 = tpu.vector_load %arg7[%get3A_177, %get3A_178] {strides = array<i32>} : memref<8x2048xf32, #tpu.memory_space<vmem>>, vector<16xf32>,
        %mul3A_180 = arith.constant 16 : i32
        %mul3A_181 = arith.muli %add3A_168, %mul3A_180 : i32
        %get3A_182 = arith.index_cast %scan3A_141 : i32 to index
        %get3A_183 = arith.index_cast %mul3A_181 : i32 to index
        %get3A_184 = tpu.vector_load %arg11[%get3A_182, %get3A_183] {strides = array<i32>} : memref<8x1024xi32, #tpu.memory_space<vmem>>, vector<16xi32>,
        %bitcast3A = vector.bitcast %get3A_184 : vector<16xi32> to vector<32xbf16>
        %unpack3A = tpu.unpack_subelements %bitcast3A, 0 {pack_format = #tpu.pack_format<interleaved>} : vector<32xbf16> -> vector<16xf32>
        %unpack3A_185 = tpu.unpack_subelements %bitcast3A, 1 {pack_format = #tpu.pack_format<interleaved>} : vector<32xbf16> -> vector<16xf32>
        %sub3A = arith.subf %get3A_172, %unpack3A : vector<16xf32>
        %sub3A_186 = arith.subf %get3A_179, %unpack3A_185 : vector<16xf32>
        %mul3A_187 = arith.mulf %sub3A, %sub3A : vector<16xf32>
        %add3A_188 = arith.addf %scan3A_157, %mul3A_187 : vector<16xf32>
        %mul3A_189 = arith.mulf %sub3A_186, %sub3A_186 : vector<16xf32>
        %add3A_190 = arith.addf %add3A_188, %mul3A_189 : vector<16xf32>
        %mul3A_191 = arith.constant 8 : i32
        %mul3A_192 = arith.muli %scan3A_156, %mul3A_191 : i32
        %add3A_193 = arith.constant 1 : i32
        %add3A_194 = arith.addi %mul3A_192, %add3A_193 : i32
        %mul3A_195 = arith.constant 16 : i32
        %mul3A_196 = arith.muli %add3A_194, %mul3A_195 : i32
        %get3A_197 = arith.index_cast %scan3A_141 : i32 to index
        %get3A_198 = arith.index_cast %mul3A_196 : i32 to index
        %get3A_199 = tpu.vector_load %arg7[%get3A_197, %get3A_198] {strides = array<i32>} : memref<8x2048xf32, #tpu.memory_space<vmem>>, vector<16xf32>,
        %mul3A_200 = arith.constant 16 : i32
        %mul3A_201 = arith.muli %add3A_194, %mul3A_200 : i32
        %add3A_202 = arith.constant 1024 : i32
        %add3A_203 = arith.addi %add3A_202, %mul3A_201 : i32
        %get3A_204 = arith.index_cast %scan3A_141 : i32 to index
        %get3A_205 = arith.index_cast %add3A_203 : i32 to index
        %get3A_206 = tpu.vector_load %arg7[%get3A_204, %get3A_205] {strides = array<i32>} : memref<8x2048xf32, #tpu.memory_space<vmem>>, vector<16xf32>,
        %mul3A_207 = arith.constant 16 : i32
        %mul3A_208 = arith.muli %add3A_194, %mul3A_207 : i32
        %get3A_209 = arith.index_cast %scan3A_141 : i32 to index
        %get3A_210 = arith.index_cast %mul3A_208 : i32 to index
        %get3A_211 = tpu.vector_load %arg11[%get3A_209, %get3A_210] {strides = array<i32>} : memref<8x1024xi32, #tpu.memory_space<vmem>>, vector<16xi32>,
        %bitcast3A_212 = vector.bitcast %get3A_211 : vector<16xi32> to vector<32xbf16>
        %unpack3A_213 = tpu.unpack_subelements %bitcast3A_212, 0 {pack_format = #tpu.pack_format<interleaved>} : vector<32xbf16> -> vector<16xf32>
        %unpack3A_214 = tpu.unpack_subelements %bitcast3A_212, 1 {pack_format = #tpu.pack_format<interleaved>} : vector<32xbf16> -> vector<16xf32>
        %sub3A_215 = arith.subf %get3A_199, %unpack3A_213 : vector<16xf32>
        %sub3A_216 = arith.subf %get3A_206, %unpack3A_214 : vector<16xf32>
        %mul3A_217 = arith.mulf %sub3A_215, %sub3A_215 : vector<16xf32>
        %add3A_218 = arith.addf %scan3A_158, %mul3A_217 : vector<16xf32>
        %mul3A_219 = arith.mulf %sub3A_216, %sub3A_216 : vector<16xf32>
        %add3A_220 = arith.addf %add3A_218, %mul3A_219 : vector<16xf32>
        %mul3A_221 = arith.constant 8 : i32
        %mul3A_222 = arith.muli %scan3A_156, %mul3A_221 : i32
        %add3A_223 = arith.constant 2 : i32
        %add3A_224 = arith.addi %mul3A_222, %add3A_223 : i32
        %mul3A_225 = arith.constant 16 : i32
        %mul3A_226 = arith.muli %add3A_224, %mul3A_225 : i32
        %get3A_227 = arith.index_cast %scan3A_141 : i32 to index
        %get3A_228 = arith.index_cast %mul3A_226 : i32 to index
        %get3A_229 = tpu.vector_load %arg7[%get3A_227, %get3A_228] {strides = array<i32>} : memref<8x2048xf32, #tpu.memory_space<vmem>>, vector<16xf32>,
        %mul3A_230 = arith.constant 16 : i32
        %mul3A_231 = arith.muli %add3A_224, %mul3A_230 : i32
        %add3A_232 = arith.constant 1024 : i32
        %add3A_233 = arith.addi %add3A_232, %mul3A_231 : i32
        %get3A_234 = arith.index_cast %scan3A_141 : i32 to index
        %get3A_235 = arith.index_cast %add3A_233 : i32 to index
        %get3A_236 = tpu.vector_load %arg7[%get3A_234, %get3A_235] {strides = array<i32>} : memref<8x2048xf32, #tpu.memory_space<vmem>>, vector<16xf32>,
        %mul3A_237 = arith.constant 16 : i32
        %mul3A_238 = arith.muli %add3A_224, %mul3A_237 : i32
        %get3A_239 = arith.index_cast %scan3A_141 : i32 to index
        %get3A_240 = arith.index_cast %mul3A_238 : i32 to index
        %get3A_241 = tpu.vector_load %arg11[%get3A_239, %get3A_240] {strides = array<i32>} : memref<8x1024xi32, #tpu.memory_space<vmem>>, vector<16xi32>,
        %bitcast3A_242 = vector.bitcast %get3A_241 : vector<16xi32> to vector<32xbf16>
        %unpack3A_243 = tpu.unpack_subelements %bitcast3A_242, 0 {pack_format = #tpu.pack_format<interleaved>} : vector<32xbf16> -> vector<16xf32>
        %unpack3A_244 = tpu.unpack_subelements %bitcast3A_242, 1 {pack_format = #tpu.pack_format<interleaved>} : vector<32xbf16> -> vector<16xf32>
        %sub3A_245 = arith.subf %get3A_229, %unpack3A_243 : vector<16xf32>
        %sub3A_246 = arith.subf %get3A_236, %unpack3A_244 : vector<16xf32>
        %mul3A_247 = arith.mulf %sub3A_245, %sub3A_245 : vector<16xf32>
        %add3A_248 = arith.addf %scan3A_159, %mul3A_247 : vector<16xf32>
        %mul3A_249 = arith.mulf %sub3A_246, %sub3A_246 : vector<16xf32>
        %add3A_250 = arith.addf %add3A_248, %mul3A_249 : vector<16xf32>
        %mul3A_251 = arith.constant 8 : i32
        %mul3A_252 = arith.muli %scan3A_156, %mul3A_251 : i32
        %add3A_253 = arith.constant 3 : i32
        %add3A_254 = arith.addi %mul3A_252, %add3A_253 : i32
        %mul3A_255 = arith.constant 16 : i32
        %mul3A_256 = arith.muli %add3A_254, %mul3A_255 : i32
        %get3A_257 = arith.index_cast %scan3A_141 : i32 to index
        %get3A_258 = arith.index_cast %mul3A_256 : i32 to index
        %get3A_259 = tpu.vector_load %arg7[%get3A_257, %get3A_258] {strides = array<i32>} : memref<8x2048xf32, #tpu.memory_space<vmem>>, vector<16xf32>,
        %mul3A_260 = arith.constant 16 : i32
        %mul3A_261 = arith.muli %add3A_254, %mul3A_260 : i32
        %add3A_262 = arith.constant 1024 : i32
        %add3A_263 = arith.addi %add3A_262, %mul3A_261 : i32
        %get3A_264 = arith.index_cast %scan3A_141 : i32 to index
        %get3A_265 = arith.index_cast %add3A_263 : i32 to index
        %get3A_266 = tpu.vector_load %arg7[%get3A_264, %get3A_265] {strides = array<i32>} : memref<8x2048xf32, #tpu.memory_space<vmem>>, vector<16xf32>,
        %mul3A_267 = arith.constant 16 : i32
        %mul3A_268 = arith.muli %add3A_254, %mul3A_267 : i32
        %get3A_269 = arith.index_cast %scan3A_141 : i32 to index
        %get3A_270 = arith.index_cast %mul3A_268 : i32 to index
        %get3A_271 = tpu.vector_load %arg11[%get3A_269, %get3A_270] {strides = array<i32>} : memref<8x1024xi32, #tpu.memory_space<vmem>>, vector<16xi32>,
        %bitcast3A_272 = vector.bitcast %get3A_271 : vector<16xi32> to vector<32xbf16>
        %unpack3A_273 = tpu.unpack_subelements %bitcast3A_272, 0 {pack_format = #tpu.pack_format<interleaved>} : vector<32xbf16> -> vector<16xf32>
        %unpack3A_274 = tpu.unpack_subelements %bitcast3A_272, 1 {pack_format = #tpu.pack_format<interleaved>} : vector<32xbf16> -> vector<16xf32>
        %sub3A_275 = arith.subf %get3A_259, %unpack3A_273 : vector<16xf32>
        %sub3A_276 = arith.subf %get3A_266, %unpack3A_274 : vector<16xf32>
        %mul3A_277 = arith.mulf %sub3A_275, %sub3A_275 : vector<16xf32>
        %add3A_278 = arith.addf %scan3A_160, %mul3A_277 : vector<16xf32>
        %mul3A_279 = arith.mulf %sub3A_276, %sub3A_276 : vector<16xf32>
        %add3A_280 = arith.addf %add3A_278, %mul3A_279 : vector<16xf32>
        %mul3A_281 = arith.constant 8 : i32
        %mul3A_282 = arith.muli %scan3A_156, %mul3A_281 : i32
        %add3A_283 = arith.constant 4 : i32
        %add3A_284 = arith.addi %mul3A_282, %add3A_283 : i32
        %mul3A_285 = arith.constant 16 : i32
        %mul3A_286 = arith.muli %add3A_284, %mul3A_285 : i32
        %get3A_287 = arith.index_cast %scan3A_141 : i32 to index
        %get3A_288 = arith.index_cast %mul3A_286 : i32 to index
        %get3A_289 = tpu.vector_load %arg7[%get3A_287, %get3A_288] {strides = array<i32>} : memref<8x2048xf32, #tpu.memory_space<vmem>>, vector<16xf32>,
        %mul3A_290 = arith.constant 16 : i32
        %mul3A_291 = arith.muli %add3A_284, %mul3A_290 : i32
        %add3A_292 = arith.constant 1024 : i32
        %add3A_293 = arith.addi %add3A_292, %mul3A_291 : i32
        %get3A_294 = arith.index_cast %scan3A_141 : i32 to index
        %get3A_295 = arith.index_cast %add3A_293 : i32 to index
        %get3A_296 = tpu.vector_load %arg7[%get3A_294, %get3A_295] {strides = array<i32>} : memref<8x2048xf32, #tpu.memory_space<vmem>>, vector<16xf32>,
        %mul3A_297 = arith.constant 16 : i32
        %mul3A_298 = arith.muli %add3A_284, %mul3A_297 : i32
        %get3A_299 = arith.index_cast %scan3A_141 : i32 to index
        %get3A_300 = arith.index_cast %mul3A_298 : i32 to index
        %get3A_301 = tpu.vector_load %arg11[%get3A_299, %get3A_300] {strides = array<i32>} : memref<8x1024xi32, #tpu.memory_space<vmem>>, vector<16xi32>,
        %bitcast3A_302 = vector.bitcast %get3A_301 : vector<16xi32> to vector<32xbf16>
        %unpack3A_303 = tpu.unpack_subelements %bitcast3A_302, 0 {pack_format = #tpu.pack_format<interleaved>} : vector<32xbf16> -> vector<16xf32>
        %unpack3A_304 = tpu.unpack_subelements %bitcast3A_302, 1 {pack_format = #tpu.pack_format<interleaved>} : vector<32xbf16> -> vector<16xf32>
        %sub3A_305 = arith.subf %get3A_289, %unpack3A_303 : vector<16xf32>
        %sub3A_306 = arith.subf %get3A_296, %unpack3A_304 : vector<16xf32>
        %mul3A_307 = arith.mulf %sub3A_305, %sub3A_305 : vector<16xf32>
        %add3A_308 = arith.addf %scan3A_161, %mul3A_307 : vector<16xf32>
        %mul3A_309 = arith.mulf %sub3A_306, %sub3A_306 : vector<16xf32>
        %add3A_310 = arith.addf %add3A_308, %mul3A_309 : vector<16xf32>
        %mul3A_311 = arith.constant 8 : i32
        %mul3A_312 = arith.muli %scan3A_156, %mul3A_311 : i32
        %add3A_313 = arith.constant 5 : i32
        %add3A_314 = arith.addi %mul3A_312, %add3A_313 : i32
        %mul3A_315 = arith.constant 16 : i32
        %mul3A_316 = arith.muli %add3A_314, %mul3A_315 : i32
        %get3A_317 = arith.index_cast %scan3A_141 : i32 to index
        %get3A_318 = arith.index_cast %mul3A_316 : i32 to index
        %get3A_319 = tpu.vector_load %arg7[%get3A_317, %get3A_318] {strides = array<i32>} : memref<8x2048xf32, #tpu.memory_space<vmem>>, vector<16xf32>,
        %mul3A_320 = arith.constant 16 : i32
        %mul3A_321 = arith.muli %add3A_314, %mul3A_320 : i32
        %add3A_322 = arith.constant 1024 : i32
        %add3A_323 = arith.addi %add3A_322, %mul3A_321 : i32
        %get3A_324 = arith.index_cast %scan3A_141 : i32 to index
        %get3A_325 = arith.index_cast %add3A_323 : i32 to index
        %get3A_326 = tpu.vector_load %arg7[%get3A_324, %get3A_325] {strides = array<i32>} : memref<8x2048xf32, #tpu.memory_space<vmem>>, vector<16xf32>,
        %mul3A_327 = arith.constant 16 : i32
        %mul3A_328 = arith.muli %add3A_314, %mul3A_327 : i32
        %get3A_329 = arith.index_cast %scan3A_141 : i32 to index
        %get3A_330 = arith.index_cast %mul3A_328 : i32 to index
        %get3A_331 = tpu.vector_load %arg11[%get3A_329, %get3A_330] {strides = array<i32>} : memref<8x1024xi32, #tpu.memory_space<vmem>>, vector<16xi32>,
        %bitcast3A_332 = vector.bitcast %get3A_331 : vector<16xi32> to vector<32xbf16>
        %unpack3A_333 = tpu.unpack_subelements %bitcast3A_332, 0 {pack_format = #tpu.pack_format<interleaved>} : vector<32xbf16> -> vector<16xf32>
        %unpack3A_334 = tpu.unpack_subelements %bitcast3A_332, 1 {pack_format = #tpu.pack_format<interleaved>} : vector<32xbf16> -> vector<16xf32>
        %sub3A_335 = arith.subf %get3A_319, %unpack3A_333 : vector<16xf32>
        %sub3A_336 = arith.subf %get3A_326, %unpack3A_334 : vector<16xf32>
        %mul3A_337 = arith.mulf %sub3A_335, %sub3A_335 : vector<16xf32>
        %add3A_338 = arith.addf %scan3A_162, %mul3A_337 : vector<16xf32>
        %mul3A_339 = arith.mulf %sub3A_336, %sub3A_336 : vector<16xf32>
        %add3A_340 = arith.addf %add3A_338, %mul3A_339 : vector<16xf32>
        %mul3A_341 = arith.constant 8 : i32
        %mul3A_342 = arith.muli %scan3A_156, %mul3A_341 : i32
        %add3A_343 = arith.constant 6 : i32
        %add3A_344 = arith.addi %mul3A_342, %add3A_343 : i32
        %mul3A_345 = arith.constant 16 : i32
        %mul3A_346 = arith.muli %add3A_344, %mul3A_345 : i32
        %get3A_347 = arith.index_cast %scan3A_141 : i32 to index
        %get3A_348 = arith.index_cast %mul3A_346 : i32 to index
        %get3A_349 = tpu.vector_load %arg7[%get3A_347, %get3A_348] {strides = array<i32>} : memref<8x2048xf32, #tpu.memory_space<vmem>>, vector<16xf32>,
        %mul3A_350 = arith.constant 16 : i32
        %mul3A_351 = arith.muli %add3A_344, %mul3A_350 : i32
        %add3A_352 = arith.constant 1024 : i32
        %add3A_353 = arith.addi %add3A_352, %mul3A_351 : i32
        %get3A_354 = arith.index_cast %scan3A_141 : i32 to index
        %get3A_355 = arith.index_cast %add3A_353 : i32 to index
        %get3A_356 = tpu.vector_load %arg7[%get3A_354, %get3A_355] {strides = array<i32>} : memref<8x2048xf32, #tpu.memory_space<vmem>>, vector<16xf32>,
        %mul3A_357 = arith.constant 16 : i32
        %mul3A_358 = arith.muli %add3A_344, %mul3A_357 : i32
        %get3A_359 = arith.index_cast %scan3A_141 : i32 to index
        %get3A_360 = arith.index_cast %mul3A_358 : i32 to index
        %get3A_361 = tpu.vector_load %arg11[%get3A_359, %get3A_360] {strides = array<i32>} : memref<8x1024xi32, #tpu.memory_space<vmem>>, vector<16xi32>,
        %bitcast3A_362 = vector.bitcast %get3A_361 : vector<16xi32> to vector<32xbf16>
        %unpack3A_363 = tpu.unpack_subelements %bitcast3A_362, 0 {pack_format = #tpu.pack_format<interleaved>} : vector<32xbf16> -> vector<16xf32>
        %unpack3A_364 = tpu.unpack_subelements %bitcast3A_362, 1 {pack_format = #tpu.pack_format<interleaved>} : vector<32xbf16> -> vector<16xf32>
        %sub3A_365 = arith.subf %get3A_349, %unpack3A_363 : vector<16xf32>
        %sub3A_366 = arith.subf %get3A_356, %unpack3A_364 : vector<16xf32>
        %mul3A_367 = arith.mulf %sub3A_365, %sub3A_365 : vector<16xf32>
        %add3A_368 = arith.addf %scan3A_163, %mul3A_367 : vector<16xf32>
        %mul3A_369 = arith.mulf %sub3A_366, %sub3A_366 : vector<16xf32>
        %add3A_370 = arith.addf %add3A_368, %mul3A_369 : vector<16xf32>
        %mul3A_371 = arith.constant 8 : i32
        %mul3A_372 = arith.muli %scan3A_156, %mul3A_371 : i32
        %add3A_373 = arith.constant 7 : i32
        %add3A_374 = arith.addi %mul3A_372, %add3A_373 : i32
        %mul3A_375 = arith.constant 16 : i32
        %mul3A_376 = arith.muli %add3A_374, %mul3A_375 : i32
        %get3A_377 = arith.index_cast %scan3A_141 : i32 to index
        %get3A_378 = arith.index_cast %mul3A_376 : i32 to index
        %get3A_379 = tpu.vector_load %arg7[%get3A_377, %get3A_378] {strides = array<i32>} : memref<8x2048xf32, #tpu.memory_space<vmem>>, vector<16xf32>,
        %mul3A_380 = arith.constant 16 : i32
        %mul3A_381 = arith.muli %add3A_374, %mul3A_380 : i32
        %add3A_382 = arith.constant 1024 : i32
        %add3A_383 = arith.addi %add3A_382, %mul3A_381 : i32
        %get3A_384 = arith.index_cast %scan3A_141 : i32 to index
        %get3A_385 = arith.index_cast %add3A_383 : i32 to index
        %get3A_386 = tpu.vector_load %arg7[%get3A_384, %get3A_385] {strides = array<i32>} : memref<8x2048xf32, #tpu.memory_space<vmem>>, vector<16xf32>,
        %mul3A_387 = arith.constant 16 : i32
        %mul3A_388 = arith.muli %add3A_374, %mul3A_387 : i32
        %get3A_389 = arith.index_cast %scan3A_141 : i32 to index
        %get3A_390 = arith.index_cast %mul3A_388 : i32 to index
        %get3A_391 = tpu.vector_load %arg11[%get3A_389, %get3A_390] {strides = array<i32>} : memref<8x1024xi32, #tpu.memory_space<vmem>>, vector<16xi32>,
        %bitcast3A_392 = vector.bitcast %get3A_391 : vector<16xi32> to vector<32xbf16>
        %unpack3A_393 = tpu.unpack_subelements %bitcast3A_392, 0 {pack_format = #tpu.pack_format<interleaved>} : vector<32xbf16> -> vector<16xf32>
        %unpack3A_394 = tpu.unpack_subelements %bitcast3A_392, 1 {pack_format = #tpu.pack_format<interleaved>} : vector<32xbf16> -> vector<16xf32>
        %sub3A_395 = arith.subf %get3A_379, %unpack3A_393 : vector<16xf32>
        %sub3A_396 = arith.subf %get3A_386, %unpack3A_394 : vector<16xf32>
        %mul3A_397 = arith.mulf %sub3A_395, %sub3A_395 : vector<16xf32>
        %add3A_398 = arith.addf %scan3A_164, %mul3A_397 : vector<16xf32>
        %mul3A_399 = arith.mulf %sub3A_396, %sub3A_396 : vector<16xf32>
        %add3A_400 = arith.addf %add3A_398, %mul3A_399 : vector<16xf32>
        scf.yield %add3A_190, %add3A_220, %add3A_250, %add3A_280, %add3A_310, %add3A_340, %add3A_370, %add3A_400 : vector<16xf32>, vector<16xf32>, vector<16xf32>, vector<16xf32>, vector<16xf32>, vector<16xf32>, vector<16xf32>, vector<16xf32>
      }
      %scan3A_155 = arith.constant 8 : i32
      scf.yield %scan3A_154#0, %scan3A_154#1, %scan3A_154#2, %scan3A_154#3, %scan3A_154#4, %scan3A_154#5, %scan3A_154#6, %scan3A_154#7 : vector<16xf32>, vector<16xf32>, vector<16xf32>, vector<16xf32>, vector<16xf32>, vector<16xf32>, vector<16xf32>, vector<16xf32>
    }
    %scan3A_81 = arith.constant 8 : i32
    %dma_wait3A_82 = arith.constant 0 : i32
    %dma_wait3A_83 = arith.constant 0 : i32
    %dma_wait3A_84 = tpu.memref_slice %arg2[%dma_wait3A_82, %dma_wait3A_83] : memref<16384x2048xf32, #tpu.memory_space<hbm>> -> memref<8x2048xf32, #tpu.memory_space<hbm>>
    %dma_wait3A_85 = arith.constant 0 : i32
    %dma_wait3A_86 = arith.constant 0 : i32
    %dma_wait3A_87 = tpu.memref_slice %arg2[%dma_wait3A_85, %dma_wait3A_86] : memref<16384x2048xf32, #tpu.memory_space<hbm>> -> memref<8x2048xf32, #tpu.memory_space<hbm>>
    tpu.wait_dma2 semaphore(%arg17 : memref<!tpu.dma_semaphore, #tpu.memory_space<semaphore_mem>>) src(%dma_wait3A_87 : memref<8x2048xf32, #tpu.memory_space<hbm>>) dst(%arg8 : memref<8x2048xf32, #tpu.memory_space<vmem>>)
    %dma_wait3A_88 = arith.constant 0 : i32
    %dma_wait3A_89 = tpu.memref_slice %arg6[%dma_wait3A_88] : memref<512xi32, #tpu.memory_space<vmem>> -> memref<8xi32, #tpu.memory_space<vmem>>
    %dma_wait3A_90 = arith.constant 0 : i32
    %dma_wait3A_91 = arith.constant 0 : i32
    %dma_wait3A_92 = tpu.memref_slice %arg4[%dma_wait3A_90, %dma_wait3A_91] : memref<2048x1024xi32, #tpu.memory_space<hbm>> -> memref<2048x1024xi32, #tpu.memory_space<hbm>>
    tpu.wait_indirect_dma semaphore(%arg21 : memref<!tpu.dma_semaphore, #tpu.memory_space<semaphore_mem>>) src(%dma_wait3A_92 : memref<2048x1024xi32, #tpu.memory_space<hbm>>) dst(%arg12 : memref<8x1024xi32, #tpu.memory_space<vmem>>)
    %scan3A_93 = arith.constant 0 : i32
    %scan3A_94 = arith.constant 8 : i32
    %scan3A_95 = arith.addi %scan3A_93, %scan3A_94 : i32
    %scan3A_96 = arith.constant 1 : i32
    %scan3A_97:8 = scf.for %scan3A_141 = %scan3A_93 to %scan3A_95 step %scan3A_96 iter_args(%scan3A_142 = %scan3A_80#0, %scan3A_143 = %scan3A_80#1, %scan3A_144 = %scan3A_80#2, %scan3A_145 = %scan3A_80#3, %scan3A_146 = %scan3A_80#4, %scan3A_147 = %scan3A_80#5, %scan3A_148 = %scan3A_80#6, %scan3A_149 = %scan3A_80#7) -> (vector<16xf32>, vector<16xf32>, vector<16xf32>, vector<16xf32>, vector<16xf32>, vector<16xf32>, vector<16xf32>, vector<16xf32>)  : i32 {
      %scan3A_150 = arith.constant 0 : i32
      %scan3A_151 = arith.constant 8 : i32
      %scan3A_152 = arith.addi %scan3A_150, %scan3A_151 : i32
      %scan3A_153 = arith.constant 1 : i32
      %scan3A_154:8 = scf.for %scan3A_156 = %scan3A_150 to %scan3A_152 step %scan3A_153 iter_args(%scan3A_157 = %scan3A_142, %scan3A_158 = %scan3A_143, %scan3A_159 = %scan3A_144, %scan3A_160 = %scan3A_145, %scan3A_161 = %scan3A_146, %scan3A_162 = %scan3A_147, %scan3A_163 = %scan3A_148, %scan3A_164 = %scan3A_149) -> (vector<16xf32>, vector<16xf32>, vector<16xf32>, vector<16xf32>, vector<16xf32>, vector<16xf32>, vector<16xf32>, vector<16xf32>)  : i32 {
        %mul3A_165 = arith.constant 8 : i32
        %mul3A_166 = arith.muli %scan3A_156, %mul3A_165 : i32
        %add3A_167 = arith.constant 0 : i32
        %add3A_168 = arith.addi %mul3A_166, %add3A_167 : i32
        %mul3A_169 = arith.constant 16 : i32
        %mul3A_170 = arith.muli %add3A_168, %mul3A_169 : i32
        %get3A = arith.index_cast %scan3A_141 : i32 to index
        %get3A_171 = arith.index_cast %mul3A_170 : i32 to index
        %get3A_172 = tpu.vector_load %arg8[%get3A, %get3A_171] {strides = array<i32>} : memref<8x2048xf32, #tpu.memory_space<vmem>>, vector<16xf32>,
        %mul3A_173 = arith.constant 16 : i32
        %mul3A_174 = arith.muli %add3A_168, %mul3A_173 : i32
        %add3A_175 = arith.constant 1024 : i32
        %add3A_176 = arith.addi %add3A_175, %mul3A_174 : i32
        %get3A_177 = arith.index_cast %scan3A_141 : i32 to index
        %get3A_178 = arith.index_cast %add3A_176 : i32 to index
        %get3A_179 = tpu.vector_load %arg8[%get3A_177, %get3A_178] {strides = array<i32>} : memref<8x2048xf32, #tpu.memory_space<vmem>>, vector<16xf32>,
        %mul3A_180 = arith.constant 16 : i32
        %mul3A_181 = arith.muli %add3A_168, %mul3A_180 : i32
        %get3A_182 = arith.index_cast %scan3A_141 : i32 to index
        %get3A_183 = arith.index_cast %mul3A_181 : i32 to index
        %get3A_184 = tpu.vector_load %arg12[%get3A_182, %get3A_183] {strides = array<i32>} : memref<8x1024xi32, #tpu.memory_space<vmem>>, vector<16xi32>,
        %bitcast3A = vector.bitcast %get3A_184 : vector<16xi32> to vector<32xbf16>
        %unpack3A = tpu.unpack_subelements %bitcast3A, 0 {pack_format = #tpu.pack_format<interleaved>} : vector<32xbf16> -> vector<16xf32>
        %unpack3A_185 = tpu.unpack_subelements %bitcast3A, 1 {pack_format = #tpu.pack_format<interleaved>} : vector<32xbf16> -> vector<16xf32>
        %sub3A = arith.subf %get3A_172, %unpack3A : vector<16xf32>
        %sub3A_186 = arith.subf %get3A_179, %unpack3A_185 : vector<16xf32>
        %mul3A_187 = arith.mulf %sub3A, %sub3A : vector<16xf32>
        %add3A_188 = arith.addf %scan3A_157, %mul3A_187 : vector<16xf32>
        %mul3A_189 = arith.mulf %sub3A_186, %sub3A_186 : vector<16xf32>
        %add3A_190 = arith.addf %add3A_188, %mul3A_189 : vector<16xf32>
        %mul3A_191 = arith.constant 8 : i32
        %mul3A_192 = arith.muli %scan3A_156, %mul3A_191 : i32
        %add3A_193 = arith.constant 1 : i32
        %add3A_194 = arith.addi %mul3A_192, %add3A_193 : i32
        %mul3A_195 = arith.constant 16 : i32
        %mul3A_196 = arith.muli %add3A_194, %mul3A_195 : i32
        %get3A_197 = arith.index_cast %scan3A_141 : i32 to index
        %get3A_198 = arith.index_cast %mul3A_196 : i32 to index
        %get3A_199 = tpu.vector_load %arg8[%get3A_197, %get3A_198] {strides = array<i32>} : memref<8x2048xf32, #tpu.memory_space<vmem>>, vector<16xf32>,
        %mul3A_200 = arith.constant 16 : i32
        %mul3A_201 = arith.muli %add3A_194, %mul3A_200 : i32
        %add3A_202 = arith.constant 1024 : i32
        %add3A_203 = arith.addi %add3A_202, %mul3A_201 : i32
        %get3A_204 = arith.index_cast %scan3A_141 : i32 to index
        %get3A_205 = arith.index_cast %add3A_203 : i32 to index
        %get3A_206 = tpu.vector_load %arg8[%get3A_204, %get3A_205] {strides = array<i32>} : memref<8x2048xf32, #tpu.memory_space<vmem>>, vector<16xf32>,
        %mul3A_207 = arith.constant 16 : i32
        %mul3A_208 = arith.muli %add3A_194, %mul3A_207 : i32
        %get3A_209 = arith.index_cast %scan3A_141 : i32 to index
        %get3A_210 = arith.index_cast %mul3A_208 : i32 to index
        %get3A_211 = tpu.vector_load %arg12[%get3A_209, %get3A_210] {strides = array<i32>} : memref<8x1024xi32, #tpu.memory_space<vmem>>, vector<16xi32>,
        %bitcast3A_212 = vector.bitcast %get3A_211 : vector<16xi32> to vector<32xbf16>
        %unpack3A_213 = tpu.unpack_subelements %bitcast3A_212, 0 {pack_format = #tpu.pack_format<interleaved>} : vector<32xbf16> -> vector<16xf32>
        %unpack3A_214 = tpu.unpack_subelements %bitcast3A_212, 1 {pack_format = #tpu.pack_format<interleaved>} : vector<32xbf16> -> vector<16xf32>
        %sub3A_215 = arith.subf %get3A_199, %unpack3A_213 : vector<16xf32>
        %sub3A_216 = arith.subf %get3A_206, %unpack3A_214 : vector<16xf32>
        %mul3A_217 = arith.mulf %sub3A_215, %sub3A_215 : vector<16xf32>
        %add3A_218 = arith.addf %scan3A_158, %mul3A_217 : vector<16xf32>
        %mul3A_219 = arith.mulf %sub3A_216, %sub3A_216 : vector<16xf32>
        %add3A_220 = arith.addf %add3A_218, %mul3A_219 : vector<16xf32>
        %mul3A_221 = arith.constant 8 : i32
        %mul3A_222 = arith.muli %scan3A_156, %mul3A_221 : i32
        %add3A_223 = arith.constant 2 : i32
        %add3A_224 = arith.addi %mul3A_222, %add3A_223 : i32
        %mul3A_225 = arith.constant 16 : i32
        %mul3A_226 = arith.muli %add3A_224, %mul3A_225 : i32
        %get3A_227 = arith.index_cast %scan3A_141 : i32 to index
        %get3A_228 = arith.index_cast %mul3A_226 : i32 to index
        %get3A_229 = tpu.vector_load %arg8[%get3A_227, %get3A_228] {strides = array<i32>} : memref<8x2048xf32, #tpu.memory_space<vmem>>, vector<16xf32>,
        %mul3A_230 = arith.constant 16 : i32
        %mul3A_231 = arith.muli %add3A_224, %mul3A_230 : i32
        %add3A_232 = arith.constant 1024 : i32
        %add3A_233 = arith.addi %add3A_232, %mul3A_231 : i32
        %get3A_234 = arith.index_cast %scan3A_141 : i32 to index
        %get3A_235 = arith.index_cast %add3A_233 : i32 to index
        %get3A_236 = tpu.vector_load %arg8[%get3A_234, %get3A_235] {strides = array<i32>} : memref<8x2048xf32, #tpu.memory_space<vmem>>, vector<16xf32>,
        %mul3A_237 = arith.constant 16 : i32
        %mul3A_238 = arith.muli %add3A_224, %mul3A_237 : i32
        %get3A_239 = arith.index_cast %scan3A_141 : i32 to index
        %get3A_240 = arith.index_cast %mul3A_238 : i32 to index
        %get3A_241 = tpu.vector_load %arg12[%get3A_239, %get3A_240] {strides = array<i32>} : memref<8x1024xi32, #tpu.memory_space<vmem>>, vector<16xi32>,
        %bitcast3A_242 = vector.bitcast %get3A_241 : vector<16xi32> to vector<32xbf16>
        %unpack3A_243 = tpu.unpack_subelements %bitcast3A_242, 0 {pack_format = #tpu.pack_format<interleaved>} : vector<32xbf16> -> vector<16xf32>
        %unpack3A_244 = tpu.unpack_subelements %bitcast3A_242, 1 {pack_format = #tpu.pack_format<interleaved>} : vector<32xbf16> -> vector<16xf32>
        %sub3A_245 = arith.subf %get3A_229, %unpack3A_243 : vector<16xf32>
        %sub3A_246 = arith.subf %get3A_236, %unpack3A_244 : vector<16xf32>
        %mul3A_247 = arith.mulf %sub3A_245, %sub3A_245 : vector<16xf32>
        %add3A_248 = arith.addf %scan3A_159, %mul3A_247 : vector<16xf32>
        %mul3A_249 = arith.mulf %sub3A_246, %sub3A_246 : vector<16xf32>
        %add3A_250 = arith.addf %add3A_248, %mul3A_249 : vector<16xf32>
        %mul3A_251 = arith.constant 8 : i32
        %mul3A_252 = arith.muli %scan3A_156, %mul3A_251 : i32
        %add3A_253 = arith.constant 3 : i32
        %add3A_254 = arith.addi %mul3A_252, %add3A_253 : i32
        %mul3A_255 = arith.constant 16 : i32
        %mul3A_256 = arith.muli %add3A_254, %mul3A_255 : i32
        %get3A_257 = arith.index_cast %scan3A_141 : i32 to index
        %get3A_258 = arith.index_cast %mul3A_256 : i32 to index
        %get3A_259 = tpu.vector_load %arg8[%get3A_257, %get3A_258] {strides = array<i32>} : memref<8x2048xf32, #tpu.memory_space<vmem>>, vector<16xf32>,
        %mul3A_260 = arith.constant 16 : i32
        %mul3A_261 = arith.muli %add3A_254, %mul3A_260 : i32
        %add3A_262 = arith.constant 1024 : i32
        %add3A_263 = arith.addi %add3A_262, %mul3A_261 : i32
        %get3A_264 = arith.index_cast %scan3A_141 : i32 to index
        %get3A_265 = arith.index_cast %add3A_263 : i32 to index
        %get3A_266 = tpu.vector_load %arg8[%get3A_264, %get3A_265] {strides = array<i32>} : memref<8x2048xf32, #tpu.memory_space<vmem>>, vector<16xf32>,
        %mul3A_267 = arith.constant 16 : i32
        %mul3A_268 = arith.muli %add3A_254, %mul3A_267 : i32
        %get3A_269 = arith.index_cast %scan3A_141 : i32 to index
        %get3A_270 = arith.index_cast %mul3A_268 : i32 to index
        %get3A_271 = tpu.vector_load %arg12[%get3A_269, %get3A_270] {strides = array<i32>} : memref<8x1024xi32, #tpu.memory_space<vmem>>, vector<16xi32>,
        %bitcast3A_272 = vector.bitcast %get3A_271 : vector<16xi32> to vector<32xbf16>
        %unpack3A_273 = tpu.unpack_subelements %bitcast3A_272, 0 {pack_format = #tpu.pack_format<interleaved>} : vector<32xbf16> -> vector<16xf32>
        %unpack3A_274 = tpu.unpack_subelements %bitcast3A_272, 1 {pack_format = #tpu.pack_format<interleaved>} : vector<32xbf16> -> vector<16xf32>
        %sub3A_275 = arith.subf %get3A_259, %unpack3A_273 : vector<16xf32>
        %sub3A_276 = arith.subf %get3A_266, %unpack3A_274 : vector<16xf32>
        %mul3A_277 = arith.mulf %sub3A_275, %sub3A_275 : vector<16xf32>
        %add3A_278 = arith.addf %scan3A_160, %mul3A_277 : vector<16xf32>
        %mul3A_279 = arith.mulf %sub3A_276, %sub3A_276 : vector<16xf32>
        %add3A_280 = arith.addf %add3A_278, %mul3A_279 : vector<16xf32>
        %mul3A_281 = arith.constant 8 : i32
        %mul3A_282 = arith.muli %scan3A_156, %mul3A_281 : i32
        %add3A_283 = arith.constant 4 : i32
        %add3A_284 = arith.addi %mul3A_282, %add3A_283 : i32
        %mul3A_285 = arith.constant 16 : i32
        %mul3A_286 = arith.muli %add3A_284, %mul3A_285 : i32
        %get3A_287 = arith.index_cast %scan3A_141 : i32 to index
        %get3A_288 = arith.index_cast %mul3A_286 : i32 to index
        %get3A_289 = tpu.vector_load %arg8[%get3A_287, %get3A_288] {strides = array<i32>} : memref<8x2048xf32, #tpu.memory_space<vmem>>, vector<16xf32>,
        %mul3A_290 = arith.constant 16 : i32
        %mul3A_291 = arith.muli %add3A_284, %mul3A_290 : i32
        %add3A_292 = arith.constant 1024 : i32
        %add3A_293 = arith.addi %add3A_292, %mul3A_291 : i32
        %get3A_294 = arith.index_cast %scan3A_141 : i32 to index
        %get3A_295 = arith.index_cast %add3A_293 : i32 to index
        %get3A_296 = tpu.vector_load %arg8[%get3A_294, %get3A_295] {strides = array<i32>} : memref<8x2048xf32, #tpu.memory_space<vmem>>, vector<16xf32>,
        %mul3A_297 = arith.constant 16 : i32
        %mul3A_298 = arith.muli %add3A_284, %mul3A_297 : i32
        %get3A_299 = arith.index_cast %scan3A_141 : i32 to index
        %get3A_300 = arith.index_cast %mul3A_298 : i32 to index
        %get3A_301 = tpu.vector_load %arg12[%get3A_299, %get3A_300] {strides = array<i32>} : memref<8x1024xi32, #tpu.memory_space<vmem>>, vector<16xi32>,
        %bitcast3A_302 = vector.bitcast %get3A_301 : vector<16xi32> to vector<32xbf16>
        %unpack3A_303 = tpu.unpack_subelements %bitcast3A_302, 0 {pack_format = #tpu.pack_format<interleaved>} : vector<32xbf16> -> vector<16xf32>
        %unpack3A_304 = tpu.unpack_subelements %bitcast3A_302, 1 {pack_format = #tpu.pack_format<interleaved>} : vector<32xbf16> -> vector<16xf32>
        %sub3A_305 = arith.subf %get3A_289, %unpack3A_303 : vector<16xf32>
        %sub3A_306 = arith.subf %get3A_296, %unpack3A_304 : vector<16xf32>
        %mul3A_307 = arith.mulf %sub3A_305, %sub3A_305 : vector<16xf32>
        %add3A_308 = arith.addf %scan3A_161, %mul3A_307 : vector<16xf32>
        %mul3A_309 = arith.mulf %sub3A_306, %sub3A_306 : vector<16xf32>
        %add3A_310 = arith.addf %add3A_308, %mul3A_309 : vector<16xf32>
        %mul3A_311 = arith.constant 8 : i32
        %mul3A_312 = arith.muli %scan3A_156, %mul3A_311 : i32
        %add3A_313 = arith.constant 5 : i32
        %add3A_314 = arith.addi %mul3A_312, %add3A_313 : i32
        %mul3A_315 = arith.constant 16 : i32
        %mul3A_316 = arith.muli %add3A_314, %mul3A_315 : i32
        %get3A_317 = arith.index_cast %scan3A_141 : i32 to index
        %get3A_318 = arith.index_cast %mul3A_316 : i32 to index
        %get3A_319 = tpu.vector_load %arg8[%get3A_317, %get3A_318] {strides = array<i32>} : memref<8x2048xf32, #tpu.memory_space<vmem>>, vector<16xf32>,
        %mul3A_320 = arith.constant 16 : i32
        %mul3A_321 = arith.muli %add3A_314, %mul3A_320 : i32
        %add3A_322 = arith.constant 1024 : i32
        %add3A_323 = arith.addi %add3A_322, %mul3A_321 : i32
        %get3A_324 = arith.index_cast %scan3A_141 : i32 to index
        %get3A_325 = arith.index_cast %add3A_323 : i32 to index
        %get3A_326 = tpu.vector_load %arg8[%get3A_324, %get3A_325] {strides = array<i32>} : memref<8x2048xf32, #tpu.memory_space<vmem>>, vector<16xf32>,
        %mul3A_327 = arith.constant 16 : i32
        %mul3A_328 = arith.muli %add3A_314, %mul3A_327 : i32
        %get3A_329 = arith.index_cast %scan3A_141 : i32 to index
        %get3A_330 = arith.index_cast %mul3A_328 : i32 to index
        %get3A_331 = tpu.vector_load %arg12[%get3A_329, %get3A_330] {strides = array<i32>} : memref<8x1024xi32, #tpu.memory_space<vmem>>, vector<16xi32>,
        %bitcast3A_332 = vector.bitcast %get3A_331 : vector<16xi32> to vector<32xbf16>
        %unpack3A_333 = tpu.unpack_subelements %bitcast3A_332, 0 {pack_format = #tpu.pack_format<interleaved>} : vector<32xbf16> -> vector<16xf32>
        %unpack3A_334 = tpu.unpack_subelements %bitcast3A_332, 1 {pack_format = #tpu.pack_format<interleaved>} : vector<32xbf16> -> vector<16xf32>
        %sub3A_335 = arith.subf %get3A_319, %unpack3A_333 : vector<16xf32>
        %sub3A_336 = arith.subf %get3A_326, %unpack3A_334 : vector<16xf32>
        %mul3A_337 = arith.mulf %sub3A_335, %sub3A_335 : vector<16xf32>
        %add3A_338 = arith.addf %scan3A_162, %mul3A_337 : vector<16xf32>
        %mul3A_339 = arith.mulf %sub3A_336, %sub3A_336 : vector<16xf32>
        %add3A_340 = arith.addf %add3A_338, %mul3A_339 : vector<16xf32>
        %mul3A_341 = arith.constant 8 : i32
        %mul3A_342 = arith.muli %scan3A_156, %mul3A_341 : i32
        %add3A_343 = arith.constant 6 : i32
        %add3A_344 = arith.addi %mul3A_342, %add3A_343 : i32
        %mul3A_345 = arith.constant 16 : i32
        %mul3A_346 = arith.muli %add3A_344, %mul3A_345 : i32
        %get3A_347 = arith.index_cast %scan3A_141 : i32 to index
        %get3A_348 = arith.index_cast %mul3A_346 : i32 to index
        %get3A_349 = tpu.vector_load %arg8[%get3A_347, %get3A_348] {strides = array<i32>} : memref<8x2048xf32, #tpu.memory_space<vmem>>, vector<16xf32>,
        %mul3A_350 = arith.constant 16 : i32
        %mul3A_351 = arith.muli %add3A_344, %mul3A_350 : i32
        %add3A_352 = arith.constant 1024 : i32
        %add3A_353 = arith.addi %add3A_352, %mul3A_351 : i32
        %get3A_354 = arith.index_cast %scan3A_141 : i32 to index
        %get3A_355 = arith.index_cast %add3A_353 : i32 to index
        %get3A_356 = tpu.vector_load %arg8[%get3A_354, %get3A_355] {strides = array<i32>} : memref<8x2048xf32, #tpu.memory_space<vmem>>, vector<16xf32>,
        %mul3A_357 = arith.constant 16 : i32
        %mul3A_358 = arith.muli %add3A_344, %mul3A_357 : i32
        %get3A_359 = arith.index_cast %scan3A_141 : i32 to index
        %get3A_360 = arith.index_cast %mul3A_358 : i32 to index
        %get3A_361 = tpu.vector_load %arg12[%get3A_359, %get3A_360] {strides = array<i32>} : memref<8x1024xi32, #tpu.memory_space<vmem>>, vector<16xi32>,
        %bitcast3A_362 = vector.bitcast %get3A_361 : vector<16xi32> to vector<32xbf16>
        %unpack3A_363 = tpu.unpack_subelements %bitcast3A_362, 0 {pack_format = #tpu.pack_format<interleaved>} : vector<32xbf16> -> vector<16xf32>
        %unpack3A_364 = tpu.unpack_subelements %bitcast3A_362, 1 {pack_format = #tpu.pack_format<interleaved>} : vector<32xbf16> -> vector<16xf32>
        %sub3A_365 = arith.subf %get3A_349, %unpack3A_363 : vector<16xf32>
        %sub3A_366 = arith.subf %get3A_356, %unpack3A_364 : vector<16xf32>
        %mul3A_367 = arith.mulf %sub3A_365, %sub3A_365 : vector<16xf32>
        %add3A_368 = arith.addf %scan3A_163, %mul3A_367 : vector<16xf32>
        %mul3A_369 = arith.mulf %sub3A_366, %sub3A_366 : vector<16xf32>
        %add3A_370 = arith.addf %add3A_368, %mul3A_369 : vector<16xf32>
        %mul3A_371 = arith.constant 8 : i32
        %mul3A_372 = arith.muli %scan3A_156, %mul3A_371 : i32
        %add3A_373 = arith.constant 7 : i32
        %add3A_374 = arith.addi %mul3A_372, %add3A_373 : i32
        %mul3A_375 = arith.constant 16 : i32
        %mul3A_376 = arith.muli %add3A_374, %mul3A_375 : i32
        %get3A_377 = arith.index_cast %scan3A_141 : i32 to index
        %get3A_378 = arith.index_cast %mul3A_376 : i32 to index
        %get3A_379 = tpu.vector_load %arg8[%get3A_377, %get3A_378] {strides = array<i32>} : memref<8x2048xf32, #tpu.memory_space<vmem>>, vector<16xf32>,
        %mul3A_380 = arith.constant 16 : i32
        %mul3A_381 = arith.muli %add3A_374, %mul3A_380 : i32
        %add3A_382 = arith.constant 1024 : i32
        %add3A_383 = arith.addi %add3A_382, %mul3A_381 : i32
        %get3A_384 = arith.index_cast %scan3A_141 : i32 to index
        %get3A_385 = arith.index_cast %add3A_383 : i32 to index
        %get3A_386 = tpu.vector_load %arg8[%get3A_384, %get3A_385] {strides = array<i32>} : memref<8x2048xf32, #tpu.memory_space<vmem>>, vector<16xf32>,
        %mul3A_387 = arith.constant 16 : i32
        %mul3A_388 = arith.muli %add3A_374, %mul3A_387 : i32
        %get3A_389 = arith.index_cast %scan3A_141 : i32 to index
        %get3A_390 = arith.index_cast %mul3A_388 : i32 to index
        %get3A_391 = tpu.vector_load %arg12[%get3A_389, %get3A_390] {strides = array<i32>} : memref<8x1024xi32, #tpu.memory_space<vmem>>, vector<16xi32>,
        %bitcast3A_392 = vector.bitcast %get3A_391 : vector<16xi32> to vector<32xbf16>
        %unpack3A_393 = tpu.unpack_subelements %bitcast3A_392, 0 {pack_format = #tpu.pack_format<interleaved>} : vector<32xbf16> -> vector<16xf32>
        %unpack3A_394 = tpu.unpack_subelements %bitcast3A_392, 1 {pack_format = #tpu.pack_format<interleaved>} : vector<32xbf16> -> vector<16xf32>
        %sub3A_395 = arith.subf %get3A_379, %unpack3A_393 : vector<16xf32>
        %sub3A_396 = arith.subf %get3A_386, %unpack3A_394 : vector<16xf32>
        %mul3A_397 = arith.mulf %sub3A_395, %sub3A_395 : vector<16xf32>
        %add3A_398 = arith.addf %scan3A_164, %mul3A_397 : vector<16xf32>
        %mul3A_399 = arith.mulf %sub3A_396, %sub3A_396 : vector<16xf32>
        %add3A_400 = arith.addf %add3A_398, %mul3A_399 : vector<16xf32>
        scf.yield %add3A_190, %add3A_220, %add3A_250, %add3A_280, %add3A_310, %add3A_340, %add3A_370, %add3A_400 : vector<16xf32>, vector<16xf32>, vector<16xf32>, vector<16xf32>, vector<16xf32>, vector<16xf32>, vector<16xf32>, vector<16xf32>
      }
      %scan3A_155 = arith.constant 8 : i32
      scf.yield %scan3A_154#0, %scan3A_154#1, %scan3A_154#2, %scan3A_154#3, %scan3A_154#4, %scan3A_154#5, %scan3A_154#6, %scan3A_154#7 : vector<16xf32>, vector<16xf32>, vector<16xf32>, vector<16xf32>, vector<16xf32>, vector<16xf32>, vector<16xf32>, vector<16xf32>
    }
    %scan3A_98 = arith.constant 8 : i32
    %dma_wait3A_99 = arith.constant 0 : i32
    %dma_wait3A_100 = arith.constant 0 : i32
    %dma_wait3A_101 = tpu.memref_slice %arg2[%dma_wait3A_99, %dma_wait3A_100] : memref<16384x2048xf32, #tpu.memory_space<hbm>> -> memref<8x2048xf32, #tpu.memory_space<hbm>>
    %dma_wait3A_102 = arith.constant 0 : i32
    %dma_wait3A_103 = arith.constant 0 : i32
    %dma_wait3A_104 = tpu.memref_slice %arg2[%dma_wait3A_102, %dma_wait3A_103] : memref<16384x2048xf32, #tpu.memory_space<hbm>> -> memref<8x2048xf32, #tpu.memory_space<hbm>>
    tpu.wait_dma2 semaphore(%arg18 : memref<!tpu.dma_semaphore, #tpu.memory_space<semaphore_mem>>) src(%dma_wait3A_104 : memref<8x2048xf32, #tpu.memory_space<hbm>>) dst(%arg9 : memref<8x2048xf32, #tpu.memory_space<vmem>>)
    %dma_wait3A_105 = arith.constant 0 : i32
    %dma_wait3A_106 = tpu.memref_slice %arg6[%dma_wait3A_105] : memref<512xi32, #tpu.memory_space<vmem>> -> memref<8xi32, #tpu.memory_space<vmem>>
    %dma_wait3A_107 = arith.constant 0 : i32
    %dma_wait3A_108 = arith.constant 0 : i32
    %dma_wait3A_109 = tpu.memref_slice %arg4[%dma_wait3A_107, %dma_wait3A_108] : memref<2048x1024xi32, #tpu.memory_space<hbm>> -> memref<2048x1024xi32, #tpu.memory_space<hbm>>
    tpu.wait_indirect_dma semaphore(%arg22 : memref<!tpu.dma_semaphore, #tpu.memory_space<semaphore_mem>>) src(%dma_wait3A_109 : memref<2048x1024xi32, #tpu.memory_space<hbm>>) dst(%arg13 : memref<8x1024xi32, #tpu.memory_space<vmem>>)
    %scan3A_110 = arith.constant 0 : i32
    %scan3A_111 = arith.constant 8 : i32
    %scan3A_112 = arith.addi %scan3A_110, %scan3A_111 : i32
    %scan3A_113 = arith.constant 1 : i32
    %scan3A_114:8 = scf.for %scan3A_141 = %scan3A_110 to %scan3A_112 step %scan3A_113 iter_args(%scan3A_142 = %scan3A_97#0, %scan3A_143 = %scan3A_97#1, %scan3A_144 = %scan3A_97#2, %scan3A_145 = %scan3A_97#3, %scan3A_146 = %scan3A_97#4, %scan3A_147 = %scan3A_97#5, %scan3A_148 = %scan3A_97#6, %scan3A_149 = %scan3A_97#7) -> (vector<16xf32>, vector<16xf32>, vector<16xf32>, vector<16xf32>, vector<16xf32>, vector<16xf32>, vector<16xf32>, vector<16xf32>)  : i32 {
      %scan3A_150 = arith.constant 0 : i32
      %scan3A_151 = arith.constant 8 : i32
      %scan3A_152 = arith.addi %scan3A_150, %scan3A_151 : i32
      %scan3A_153 = arith.constant 1 : i32
      %scan3A_154:8 = scf.for %scan3A_156 = %scan3A_150 to %scan3A_152 step %scan3A_153 iter_args(%scan3A_157 = %scan3A_142, %scan3A_158 = %scan3A_143, %scan3A_159 = %scan3A_144, %scan3A_160 = %scan3A_145, %scan3A_161 = %scan3A_146, %scan3A_162 = %scan3A_147, %scan3A_163 = %scan3A_148, %scan3A_164 = %scan3A_149) -> (vector<16xf32>, vector<16xf32>, vector<16xf32>, vector<16xf32>, vector<16xf32>, vector<16xf32>, vector<16xf32>, vector<16xf32>)  : i32 {
        %mul3A_165 = arith.constant 8 : i32
        %mul3A_166 = arith.muli %scan3A_156, %mul3A_165 : i32
        %add3A_167 = arith.constant 0 : i32
        %add3A_168 = arith.addi %mul3A_166, %add3A_167 : i32
        %mul3A_169 = arith.constant 16 : i32
        %mul3A_170 = arith.muli %add3A_168, %mul3A_169 : i32
        %get3A = arith.index_cast %scan3A_141 : i32 to index
        %get3A_171 = arith.index_cast %mul3A_170 : i32 to index
        %get3A_172 = tpu.vector_load %arg9[%get3A, %get3A_171] {strides = array<i32>} : memref<8x2048xf32, #tpu.memory_space<vmem>>, vector<16xf32>,
        %mul3A_173 = arith.constant 16 : i32
        %mul3A_174 = arith.muli %add3A_168, %mul3A_173 : i32
        %add3A_175 = arith.constant 1024 : i32
        %add3A_176 = arith.addi %add3A_175, %mul3A_174 : i32
        %get3A_177 = arith.index_cast %scan3A_141 : i32 to index
        %get3A_178 = arith.index_cast %add3A_176 : i32 to index
        %get3A_179 = tpu.vector_load %arg9[%get3A_177, %get3A_178] {strides = array<i32>} : memref<8x2048xf32, #tpu.memory_space<vmem>>, vector<16xf32>,
        %mul3A_180 = arith.constant 16 : i32
        %mul3A_181 = arith.muli %add3A_168, %mul3A_180 : i32
        %get3A_182 = arith.index_cast %scan3A_141 : i32 to index
        %get3A_183 = arith.index_cast %mul3A_181 : i32 to index
        %get3A_184 = tpu.vector_load %arg13[%get3A_182, %get3A_183] {strides = array<i32>} : memref<8x1024xi32, #tpu.memory_space<vmem>>, vector<16xi32>,
        %bitcast3A = vector.bitcast %get3A_184 : vector<16xi32> to vector<32xbf16>
        %unpack3A = tpu.unpack_subelements %bitcast3A, 0 {pack_format = #tpu.pack_format<interleaved>} : vector<32xbf16> -> vector<16xf32>
        %unpack3A_185 = tpu.unpack_subelements %bitcast3A, 1 {pack_format = #tpu.pack_format<interleaved>} : vector<32xbf16> -> vector<16xf32>
        %sub3A = arith.subf %get3A_172, %unpack3A : vector<16xf32>
        %sub3A_186 = arith.subf %get3A_179, %unpack3A_185 : vector<16xf32>
        %mul3A_187 = arith.mulf %sub3A, %sub3A : vector<16xf32>
        %add3A_188 = arith.addf %scan3A_157, %mul3A_187 : vector<16xf32>
        %mul3A_189 = arith.mulf %sub3A_186, %sub3A_186 : vector<16xf32>
        %add3A_190 = arith.addf %add3A_188, %mul3A_189 : vector<16xf32>
        %mul3A_191 = arith.constant 8 : i32
        %mul3A_192 = arith.muli %scan3A_156, %mul3A_191 : i32
        %add3A_193 = arith.constant 1 : i32
        %add3A_194 = arith.addi %mul3A_192, %add3A_193 : i32
        %mul3A_195 = arith.constant 16 : i32
        %mul3A_196 = arith.muli %add3A_194, %mul3A_195 : i32
        %get3A_197 = arith.index_cast %scan3A_141 : i32 to index
        %get3A_198 = arith.index_cast %mul3A_196 : i32 to index
        %get3A_199 = tpu.vector_load %arg9[%get3A_197, %get3A_198] {strides = array<i32>} : memref<8x2048xf32, #tpu.memory_space<vmem>>, vector<16xf32>,
        %mul3A_200 = arith.constant 16 : i32
        %mul3A_201 = arith.muli %add3A_194, %mul3A_200 : i32
        %add3A_202 = arith.constant 1024 : i32
        %add3A_203 = arith.addi %add3A_202, %mul3A_201 : i32
        %get3A_204 = arith.index_cast %scan3A_141 : i32 to index
        %get3A_205 = arith.index_cast %add3A_203 : i32 to index
        %get3A_206 = tpu.vector_load %arg9[%get3A_204, %get3A_205] {strides = array<i32>} : memref<8x2048xf32, #tpu.memory_space<vmem>>, vector<16xf32>,
        %mul3A_207 = arith.constant 16 : i32
        %mul3A_208 = arith.muli %add3A_194, %mul3A_207 : i32
        %get3A_209 = arith.index_cast %scan3A_141 : i32 to index
        %get3A_210 = arith.index_cast %mul3A_208 : i32 to index
        %get3A_211 = tpu.vector_load %arg13[%get3A_209, %get3A_210] {strides = array<i32>} : memref<8x1024xi32, #tpu.memory_space<vmem>>, vector<16xi32>,
        %bitcast3A_212 = vector.bitcast %get3A_211 : vector<16xi32> to vector<32xbf16>
        %unpack3A_213 = tpu.unpack_subelements %bitcast3A_212, 0 {pack_format = #tpu.pack_format<interleaved>} : vector<32xbf16> -> vector<16xf32>
        %unpack3A_214 = tpu.unpack_subelements %bitcast3A_212, 1 {pack_format = #tpu.pack_format<interleaved>} : vector<32xbf16> -> vector<16xf32>
        %sub3A_215 = arith.subf %get3A_199, %unpack3A_213 : vector<16xf32>
        %sub3A_216 = arith.subf %get3A_206, %unpack3A_214 : vector<16xf32>
        %mul3A_217 = arith.mulf %sub3A_215, %sub3A_215 : vector<16xf32>
        %add3A_218 = arith.addf %scan3A_158, %mul3A_217 : vector<16xf32>
        %mul3A_219 = arith.mulf %sub3A_216, %sub3A_216 : vector<16xf32>
        %add3A_220 = arith.addf %add3A_218, %mul3A_219 : vector<16xf32>
        %mul3A_221 = arith.constant 8 : i32
        %mul3A_222 = arith.muli %scan3A_156, %mul3A_221 : i32
        %add3A_223 = arith.constant 2 : i32
        %add3A_224 = arith.addi %mul3A_222, %add3A_223 : i32
        %mul3A_225 = arith.constant 16 : i32
        %mul3A_226 = arith.muli %add3A_224, %mul3A_225 : i32
        %get3A_227 = arith.index_cast %scan3A_141 : i32 to index
        %get3A_228 = arith.index_cast %mul3A_226 : i32 to index
        %get3A_229 = tpu.vector_load %arg9[%get3A_227, %get3A_228] {strides = array<i32>} : memref<8x2048xf32, #tpu.memory_space<vmem>>, vector<16xf32>,
        %mul3A_230 = arith.constant 16 : i32
        %mul3A_231 = arith.muli %add3A_224, %mul3A_230 : i32
        %add3A_232 = arith.constant 1024 : i32
        %add3A_233 = arith.addi %add3A_232, %mul3A_231 : i32
        %get3A_234 = arith.index_cast %scan3A_141 : i32 to index
        %get3A_235 = arith.index_cast %add3A_233 : i32 to index
        %get3A_236 = tpu.vector_load %arg9[%get3A_234, %get3A_235] {strides = array<i32>} : memref<8x2048xf32, #tpu.memory_space<vmem>>, vector<16xf32>,
        %mul3A_237 = arith.constant 16 : i32
        %mul3A_238 = arith.muli %add3A_224, %mul3A_237 : i32
        %get3A_239 = arith.index_cast %scan3A_141 : i32 to index
        %get3A_240 = arith.index_cast %mul3A_238 : i32 to index
        %get3A_241 = tpu.vector_load %arg13[%get3A_239, %get3A_240] {strides = array<i32>} : memref<8x1024xi32, #tpu.memory_space<vmem>>, vector<16xi32>,
        %bitcast3A_242 = vector.bitcast %get3A_241 : vector<16xi32> to vector<32xbf16>
        %unpack3A_243 = tpu.unpack_subelements %bitcast3A_242, 0 {pack_format = #tpu.pack_format<interleaved>} : vector<32xbf16> -> vector<16xf32>
        %unpack3A_244 = tpu.unpack_subelements %bitcast3A_242, 1 {pack_format = #tpu.pack_format<interleaved>} : vector<32xbf16> -> vector<16xf32>
        %sub3A_245 = arith.subf %get3A_229, %unpack3A_243 : vector<16xf32>
        %sub3A_246 = arith.subf %get3A_236, %unpack3A_244 : vector<16xf32>
        %mul3A_247 = arith.mulf %sub3A_245, %sub3A_245 : vector<16xf32>
        %add3A_248 = arith.addf %scan3A_159, %mul3A_247 : vector<16xf32>
        %mul3A_249 = arith.mulf %sub3A_246, %sub3A_246 : vector<16xf32>
        %add3A_250 = arith.addf %add3A_248, %mul3A_249 : vector<16xf32>
        %mul3A_251 = arith.constant 8 : i32
        %mul3A_252 = arith.muli %scan3A_156, %mul3A_251 : i32
        %add3A_253 = arith.constant 3 : i32
        %add3A_254 = arith.addi %mul3A_252, %add3A_253 : i32
        %mul3A_255 = arith.constant 16 : i32
        %mul3A_256 = arith.muli %add3A_254, %mul3A_255 : i32
        %get3A_257 = arith.index_cast %scan3A_141 : i32 to index
        %get3A_258 = arith.index_cast %mul3A_256 : i32 to index
        %get3A_259 = tpu.vector_load %arg9[%get3A_257, %get3A_258] {strides = array<i32>} : memref<8x2048xf32, #tpu.memory_space<vmem>>, vector<16xf32>,
        %mul3A_260 = arith.constant 16 : i32
        %mul3A_261 = arith.muli %add3A_254, %mul3A_260 : i32
        %add3A_262 = arith.constant 1024 : i32
        %add3A_263 = arith.addi %add3A_262, %mul3A_261 : i32
        %get3A_264 = arith.index_cast %scan3A_141 : i32 to index
        %get3A_265 = arith.index_cast %add3A_263 : i32 to index
        %get3A_266 = tpu.vector_load %arg9[%get3A_264, %get3A_265] {strides = array<i32>} : memref<8x2048xf32, #tpu.memory_space<vmem>>, vector<16xf32>,
        %mul3A_267 = arith.constant 16 : i32
        %mul3A_268 = arith.muli %add3A_254, %mul3A_267 : i32
        %get3A_269 = arith.index_cast %scan3A_141 : i32 to index
        %get3A_270 = arith.index_cast %mul3A_268 : i32 to index
        %get3A_271 = tpu.vector_load %arg13[%get3A_269, %get3A_270] {strides = array<i32>} : memref<8x1024xi32, #tpu.memory_space<vmem>>, vector<16xi32>,
        %bitcast3A_272 = vector.bitcast %get3A_271 : vector<16xi32> to vector<32xbf16>
        %unpack3A_273 = tpu.unpack_subelements %bitcast3A_272, 0 {pack_format = #tpu.pack_format<interleaved>} : vector<32xbf16> -> vector<16xf32>
        %unpack3A_274 = tpu.unpack_subelements %bitcast3A_272, 1 {pack_format = #tpu.pack_format<interleaved>} : vector<32xbf16> -> vector<16xf32>
        %sub3A_275 = arith.subf %get3A_259, %unpack3A_273 : vector<16xf32>
        %sub3A_276 = arith.subf %get3A_266, %unpack3A_274 : vector<16xf32>
        %mul3A_277 = arith.mulf %sub3A_275, %sub3A_275 : vector<16xf32>
        %add3A_278 = arith.addf %scan3A_160, %mul3A_277 : vector<16xf32>
        %mul3A_279 = arith.mulf %sub3A_276, %sub3A_276 : vector<16xf32>
        %add3A_280 = arith.addf %add3A_278, %mul3A_279 : vector<16xf32>
        %mul3A_281 = arith.constant 8 : i32
        %mul3A_282 = arith.muli %scan3A_156, %mul3A_281 : i32
        %add3A_283 = arith.constant 4 : i32
        %add3A_284 = arith.addi %mul3A_282, %add3A_283 : i32
        %mul3A_285 = arith.constant 16 : i32
        %mul3A_286 = arith.muli %add3A_284, %mul3A_285 : i32
        %get3A_287 = arith.index_cast %scan3A_141 : i32 to index
        %get3A_288 = arith.index_cast %mul3A_286 : i32 to index
        %get3A_289 = tpu.vector_load %arg9[%get3A_287, %get3A_288] {strides = array<i32>} : memref<8x2048xf32, #tpu.memory_space<vmem>>, vector<16xf32>,
        %mul3A_290 = arith.constant 16 : i32
        %mul3A_291 = arith.muli %add3A_284, %mul3A_290 : i32
        %add3A_292 = arith.constant 1024 : i32
        %add3A_293 = arith.addi %add3A_292, %mul3A_291 : i32
        %get3A_294 = arith.index_cast %scan3A_141 : i32 to index
        %get3A_295 = arith.index_cast %add3A_293 : i32 to index
        %get3A_296 = tpu.vector_load %arg9[%get3A_294, %get3A_295] {strides = array<i32>} : memref<8x2048xf32, #tpu.memory_space<vmem>>, vector<16xf32>,
        %mul3A_297 = arith.constant 16 : i32
        %mul3A_298 = arith.muli %add3A_284, %mul3A_297 : i32
        %get3A_299 = arith.index_cast %scan3A_141 : i32 to index
        %get3A_300 = arith.index_cast %mul3A_298 : i32 to index
        %get3A_301 = tpu.vector_load %arg13[%get3A_299, %get3A_300] {strides = array<i32>} : memref<8x1024xi32, #tpu.memory_space<vmem>>, vector<16xi32>,
        %bitcast3A_302 = vector.bitcast %get3A_301 : vector<16xi32> to vector<32xbf16>
        %unpack3A_303 = tpu.unpack_subelements %bitcast3A_302, 0 {pack_format = #tpu.pack_format<interleaved>} : vector<32xbf16> -> vector<16xf32>
        %unpack3A_304 = tpu.unpack_subelements %bitcast3A_302, 1 {pack_format = #tpu.pack_format<interleaved>} : vector<32xbf16> -> vector<16xf32>
        %sub3A_305 = arith.subf %get3A_289, %unpack3A_303 : vector<16xf32>
        %sub3A_306 = arith.subf %get3A_296, %unpack3A_304 : vector<16xf32>
        %mul3A_307 = arith.mulf %sub3A_305, %sub3A_305 : vector<16xf32>
        %add3A_308 = arith.addf %scan3A_161, %mul3A_307 : vector<16xf32>
        %mul3A_309 = arith.mulf %sub3A_306, %sub3A_306 : vector<16xf32>
        %add3A_310 = arith.addf %add3A_308, %mul3A_309 : vector<16xf32>
        %mul3A_311 = arith.constant 8 : i32
        %mul3A_312 = arith.muli %scan3A_156, %mul3A_311 : i32
        %add3A_313 = arith.constant 5 : i32
        %add3A_314 = arith.addi %mul3A_312, %add3A_313 : i32
        %mul3A_315 = arith.constant 16 : i32
        %mul3A_316 = arith.muli %add3A_314, %mul3A_315 : i32
        %get3A_317 = arith.index_cast %scan3A_141 : i32 to index
        %get3A_318 = arith.index_cast %mul3A_316 : i32 to index
        %get3A_319 = tpu.vector_load %arg9[%get3A_317, %get3A_318] {strides = array<i32>} : memref<8x2048xf32, #tpu.memory_space<vmem>>, vector<16xf32>,
        %mul3A_320 = arith.constant 16 : i32
        %mul3A_321 = arith.muli %add3A_314, %mul3A_320 : i32
        %add3A_322 = arith.constant 1024 : i32
        %add3A_323 = arith.addi %add3A_322, %mul3A_321 : i32
        %get3A_324 = arith.index_cast %scan3A_141 : i32 to index
        %get3A_325 = arith.index_cast %add3A_323 : i32 to index
        %get3A_326 = tpu.vector_load %arg9[%get3A_324, %get3A_325] {strides = array<i32>} : memref<8x2048xf32, #tpu.memory_space<vmem>>, vector<16xf32>,
        %mul3A_327 = arith.constant 16 : i32
        %mul3A_328 = arith.muli %add3A_314, %mul3A_327 : i32
        %get3A_329 = arith.index_cast %scan3A_141 : i32 to index
        %get3A_330 = arith.index_cast %mul3A_328 : i32 to index
        %get3A_331 = tpu.vector_load %arg13[%get3A_329, %get3A_330] {strides = array<i32>} : memref<8x1024xi32, #tpu.memory_space<vmem>>, vector<16xi32>,
        %bitcast3A_332 = vector.bitcast %get3A_331 : vector<16xi32> to vector<32xbf16>
        %unpack3A_333 = tpu.unpack_subelements %bitcast3A_332, 0 {pack_format = #tpu.pack_format<interleaved>} : vector<32xbf16> -> vector<16xf32>
        %unpack3A_334 = tpu.unpack_subelements %bitcast3A_332, 1 {pack_format = #tpu.pack_format<interleaved>} : vector<32xbf16> -> vector<16xf32>
        %sub3A_335 = arith.subf %get3A_319, %unpack3A_333 : vector<16xf32>
        %sub3A_336 = arith.subf %get3A_326, %unpack3A_334 : vector<16xf32>
        %mul3A_337 = arith.mulf %sub3A_335, %sub3A_335 : vector<16xf32>
        %add3A_338 = arith.addf %scan3A_162, %mul3A_337 : vector<16xf32>
        %mul3A_339 = arith.mulf %sub3A_336, %sub3A_336 : vector<16xf32>
        %add3A_340 = arith.addf %add3A_338, %mul3A_339 : vector<16xf32>
        %mul3A_341 = arith.constant 8 : i32
        %mul3A_342 = arith.muli %scan3A_156, %mul3A_341 : i32
        %add3A_343 = arith.constant 6 : i32
        %add3A_344 = arith.addi %mul3A_342, %add3A_343 : i32
        %mul3A_345 = arith.constant 16 : i32
        %mul3A_346 = arith.muli %add3A_344, %mul3A_345 : i32
        %get3A_347 = arith.index_cast %scan3A_141 : i32 to index
        %get3A_348 = arith.index_cast %mul3A_346 : i32 to index
        %get3A_349 = tpu.vector_load %arg9[%get3A_347, %get3A_348] {strides = array<i32>} : memref<8x2048xf32, #tpu.memory_space<vmem>>, vector<16xf32>,
        %mul3A_350 = arith.constant 16 : i32
        %mul3A_351 = arith.muli %add3A_344, %mul3A_350 : i32
        %add3A_352 = arith.constant 1024 : i32
        %add3A_353 = arith.addi %add3A_352, %mul3A_351 : i32
        %get3A_354 = arith.index_cast %scan3A_141 : i32 to index
        %get3A_355 = arith.index_cast %add3A_353 : i32 to index
        %get3A_356 = tpu.vector_load %arg9[%get3A_354, %get3A_355] {strides = array<i32>} : memref<8x2048xf32, #tpu.memory_space<vmem>>, vector<16xf32>,
        %mul3A_357 = arith.constant 16 : i32
        %mul3A_358 = arith.muli %add3A_344, %mul3A_357 : i32
        %get3A_359 = arith.index_cast %scan3A_141 : i32 to index
        %get3A_360 = arith.index_cast %mul3A_358 : i32 to index
        %get3A_361 = tpu.vector_load %arg13[%get3A_359, %get3A_360] {strides = array<i32>} : memref<8x1024xi32, #tpu.memory_space<vmem>>, vector<16xi32>,
        %bitcast3A_362 = vector.bitcast %get3A_361 : vector<16xi32> to vector<32xbf16>
        %unpack3A_363 = tpu.unpack_subelements %bitcast3A_362, 0 {pack_format = #tpu.pack_format<interleaved>} : vector<32xbf16> -> vector<16xf32>
        %unpack3A_364 = tpu.unpack_subelements %bitcast3A_362, 1 {pack_format = #tpu.pack_format<interleaved>} : vector<32xbf16> -> vector<16xf32>
        %sub3A_365 = arith.subf %get3A_349, %unpack3A_363 : vector<16xf32>
        %sub3A_366 = arith.subf %get3A_356, %unpack3A_364 : vector<16xf32>
        %mul3A_367 = arith.mulf %sub3A_365, %sub3A_365 : vector<16xf32>
        %add3A_368 = arith.addf %scan3A_163, %mul3A_367 : vector<16xf32>
        %mul3A_369 = arith.mulf %sub3A_366, %sub3A_366 : vector<16xf32>
        %add3A_370 = arith.addf %add3A_368, %mul3A_369 : vector<16xf32>
        %mul3A_371 = arith.constant 8 : i32
        %mul3A_372 = arith.muli %scan3A_156, %mul3A_371 : i32
        %add3A_373 = arith.constant 7 : i32
        %add3A_374 = arith.addi %mul3A_372, %add3A_373 : i32
        %mul3A_375 = arith.constant 16 : i32
        %mul3A_376 = arith.muli %add3A_374, %mul3A_375 : i32
        %get3A_377 = arith.index_cast %scan3A_141 : i32 to index
        %get3A_378 = arith.index_cast %mul3A_376 : i32 to index
        %get3A_379 = tpu.vector_load %arg9[%get3A_377, %get3A_378] {strides = array<i32>} : memref<8x2048xf32, #tpu.memory_space<vmem>>, vector<16xf32>,
        %mul3A_380 = arith.constant 16 : i32
        %mul3A_381 = arith.muli %add3A_374, %mul3A_380 : i32
        %add3A_382 = arith.constant 1024 : i32
        %add3A_383 = arith.addi %add3A_382, %mul3A_381 : i32
        %get3A_384 = arith.index_cast %scan3A_141 : i32 to index
        %get3A_385 = arith.index_cast %add3A_383 : i32 to index
        %get3A_386 = tpu.vector_load %arg9[%get3A_384, %get3A_385] {strides = array<i32>} : memref<8x2048xf32, #tpu.memory_space<vmem>>, vector<16xf32>,
        %mul3A_387 = arith.constant 16 : i32
        %mul3A_388 = arith.muli %add3A_374, %mul3A_387 : i32
        %get3A_389 = arith.index_cast %scan3A_141 : i32 to index
        %get3A_390 = arith.index_cast %mul3A_388 : i32 to index
        %get3A_391 = tpu.vector_load %arg13[%get3A_389, %get3A_390] {strides = array<i32>} : memref<8x1024xi32, #tpu.memory_space<vmem>>, vector<16xi32>,
        %bitcast3A_392 = vector.bitcast %get3A_391 : vector<16xi32> to vector<32xbf16>
        %unpack3A_393 = tpu.unpack_subelements %bitcast3A_392, 0 {pack_format = #tpu.pack_format<interleaved>} : vector<32xbf16> -> vector<16xf32>
        %unpack3A_394 = tpu.unpack_subelements %bitcast3A_392, 1 {pack_format = #tpu.pack_format<interleaved>} : vector<32xbf16> -> vector<16xf32>
        %sub3A_395 = arith.subf %get3A_379, %unpack3A_393 : vector<16xf32>
        %sub3A_396 = arith.subf %get3A_386, %unpack3A_394 : vector<16xf32>
        %mul3A_397 = arith.mulf %sub3A_395, %sub3A_395 : vector<16xf32>
        %add3A_398 = arith.addf %scan3A_164, %mul3A_397 : vector<16xf32>
        %mul3A_399 = arith.mulf %sub3A_396, %sub3A_396 : vector<16xf32>
        %add3A_400 = arith.addf %add3A_398, %mul3A_399 : vector<16xf32>
        scf.yield %add3A_190, %add3A_220, %add3A_250, %add3A_280, %add3A_310, %add3A_340, %add3A_370, %add3A_400 : vector<16xf32>, vector<16xf32>, vector<16xf32>, vector<16xf32>, vector<16xf32>, vector<16xf32>, vector<16xf32>, vector<16xf32>
      }
      %scan3A_155 = arith.constant 8 : i32
      scf.yield %scan3A_154#0, %scan3A_154#1, %scan3A_154#2, %scan3A_154#3, %scan3A_154#4, %scan3A_154#5, %scan3A_154#6, %scan3A_154#7 : vector<16xf32>, vector<16xf32>, vector<16xf32>, vector<16xf32>, vector<16xf32>, vector<16xf32>, vector<16xf32>, vector<16xf32>
    }
    %scan3A_115 = arith.constant 8 : i32
    %dma_wait3A_116 = arith.constant 0 : i32
    %dma_wait3A_117 = arith.constant 0 : i32
    %dma_wait3A_118 = tpu.memref_slice %arg2[%dma_wait3A_116, %dma_wait3A_117] : memref<16384x2048xf32, #tpu.memory_space<hbm>> -> memref<8x2048xf32, #tpu.memory_space<hbm>>
    %dma_wait3A_119 = arith.constant 0 : i32
    %dma_wait3A_120 = arith.constant 0 : i32
    %dma_wait3A_121 = tpu.memref_slice %arg2[%dma_wait3A_119, %dma_wait3A_120] : memref<16384x2048xf32, #tpu.memory_space<hbm>> -> memref<8x2048xf32, #tpu.memory_space<hbm>>
    tpu.wait_dma2 semaphore(%arg19 : memref<!tpu.dma_semaphore, #tpu.memory_space<semaphore_mem>>) src(%dma_wait3A_121 : memref<8x2048xf32, #tpu.memory_space<hbm>>) dst(%arg10 : memref<8x2048xf32, #tpu.memory_space<vmem>>)
    %dma_wait3A_122 = arith.constant 0 : i32
    %dma_wait3A_123 = tpu.memref_slice %arg6[%dma_wait3A_122] : memref<512xi32, #tpu.memory_space<vmem>> -> memref<8xi32, #tpu.memory_space<vmem>>
    %dma_wait3A_124 = arith.constant 0 : i32
    %dma_wait3A_125 = arith.constant 0 : i32
    %dma_wait3A_126 = tpu.memref_slice %arg4[%dma_wait3A_124, %dma_wait3A_125] : memref<2048x1024xi32, #tpu.memory_space<hbm>> -> memref<2048x1024xi32, #tpu.memory_space<hbm>>
    tpu.wait_indirect_dma semaphore(%arg23 : memref<!tpu.dma_semaphore, #tpu.memory_space<semaphore_mem>>) src(%dma_wait3A_126 : memref<2048x1024xi32, #tpu.memory_space<hbm>>) dst(%arg14 : memref<8x1024xi32, #tpu.memory_space<vmem>>)
    %scan3A_127 = arith.constant 0 : i32
    %scan3A_128 = arith.constant 8 : i32
    %scan3A_129 = arith.addi %scan3A_127, %scan3A_128 : i32
    %scan3A_130 = arith.constant 1 : i32
    %scan3A_131:8 = scf.for %scan3A_141 = %scan3A_127 to %scan3A_129 step %scan3A_130 iter_args(%scan3A_142 = %scan3A_114#0, %scan3A_143 = %scan3A_114#1, %scan3A_144 = %scan3A_114#2, %scan3A_145 = %scan3A_114#3, %scan3A_146 = %scan3A_114#4, %scan3A_147 = %scan3A_114#5, %scan3A_148 = %scan3A_114#6, %scan3A_149 = %scan3A_114#7) -> (vector<16xf32>, vector<16xf32>, vector<16xf32>, vector<16xf32>, vector<16xf32>, vector<16xf32>, vector<16xf32>, vector<16xf32>)  : i32 {
      %scan3A_150 = arith.constant 0 : i32
      %scan3A_151 = arith.constant 8 : i32
      %scan3A_152 = arith.addi %scan3A_150, %scan3A_151 : i32
      %scan3A_153 = arith.constant 1 : i32
      %scan3A_154:8 = scf.for %scan3A_156 = %scan3A_150 to %scan3A_152 step %scan3A_153 iter_args(%scan3A_157 = %scan3A_142, %scan3A_158 = %scan3A_143, %scan3A_159 = %scan3A_144, %scan3A_160 = %scan3A_145, %scan3A_161 = %scan3A_146, %scan3A_162 = %scan3A_147, %scan3A_163 = %scan3A_148, %scan3A_164 = %scan3A_149) -> (vector<16xf32>, vector<16xf32>, vector<16xf32>, vector<16xf32>, vector<16xf32>, vector<16xf32>, vector<16xf32>, vector<16xf32>)  : i32 {
        %mul3A_165 = arith.constant 8 : i32
        %mul3A_166 = arith.muli %scan3A_156, %mul3A_165 : i32
        %add3A_167 = arith.constant 0 : i32
        %add3A_168 = arith.addi %mul3A_166, %add3A_167 : i32
        %mul3A_169 = arith.constant 16 : i32
        %mul3A_170 = arith.muli %add3A_168, %mul3A_169 : i32
        %get3A = arith.index_cast %scan3A_141 : i32 to index
        %get3A_171 = arith.index_cast %mul3A_170 : i32 to index
        %get3A_172 = tpu.vector_load %arg10[%get3A, %get3A_171] {strides = array<i32>} : memref<8x2048xf32, #tpu.memory_space<vmem>>, vector<16xf32>,
        %mul3A_173 = arith.constant 16 : i32
        %mul3A_174 = arith.muli %add3A_168, %mul3A_173 : i32
        %add3A_175 = arith.constant 1024 : i32
        %add3A_176 = arith.addi %add3A_175, %mul3A_174 : i32
        %get3A_177 = arith.index_cast %scan3A_141 : i32 to index
        %get3A_178 = arith.index_cast %add3A_176 : i32 to index
        %get3A_179 = tpu.vector_load %arg10[%get3A_177, %get3A_178] {strides = array<i32>} : memref<8x2048xf32, #tpu.memory_space<vmem>>, vector<16xf32>,
        %mul3A_180 = arith.constant 16 : i32
        %mul3A_181 = arith.muli %add3A_168, %mul3A_180 : i32
        %get3A_182 = arith.index_cast %scan3A_141 : i32 to index
        %get3A_183 = arith.index_cast %mul3A_181 : i32 to index
        %get3A_184 = tpu.vector_load %arg14[%get3A_182, %get3A_183] {strides = array<i32>} : memref<8x1024xi32, #tpu.memory_space<vmem>>, vector<16xi32>,
        %bitcast3A = vector.bitcast %get3A_184 : vector<16xi32> to vector<32xbf16>
        %unpack3A = tpu.unpack_subelements %bitcast3A, 0 {pack_format = #tpu.pack_format<interleaved>} : vector<32xbf16> -> vector<16xf32>
        %unpack3A_185 = tpu.unpack_subelements %bitcast3A, 1 {pack_format = #tpu.pack_format<interleaved>} : vector<32xbf16> -> vector<16xf32>
        %sub3A = arith.subf %get3A_172, %unpack3A : vector<16xf32>
        %sub3A_186 = arith.subf %get3A_179, %unpack3A_185 : vector<16xf32>
        %mul3A_187 = arith.mulf %sub3A, %sub3A : vector<16xf32>
        %add3A_188 = arith.addf %scan3A_157, %mul3A_187 : vector<16xf32>
        %mul3A_189 = arith.mulf %sub3A_186, %sub3A_186 : vector<16xf32>
        %add3A_190 = arith.addf %add3A_188, %mul3A_189 : vector<16xf32>
        %mul3A_191 = arith.constant 8 : i32
        %mul3A_192 = arith.muli %scan3A_156, %mul3A_191 : i32
        %add3A_193 = arith.constant 1 : i32
        %add3A_194 = arith.addi %mul3A_192, %add3A_193 : i32
        %mul3A_195 = arith.constant 16 : i32
        %mul3A_196 = arith.muli %add3A_194, %mul3A_195 : i32
        %get3A_197 = arith.index_cast %scan3A_141 : i32 to index
        %get3A_198 = arith.index_cast %mul3A_196 : i32 to index
        %get3A_199 = tpu.vector_load %arg10[%get3A_197, %get3A_198] {strides = array<i32>} : memref<8x2048xf32, #tpu.memory_space<vmem>>, vector<16xf32>,
        %mul3A_200 = arith.constant 16 : i32
        %mul3A_201 = arith.muli %add3A_194, %mul3A_200 : i32
        %add3A_202 = arith.constant 1024 : i32
        %add3A_203 = arith.addi %add3A_202, %mul3A_201 : i32
        %get3A_204 = arith.index_cast %scan3A_141 : i32 to index
        %get3A_205 = arith.index_cast %add3A_203 : i32 to index
        %get3A_206 = tpu.vector_load %arg10[%get3A_204, %get3A_205] {strides = array<i32>} : memref<8x2048xf32, #tpu.memory_space<vmem>>, vector<16xf32>,
        %mul3A_207 = arith.constant 16 : i32
        %mul3A_208 = arith.muli %add3A_194, %mul3A_207 : i32
        %get3A_209 = arith.index_cast %scan3A_141 : i32 to index
        %get3A_210 = arith.index_cast %mul3A_208 : i32 to index
        %get3A_211 = tpu.vector_load %arg14[%get3A_209, %get3A_210] {strides = array<i32>} : memref<8x1024xi32, #tpu.memory_space<vmem>>, vector<16xi32>,
        %bitcast3A_212 = vector.bitcast %get3A_211 : vector<16xi32> to vector<32xbf16>
        %unpack3A_213 = tpu.unpack_subelements %bitcast3A_212, 0 {pack_format = #tpu.pack_format<interleaved>} : vector<32xbf16> -> vector<16xf32>
        %unpack3A_214 = tpu.unpack_subelements %bitcast3A_212, 1 {pack_format = #tpu.pack_format<interleaved>} : vector<32xbf16> -> vector<16xf32>
        %sub3A_215 = arith.subf %get3A_199, %unpack3A_213 : vector<16xf32>
        %sub3A_216 = arith.subf %get3A_206, %unpack3A_214 : vector<16xf32>
        %mul3A_217 = arith.mulf %sub3A_215, %sub3A_215 : vector<16xf32>
        %add3A_218 = arith.addf %scan3A_158, %mul3A_217 : vector<16xf32>
        %mul3A_219 = arith.mulf %sub3A_216, %sub3A_216 : vector<16xf32>
        %add3A_220 = arith.addf %add3A_218, %mul3A_219 : vector<16xf32>
        %mul3A_221 = arith.constant 8 : i32
        %mul3A_222 = arith.muli %scan3A_156, %mul3A_221 : i32
        %add3A_223 = arith.constant 2 : i32
        %add3A_224 = arith.addi %mul3A_222, %add3A_223 : i32
        %mul3A_225 = arith.constant 16 : i32
        %mul3A_226 = arith.muli %add3A_224, %mul3A_225 : i32
        %get3A_227 = arith.index_cast %scan3A_141 : i32 to index
        %get3A_228 = arith.index_cast %mul3A_226 : i32 to index
        %get3A_229 = tpu.vector_load %arg10[%get3A_227, %get3A_228] {strides = array<i32>} : memref<8x2048xf32, #tpu.memory_space<vmem>>, vector<16xf32>,
        %mul3A_230 = arith.constant 16 : i32
        %mul3A_231 = arith.muli %add3A_224, %mul3A_230 : i32
        %add3A_232 = arith.constant 1024 : i32
        %add3A_233 = arith.addi %add3A_232, %mul3A_231 : i32
        %get3A_234 = arith.index_cast %scan3A_141 : i32 to index
        %get3A_235 = arith.index_cast %add3A_233 : i32 to index
        %get3A_236 = tpu.vector_load %arg10[%get3A_234, %get3A_235] {strides = array<i32>} : memref<8x2048xf32, #tpu.memory_space<vmem>>, vector<16xf32>,
        %mul3A_237 = arith.constant 16 : i32
        %mul3A_238 = arith.muli %add3A_224, %mul3A_237 : i32
        %get3A_239 = arith.index_cast %scan3A_141 : i32 to index
        %get3A_240 = arith.index_cast %mul3A_238 : i32 to index
        %get3A_241 = tpu.vector_load %arg14[%get3A_239, %get3A_240] {strides = array<i32>} : memref<8x1024xi32, #tpu.memory_space<vmem>>, vector<16xi32>,
        %bitcast3A_242 = vector.bitcast %get3A_241 : vector<16xi32> to vector<32xbf16>
        %unpack3A_243 = tpu.unpack_subelements %bitcast3A_242, 0 {pack_format = #tpu.pack_format<interleaved>} : vector<32xbf16> -> vector<16xf32>
        %unpack3A_244 = tpu.unpack_subelements %bitcast3A_242, 1 {pack_format = #tpu.pack_format<interleaved>} : vector<32xbf16> -> vector<16xf32>
        %sub3A_245 = arith.subf %get3A_229, %unpack3A_243 : vector<16xf32>
        %sub3A_246 = arith.subf %get3A_236, %unpack3A_244 : vector<16xf32>
        %mul3A_247 = arith.mulf %sub3A_245, %sub3A_245 : vector<16xf32>
        %add3A_248 = arith.addf %scan3A_159, %mul3A_247 : vector<16xf32>
        %mul3A_249 = arith.mulf %sub3A_246, %sub3A_246 : vector<16xf32>
        %add3A_250 = arith.addf %add3A_248, %mul3A_249 : vector<16xf32>
        %mul3A_251 = arith.constant 8 : i32
        %mul3A_252 = arith.muli %scan3A_156, %mul3A_251 : i32
        %add3A_253 = arith.constant 3 : i32
        %add3A_254 = arith.addi %mul3A_252, %add3A_253 : i32
        %mul3A_255 = arith.constant 16 : i32
        %mul3A_256 = arith.muli %add3A_254, %mul3A_255 : i32
        %get3A_257 = arith.index_cast %scan3A_141 : i32 to index
        %get3A_258 = arith.index_cast %mul3A_256 : i32 to index
        %get3A_259 = tpu.vector_load %arg10[%get3A_257, %get3A_258] {strides = array<i32>} : memref<8x2048xf32, #tpu.memory_space<vmem>>, vector<16xf32>,
        %mul3A_260 = arith.constant 16 : i32
        %mul3A_261 = arith.muli %add3A_254, %mul3A_260 : i32
        %add3A_262 = arith.constant 1024 : i32
        %add3A_263 = arith.addi %add3A_262, %mul3A_261 : i32
        %get3A_264 = arith.index_cast %scan3A_141 : i32 to index
        %get3A_265 = arith.index_cast %add3A_263 : i32 to index
        %get3A_266 = tpu.vector_load %arg10[%get3A_264, %get3A_265] {strides = array<i32>} : memref<8x2048xf32, #tpu.memory_space<vmem>>, vector<16xf32>,
        %mul3A_267 = arith.constant 16 : i32
        %mul3A_268 = arith.muli %add3A_254, %mul3A_267 : i32
        %get3A_269 = arith.index_cast %scan3A_141 : i32 to index
        %get3A_270 = arith.index_cast %mul3A_268 : i32 to index
        %get3A_271 = tpu.vector_load %arg14[%get3A_269, %get3A_270] {strides = array<i32>} : memref<8x1024xi32, #tpu.memory_space<vmem>>, vector<16xi32>,
        %bitcast3A_272 = vector.bitcast %get3A_271 : vector<16xi32> to vector<32xbf16>
        %unpack3A_273 = tpu.unpack_subelements %bitcast3A_272, 0 {pack_format = #tpu.pack_format<interleaved>} : vector<32xbf16> -> vector<16xf32>
        %unpack3A_274 = tpu.unpack_subelements %bitcast3A_272, 1 {pack_format = #tpu.pack_format<interleaved>} : vector<32xbf16> -> vector<16xf32>
        %sub3A_275 = arith.subf %get3A_259, %unpack3A_273 : vector<16xf32>
        %sub3A_276 = arith.subf %get3A_266, %unpack3A_274 : vector<16xf32>
        %mul3A_277 = arith.mulf %sub3A_275, %sub3A_275 : vector<16xf32>
        %add3A_278 = arith.addf %scan3A_160, %mul3A_277 : vector<16xf32>
        %mul3A_279 = arith.mulf %sub3A_276, %sub3A_276 : vector<16xf32>
        %add3A_280 = arith.addf %add3A_278, %mul3A_279 : vector<16xf32>
        %mul3A_281 = arith.constant 8 : i32
        %mul3A_282 = arith.muli %scan3A_156, %mul3A_281 : i32
        %add3A_283 = arith.constant 4 : i32
        %add3A_284 = arith.addi %mul3A_282, %add3A_283 : i32
        %mul3A_285 = arith.constant 16 : i32
        %mul3A_286 = arith.muli %add3A_284, %mul3A_285 : i32
        %get3A_287 = arith.index_cast %scan3A_141 : i32 to index
        %get3A_288 = arith.index_cast %mul3A_286 : i32 to index
        %get3A_289 = tpu.vector_load %arg10[%get3A_287, %get3A_288] {strides = array<i32>} : memref<8x2048xf32, #tpu.memory_space<vmem>>, vector<16xf32>,
        %mul3A_290 = arith.constant 16 : i32
        %mul3A_291 = arith.muli %add3A_284, %mul3A_290 : i32
        %add3A_292 = arith.constant 1024 : i32
        %add3A_293 = arith.addi %add3A_292, %mul3A_291 : i32
        %get3A_294 = arith.index_cast %scan3A_141 : i32 to index
        %get3A_295 = arith.index_cast %add3A_293 : i32 to index
        %get3A_296 = tpu.vector_load %arg10[%get3A_294, %get3A_295] {strides = array<i32>} : memref<8x2048xf32, #tpu.memory_space<vmem>>, vector<16xf32>,
        %mul3A_297 = arith.constant 16 : i32
        %mul3A_298 = arith.muli %add3A_284, %mul3A_297 : i32
        %get3A_299 = arith.index_cast %scan3A_141 : i32 to index
        %get3A_300 = arith.index_cast %mul3A_298 : i32 to index
        %get3A_301 = tpu.vector_load %arg14[%get3A_299, %get3A_300] {strides = array<i32>} : memref<8x1024xi32, #tpu.memory_space<vmem>>, vector<16xi32>,
        %bitcast3A_302 = vector.bitcast %get3A_301 : vector<16xi32> to vector<32xbf16>
        %unpack3A_303 = tpu.unpack_subelements %bitcast3A_302, 0 {pack_format = #tpu.pack_format<interleaved>} : vector<32xbf16> -> vector<16xf32>
        %unpack3A_304 = tpu.unpack_subelements %bitcast3A_302, 1 {pack_format = #tpu.pack_format<interleaved>} : vector<32xbf16> -> vector<16xf32>
        %sub3A_305 = arith.subf %get3A_289, %unpack3A_303 : vector<16xf32>
        %sub3A_306 = arith.subf %get3A_296, %unpack3A_304 : vector<16xf32>
        %mul3A_307 = arith.mulf %sub3A_305, %sub3A_305 : vector<16xf32>
        %add3A_308 = arith.addf %scan3A_161, %mul3A_307 : vector<16xf32>
        %mul3A_309 = arith.mulf %sub3A_306, %sub3A_306 : vector<16xf32>
        %add3A_310 = arith.addf %add3A_308, %mul3A_309 : vector<16xf32>
        %mul3A_311 = arith.constant 8 : i32
        %mul3A_312 = arith.muli %scan3A_156, %mul3A_311 : i32
        %add3A_313 = arith.constant 5 : i32
        %add3A_314 = arith.addi %mul3A_312, %add3A_313 : i32
        %mul3A_315 = arith.constant 16 : i32
        %mul3A_316 = arith.muli %add3A_314, %mul3A_315 : i32
        %get3A_317 = arith.index_cast %scan3A_141 : i32 to index
        %get3A_318 = arith.index_cast %mul3A_316 : i32 to index
        %get3A_319 = tpu.vector_load %arg10[%get3A_317, %get3A_318] {strides = array<i32>} : memref<8x2048xf32, #tpu.memory_space<vmem>>, vector<16xf32>,
        %mul3A_320 = arith.constant 16 : i32
        %mul3A_321 = arith.muli %add3A_314, %mul3A_320 : i32
        %add3A_322 = arith.constant 1024 : i32
        %add3A_323 = arith.addi %add3A_322, %mul3A_321 : i32
        %get3A_324 = arith.index_cast %scan3A_141 : i32 to index
        %get3A_325 = arith.index_cast %add3A_323 : i32 to index
        %get3A_326 = tpu.vector_load %arg10[%get3A_324, %get3A_325] {strides = array<i32>} : memref<8x2048xf32, #tpu.memory_space<vmem>>, vector<16xf32>,
        %mul3A_327 = arith.constant 16 : i32
        %mul3A_328 = arith.muli %add3A_314, %mul3A_327 : i32
        %get3A_329 = arith.index_cast %scan3A_141 : i32 to index
        %get3A_330 = arith.index_cast %mul3A_328 : i32 to index
        %get3A_331 = tpu.vector_load %arg14[%get3A_329, %get3A_330] {strides = array<i32>} : memref<8x1024xi32, #tpu.memory_space<vmem>>, vector<16xi32>,
        %bitcast3A_332 = vector.bitcast %get3A_331 : vector<16xi32> to vector<32xbf16>
        %unpack3A_333 = tpu.unpack_subelements %bitcast3A_332, 0 {pack_format = #tpu.pack_format<interleaved>} : vector<32xbf16> -> vector<16xf32>
        %unpack3A_334 = tpu.unpack_subelements %bitcast3A_332, 1 {pack_format = #tpu.pack_format<interleaved>} : vector<32xbf16> -> vector<16xf32>
        %sub3A_335 = arith.subf %get3A_319, %unpack3A_333 : vector<16xf32>
        %sub3A_336 = arith.subf %get3A_326, %unpack3A_334 : vector<16xf32>
        %mul3A_337 = arith.mulf %sub3A_335, %sub3A_335 : vector<16xf32>
        %add3A_338 = arith.addf %scan3A_162, %mul3A_337 : vector<16xf32>
        %mul3A_339 = arith.mulf %sub3A_336, %sub3A_336 : vector<16xf32>
        %add3A_340 = arith.addf %add3A_338, %mul3A_339 : vector<16xf32>
        %mul3A_341 = arith.constant 8 : i32
        %mul3A_342 = arith.muli %scan3A_156, %mul3A_341 : i32
        %add3A_343 = arith.constant 6 : i32
        %add3A_344 = arith.addi %mul3A_342, %add3A_343 : i32
        %mul3A_345 = arith.constant 16 : i32
        %mul3A_346 = arith.muli %add3A_344, %mul3A_345 : i32
        %get3A_347 = arith.index_cast %scan3A_141 : i32 to index
        %get3A_348 = arith.index_cast %mul3A_346 : i32 to index
        %get3A_349 = tpu.vector_load %arg10[%get3A_347, %get3A_348] {strides = array<i32>} : memref<8x2048xf32, #tpu.memory_space<vmem>>, vector<16xf32>,
        %mul3A_350 = arith.constant 16 : i32
        %mul3A_351 = arith.muli %add3A_344, %mul3A_350 : i32
        %add3A_352 = arith.constant 1024 : i32
        %add3A_353 = arith.addi %add3A_352, %mul3A_351 : i32
        %get3A_354 = arith.index_cast %scan3A_141 : i32 to index
        %get3A_355 = arith.index_cast %add3A_353 : i32 to index
        %get3A_356 = tpu.vector_load %arg10[%get3A_354, %get3A_355] {strides = array<i32>} : memref<8x2048xf32, #tpu.memory_space<vmem>>, vector<16xf32>,
        %mul3A_357 = arith.constant 16 : i32
        %mul3A_358 = arith.muli %add3A_344, %mul3A_357 : i32
        %get3A_359 = arith.index_cast %scan3A_141 : i32 to index
        %get3A_360 = arith.index_cast %mul3A_358 : i32 to index
        %get3A_361 = tpu.vector_load %arg14[%get3A_359, %get3A_360] {strides = array<i32>} : memref<8x1024xi32, #tpu.memory_space<vmem>>, vector<16xi32>,
        %bitcast3A_362 = vector.bitcast %get3A_361 : vector<16xi32> to vector<32xbf16>
        %unpack3A_363 = tpu.unpack_subelements %bitcast3A_362, 0 {pack_format = #tpu.pack_format<interleaved>} : vector<32xbf16> -> vector<16xf32>
        %unpack3A_364 = tpu.unpack_subelements %bitcast3A_362, 1 {pack_format = #tpu.pack_format<interleaved>} : vector<32xbf16> -> vector<16xf32>
        %sub3A_365 = arith.subf %get3A_349, %unpack3A_363 : vector<16xf32>
        %sub3A_366 = arith.subf %get3A_356, %unpack3A_364 : vector<16xf32>
        %mul3A_367 = arith.mulf %sub3A_365, %sub3A_365 : vector<16xf32>
        %add3A_368 = arith.addf %scan3A_163, %mul3A_367 : vector<16xf32>
        %mul3A_369 = arith.mulf %sub3A_366, %sub3A_366 : vector<16xf32>
        %add3A_370 = arith.addf %add3A_368, %mul3A_369 : vector<16xf32>
        %mul3A_371 = arith.constant 8 : i32
        %mul3A_372 = arith.muli %scan3A_156, %mul3A_371 : i32
        %add3A_373 = arith.constant 7 : i32
        %add3A_374 = arith.addi %mul3A_372, %add3A_373 : i32
        %mul3A_375 = arith.constant 16 : i32
        %mul3A_376 = arith.muli %add3A_374, %mul3A_375 : i32
        %get3A_377 = arith.index_cast %scan3A_141 : i32 to index
        %get3A_378 = arith.index_cast %mul3A_376 : i32 to index
        %get3A_379 = tpu.vector_load %arg10[%get3A_377, %get3A_378] {strides = array<i32>} : memref<8x2048xf32, #tpu.memory_space<vmem>>, vector<16xf32>,
        %mul3A_380 = arith.constant 16 : i32
        %mul3A_381 = arith.muli %add3A_374, %mul3A_380 : i32
        %add3A_382 = arith.constant 1024 : i32
        %add3A_383 = arith.addi %add3A_382, %mul3A_381 : i32
        %get3A_384 = arith.index_cast %scan3A_141 : i32 to index
        %get3A_385 = arith.index_cast %add3A_383 : i32 to index
        %get3A_386 = tpu.vector_load %arg10[%get3A_384, %get3A_385] {strides = array<i32>} : memref<8x2048xf32, #tpu.memory_space<vmem>>, vector<16xf32>,
        %mul3A_387 = arith.constant 16 : i32
        %mul3A_388 = arith.muli %add3A_374, %mul3A_387 : i32
        %get3A_389 = arith.index_cast %scan3A_141 : i32 to index
        %get3A_390 = arith.index_cast %mul3A_388 : i32 to index
        %get3A_391 = tpu.vector_load %arg14[%get3A_389, %get3A_390] {strides = array<i32>} : memref<8x1024xi32, #tpu.memory_space<vmem>>, vector<16xi32>,
        %bitcast3A_392 = vector.bitcast %get3A_391 : vector<16xi32> to vector<32xbf16>
        %unpack3A_393 = tpu.unpack_subelements %bitcast3A_392, 0 {pack_format = #tpu.pack_format<interleaved>} : vector<32xbf16> -> vector<16xf32>
        %unpack3A_394 = tpu.unpack_subelements %bitcast3A_392, 1 {pack_format = #tpu.pack_format<interleaved>} : vector<32xbf16> -> vector<16xf32>
        %sub3A_395 = arith.subf %get3A_379, %unpack3A_393 : vector<16xf32>
        %sub3A_396 = arith.subf %get3A_386, %unpack3A_394 : vector<16xf32>
        %mul3A_397 = arith.mulf %sub3A_395, %sub3A_395 : vector<16xf32>
        %add3A_398 = arith.addf %scan3A_164, %mul3A_397 : vector<16xf32>
        %mul3A_399 = arith.mulf %sub3A_396, %sub3A_396 : vector<16xf32>
        %add3A_400 = arith.addf %add3A_398, %mul3A_399 : vector<16xf32>
        scf.yield %add3A_190, %add3A_220, %add3A_250, %add3A_280, %add3A_310, %add3A_340, %add3A_370, %add3A_400 : vector<16xf32>, vector<16xf32>, vector<16xf32>, vector<16xf32>, vector<16xf32>, vector<16xf32>, vector<16xf32>, vector<16xf32>
      }
      %scan3A_155 = arith.constant 8 : i32
      scf.yield %scan3A_154#0, %scan3A_154#1, %scan3A_154#2, %scan3A_154#3, %scan3A_154#4, %scan3A_154#5, %scan3A_154#6, %scan3A_154#7 : vector<16xf32>, vector<16xf32>, vector<16xf32>, vector<16xf32>, vector<16xf32>, vector<16xf32>, vector<16xf32>, vector<16xf32>
    }
    %scan3A_132 = arith.constant 8 : i32
    %add3A_133 = arith.addf %scan3A_131#0, %scan3A_131#1 : vector<16xf32>
    %add3A_134 = arith.addf %scan3A_131#2, %scan3A_131#3 : vector<16xf32>
    %add3A_135 = arith.addf %scan3A_131#4, %scan3A_131#5 : vector<16xf32>
    %add3A_136 = arith.addf %scan3A_131#6, %scan3A_131#7 : vector<16xf32>
    %add3A_137 = arith.addf %add3A_133, %add3A_134 : vector<16xf32>
    %add3A_138 = arith.addf %add3A_135, %add3A_136 : vector<16xf32>
    %add3A_139 = arith.addf %add3A_137, %add3A_138 : vector<16xf32>
    %swap3A = arith.constant 0 : index
    %swap3A_140 = tpu.vector_load %arg15[%swap3A] {strides = array<i32>} : memref<16xf32, #tpu.memory_space<vmem>>, vector<16xf32>,
    tpu.vector_store %arg15[%swap3A], %add3A_139 {strides = array<i32>} : memref<16xf32, #tpu.memory_space<vmem>>, vector<16xf32>,
    "tpu.region"() ({
      %run_scoped3A = tpu.sem_alloc : memref<!tpu.dma_semaphore, #tpu.memory_space<semaphore_mem>>
      %dma_start3A_141 = arith.constant 0 : i32
      %dma_start3A_142 = tpu.memref_slice %arg5[%add3A, %dma_start3A_141] : memref<32x16xf32, #tpu.memory_space<hbm>> -> memref<1x16xf32, #tpu.memory_space<hbm>>
      %dma_start3A_143 = tpu.memref_squeeze %dma_start3A_142 : memref<1x16xf32, #tpu.memory_space<hbm>> -> memref<16xf32, #tpu.memory_space<hbm>>
      %dma_start3A_144 = arith.constant 0 : i32
      %dma_start3A_145 = tpu.memref_slice %arg5[%add3A, %dma_start3A_144] : memref<32x16xf32, #tpu.memory_space<hbm>> -> memref<1x16xf32, #tpu.memory_space<hbm>>
      %dma_start3A_146 = tpu.memref_squeeze %dma_start3A_145 : memref<1x16xf32, #tpu.memory_space<hbm>> -> memref<16xf32, #tpu.memory_space<hbm>>
      tpu.enqueue_dma source(%arg15 : memref<16xf32, #tpu.memory_space<vmem>>) target(%dma_start3A_146 : memref<16xf32, #tpu.memory_space<hbm>>) target_semaphore(%run_scoped3A : memref<!tpu.dma_semaphore, #tpu.memory_space<semaphore_mem>>)
      %dma_wait3A_147 = arith.constant 0 : i32
      %dma_wait3A_148 = tpu.memref_slice %arg5[%add3A, %dma_wait3A_147] : memref<32x16xf32, #tpu.memory_space<hbm>> -> memref<1x16xf32, #tpu.memory_space<hbm>>
      %dma_wait3A_149 = tpu.memref_squeeze %dma_wait3A_148 : memref<1x16xf32, #tpu.memory_space<hbm>> -> memref<16xf32, #tpu.memory_space<hbm>>
      %dma_wait3A_150 = arith.constant 0 : i32
      %dma_wait3A_151 = tpu.memref_slice %arg5[%add3A, %dma_wait3A_150] : memref<32x16xf32, #tpu.memory_space<hbm>> -> memref<1x16xf32, #tpu.memory_space<hbm>>
      %dma_wait3A_152 = tpu.memref_squeeze %dma_wait3A_151 : memref<1x16xf32, #tpu.memory_space<hbm>> -> memref<16xf32, #tpu.memory_space<hbm>>
      tpu.wait_dma2 semaphore(%run_scoped3A : memref<!tpu.dma_semaphore, #tpu.memory_space<semaphore_mem>>) src(%arg15 : memref<16xf32, #tpu.memory_space<vmem>>) dst(%dma_wait3A_152 : memref<16xf32, #tpu.memory_space<hbm>>)
      tpu.yield
    }) : () -> ()
    return
  }
}

</mosaic_0001>

<sc_bundles>
// kernel: kernel.3.cloned.1.call-start
scs
__scs_entry_jumppad:
0x0: {  	(pc) =	sbr.rel $0x88, $3  }
0x1: {  	(tag) =	ssettag $0x0;
	lr =	simm.s32 $0x1  }
0x2: {  	[smem:$0x3F9E] =	sst lr;
	_ =	strace $0xD0000000  }
0x3: {  	_ = 	snop  }
0x4: {  	_ = 	snop  }
0x5: {  	_ = 	snop  }
0x6: {  	_ = 	snop  }
0x7: {  	_ = 	snop  }
__scs_overlays_trampoline_lowered:
0x8: {  	[smem:$0x3FAD] =	sst s0  }
0x9: {  	[smem:$0x3FAE] =	sst s1  }
0xa: {  	[smem:$0x3FAF] =	sst s2  }
0xb: {  	[smem:$0x3FB0] =	sst s3  }
0xc: {  	[smem:$0x3FB1] =	sst s4  }
0xd: {  	[smem:$0x3FB2] =	sst s5  }
0xe: {  	[smem:$0x3FB3] =	sst s6  }
0xf: {  	[smem:$0x3FB4] =	sst s7  }
0x10: {  	[smem:$0x3FB5] =	sst s8  }
0x11: {  	[smem:$0x3FB6] =	sst s9;
	s0 =	simm.s32 @!p0 $0x0  }
0x12: {  	s1 =	sld [smem:$0x3F9C];
	s0 =	simm.s32 @p0 $0x1  }
0x13: {  	[smem:$0x3FB7] =	sst s0;
	s0 =	simm.s32 @!p1 $0x0  }
0x14: {  	s2 =	sld [smem:$0x3F9B];
	s0 =	simm.s32 @p1 $0x1  }
0x15: {  	[smem:$0x3FB8] =	sst s0;
	s0 =	simm.s32 @!p2 $0x0  }
0x16: {  	s3 =	sld [smem:$0x3FDB];
	s0 =	simm.s32 @p2 $0x1  }
0x17: {  	s4 =	simm.s32 $0x1BF5;
	[smem:$0x3FBA] =	sst s0  }
0x18: {  	s0 =	sld [smem:$0x3F9D];
	_ =	swait.ge [sflag:s4], $0x0  }
0x19: {  	s7 =	sld [smem:$0x3F9E]  }
0x1a: {  	s8 =	sadd.s32 $0xFFFFE003, lr  }
0x1b: {  	s9 =	sadd.s32 $0xFFFFFEF7, lr;
	s5 =	simm.s32 $0xFFFFFFFF;
	p2 =	slt.u32 s8, $0xFFFFF086  }
0x1c: {  	p1 =	slt.u32 s9, $0xF7A;
	s5 =	simm.s32 @!p2 $0x0  }
0x1d: {  	s5 =	simm.s32 @p1 $0x1;
	p0 =	seq.s32 s7, s2  }
0x1e: {  	s7 =	smul.u32 @!p0 $0xF7A, s2;
	p2 =	seq.s32 @!p0 s5, $0x0  }
0x1f: {  	s9 =	smul.u32 $0xF7A, s1;
	s8 =	simm.s32 @!p0 $0x1BF5;
	p2 =	por !p2, p0  }
0x20: {  	[sflag:s8] =	ssyncset.s32 @!p0 $0xFFFFF086;
	s6 =	sadd.s32 @!p0 s3, s7;
	s7 =	simm.s32 @!p0 $0x108  }
0x21: {  	s3 =	sadd.s32 s3, s9;
	s6 =	sadd.s32 @!p0 $0x88, s6;
	s7 =	simm.s32 @p2 $0x1082  }
0x22: {  	[simem:s7], [sflag:s8] =	dma.local @!p0 [hbm:s6], $0xF7A  }
0x23: {  	s9 =	sor.u32 $0xD0000000, s2;
	s6 =	simm.s32 $0x108;
	_ =	swait.ge @!p0 [sflag:s8], $0x0  }
0x24: {  	s3 =	sadd.s32 $0x88, s3;
	s6 =	simm.s32 @!p1 $0x1082;
	[sflag:s4] =	ssyncset.s32 $0xFFFFF086  }
0x25: {  	[simem:s6], [sflag:s4] =	dma.local [hbm:s3], $0xF7A  }
0x26: {  	[smem:$0x3F9E] =	sst s1;
	(tag) =	ssettag s2;
	_ =	strace s9  }
0x27: {  	s1 =	sld [smem:$0x3FAE]  }
0x28: {  	s2 =	sld [smem:$0x3FAF]  }
0x29: {  	s4 =	sld [smem:$0x3FB1]  }
0x2a: {  	p0 =	seq.s32 s5, $0x0;
	s5 =	sld [smem:$0x3FB2]  }
0x2b: {  	s6 =	sld [smem:$0x3FB3]  }
0x2c: {  	s7 =	sld [smem:$0x3FB4]  }
0x2d: {  	s3 =	simm.s32 $0x108;
	s8 =	sld [smem:$0x3FB5]  }
0x2e: {  	s3 =	simm.s32 @!p0 $0x1082;
	s9 =	sld [smem:$0x3FB6]  }
0x2f: {  	lr =	sadd.s32 s0, s3;
	s0 =	sld [smem:$0x3FAD]  }
0x30: {  	s3 =	sld [smem:$0x3FB0]  }
0x31: {  	[smem:$0x3FB9] =	sst s10  }
0x32: {  	s10 =	sld [smem:$0x3FB7];
	_ =	sdelay $0x3  }
0x33: {  	p0 =	seq.s32 s10, $0x1;
	s10 =	sld [smem:$0x3FB9];
	_ =	sdelay $0x3  }
0x34: {  	[smem:$0x3FB9] =	sst s10  }
0x35: {  	s10 =	sld [smem:$0x3FB8];
	_ =	sdelay $0x3  }
0x36: {  	p1 =	seq.s32 s10, $0x1;
	s10 =	sld [smem:$0x3FB9];
	_ =	sdelay $0x3  }
0x37: {  	[smem:$0x3FB9] =	sst s10  }
0x38: {  	s10 =	sld [smem:$0x3FBA]  }
0x39: {  	_ = 	snop;
	(pc) =	sbr.ind lr, $3  }
0x3a: {  	_ = 	snop  }
0x3b: {  	_ = 	snop  }
0x3c: {  	p2 =	seq.s32 s10, $0x1;
	s10 =	sld [smem:$0x3FB9]  }
0x3d: {  	_ =	shalt  }
0x3e: {  	_ =	shalt  }
0x3f: {  	_ =	shalt  }
0x40: {  	_ =	shalt  }
0x41: {  	_ =	shalt  }
0x42: {  	_ =	shalt  }
0x43: {  	_ =	shalt  }
0x44: {  	_ =	shalt  }
0x45: {  	_ =	shalt  }
0x46: {  	_ =	shalt  }
0x47: {  	_ =	shalt  }
0x48: {  	_ =	shalt  }
0x49: {  	_ =	shalt  }
0x4a: {  	_ =	shalt  }
0x4b: {  	_ =	shalt  }
0x4c: {  	_ =	shalt  }
0x4d: {  	_ =	shalt  }
0x4e: {  	_ =	shalt  }
0x4f: {  	_ =	shalt  }
0x50: {  	_ =	shalt  }
0x51: {  	_ =	shalt  }
0x52: {  	_ =	shalt  }
0x53: {  	_ =	shalt  }
0x54: {  	_ =	shalt  }
0x55: {  	_ =	shalt  }
0x56: {  	_ =	shalt  }
0x57: {  	_ =	shalt  }
0x58: {  	_ =	shalt  }
0x59: {  	_ =	shalt  }
0x5a: {  	_ =	shalt  }
0x5b: {  	_ =	shalt  }
0x5c: {  	_ =	shalt  }
0x5d: {  	_ =	shalt  }
0x5e: {  	_ =	shalt  }
0x5f: {  	_ =	shalt  }
0x60: {  	_ =	shalt  }
0x61: {  	_ =	shalt  }
0x62: {  	_ =	shalt  }
0x63: {  	_ =	shalt  }
0x64: {  	_ =	shalt  }
0x65: {  	_ =	shalt  }
0x66: {  	_ =	shalt  }
0x67: {  	_ =	shalt  }
0x68: {  	_ =	shalt  }
0x69: {  	_ =	shalt  }
0x6a: {  	_ =	shalt  }
0x6b: {  	_ =	shalt  }
0x6c: {  	_ =	shalt  }
0x6d: {  	_ =	shalt  }
0x6e: {  	_ =	shalt  }
0x6f: {  	_ =	shalt  }
0x70: {  	_ =	shalt  }
0x71: {  	_ =	shalt  }
0x72: {  	_ =	shalt  }
0x73: {  	_ =	shalt  }
0x74: {  	_ =	shalt  }
0x75: {  	_ =	shalt  }
0x76: {  	_ =	shalt  }
0x77: {  	_ =	shalt  }
0x78: {  	_ =	shalt  }
0x79: {  	_ =	shalt  }
0x7a: {  	_ =	shalt  }
0x7b: {  	_ =	shalt  }
0x7c: {  	_ =	shalt  }
0x7d: {  	_ =	shalt  }
0x7e: {  	_ =	shalt  }
0x7f: {  	_ =	shalt  }
0x80: {  	_ =	shalt  }
0x81: {  	_ =	shalt  }
0x82: {  	_ =	shalt  }
0x83: {  	_ =	shalt  }
0x84: {  	_ =	shalt  }
0x85: {  	_ =	shalt  }
0x86: {  	_ =	shalt  }
0x87: {  	_ =	shalt  }
.Lfunc_end0:
.L_simem_size_0:
called_computation_lowered:
.L_overlay_start_0:
0x88: {  	s2 =	sld [smem:$0x3FD9]  }
0x89: {  	s3 =	sld [smem:$0x3FFE];
	_ =	sdelay $0x1  }
0x8a: {  	s1 =	srdreg.scid  }
0x8b: {  	s0 =	sand.u32 $0x1, s1  }
0x8c: {  	s17 =	sshll.u32 s0, $0xA;
	s2 =	sadd.s32 s3, s2  }
0x8d: {  	s2 =	sadd.s32 s2, s17  }
0x8e: {  	[smem:$0x3FC5] =	sst s2  }
0x8f: {  	_ = 	snop  }
0x90: {  	s2 =	sld [smem:$0x3FC9]  }
0x91: {  	s18 =	sld [smem:$0x3FC8];
	(tm) =	ssettm $0x1  }
0x92: {  	s4 =	sld [smem:$0x3FFB];
	_ =	sdelay $0x3  }
0x93: {  	_ =	strace s4  }
0x94: {  	s4 =	sld [smem:$0x3FFC];
	_ =	sdelay $0x3  }
0x95: {  	_ =	strace s4  }
0x96: {  	s4 =	sld [smem:$0x3FFD];
	_ =	sdelay $0x3  }
0x97: {  	_ =	strace s4  }
0x98: {  	_ =	strace $0x8FFFFFFF  }
0x99: {  	s19 =	sld [smem:$0x3FDB];
	_ =	sdelay $0x1  }
0x9a: {  	s5 =	simm.s32 $_scs_section_size  }
0x9b: {  	s6 =	simm.s32 $_size__tile_overlayer_lowered;
	s7 =	simm.s32 $_tile_overlayer_lowered  }
0x9c: {  	s22 =	simm.s32 $0x1BFF;
	s21 =	sshll.u32 s7, $0x1;
	s4 =	sadd.s32 s5, s19  }
0x9d: {  	s8 =	simm.s32 $0x0;
	s20 =	sshll.u32 s6, $0x1;
	s6 =	sadd.s32 s21, s4  }
0x9e: {  	[timem:s8], [sflag:s22] =	dma.local [hbm:s6], s20  }
0x9f: {  	_ =	swait.ge [sflag:s22], s20  }
0xa0: {  	s5 =	ssub.s32 $0x0, s20;
	[sflag:s22] =	ssyncset.done $0x0  }
0xa1: {  	[sflag:s22] =	ssyncadd.s32 s5;
	_ =	sdelay $0x1  }
0xa2: {  	s23 =	simm.s32 $0x1B8B  }
0xa3: {  	_ =	swait.ge [sflag:s23], $0x1  }
0xa4: {  	[sflag:s23] =	ssyncset.done $0x0  }
0xa5: {  	s25 =	simm.s32 $0x1B8E;
	s24 =	sld [smem:$0x3FFE];
	[sflag:s23] =	ssyncadd.s32 $0xFFFFFFFF  }
0xa6: {  	s26 =	simm.s32 $execute0_lowered;
	[smem:$0x3FD2] =	sst s25  }
0xa7: {  	s6 =	sshll.u32 s26, $0x1;
	_ =	strace $0x80000046;
	[dreg:$0x1] =	wrdreg $0xFFFFFFFF  }
0xa8: {  	s28 =	simm.s32 $_size_execute0_lowered;
	s4 =	sadd.s32 s4, s6;
	[dreg:$0x0] =	wrdreg $0x0  }
0xa9: {  	s6 =	sshll.u32 s28, $0x1;
	[dreg:$0x2] =	wrdreg s4  }
0xaa: {  	[dreg:$0x3] =	wrdreg s6  }
0xab: {  	[dreg:$0x4] =	wrdreg $0xC0  }
0xac: {  	_ =	task [dreg:s8], $0x5FFFF  }
0xad: {  	[dreg:$0x1] =	wrdreg $0xFFFFFFFF  }
0xae: {  	[dreg:$0x0] =	wrdreg $0x60  }
0xaf: {  	[dreg:$0x2] =	wrdreg s2  }
0xb0: {  	[dreg:$0x3] =	wrdreg s18  }
0xb1: {  	[dreg:$0x4] =	wrdreg s24  }
0xb2: {  	[dreg:$0x5] =	wrdreg $0x9  }
0xb3: {  	_ =	task.clear_ibuf [dreg:s8], $0x6FFFF;
	_ =	strace $0x90000046  }
0xb4: {  	s29 =	simm.s32 $0x9;
	_ =	strace $0x80000048  }
0xb5: {  	_ =	swait.ge [sflag:s29], $0x1  }
0xb6: {  	[sflag:s29] =	ssyncadd.s32 $0xFFFFFFFF  }
0xb7: {  	_ =	strace $0x90000048  }
0xb8: {  	_ =	sfence  }
0xb9: {  	s30 =	sld [smem:$0x0];
	_ =	sdelay $0x2  }
0xba: {  	s31 =	sshll.u32 s1, $0xD;
	s1 =	sshrl.u32 s1, $0x2  }
0xbb: {  	s3 =	sand.u32 $0x4000, s31;
	s1 =	sadd.s32 s1, s30  }
0xbc: {  	s0 =	sor.u32 s3, s0;
	s1 =	sshll.u32 s1, $0x11  }
0xbd: {  	s0 =	sor.u32 s1, s0  }
0xbe: {  	s0 =	sadd.s32 $0x8F2B, s0  }
0xbf: {  	[sflag:s0] =	ssyncadd.remote.s32 $0x1  }
0xc0: {  	_ =	sfence.sel $0xFFFF  }
0xc1: {  	[dreg:$0x0] =	wrdreg $0xFFFFFFFF;
	(pc) =	sbr.abs _section_cstart, $3  }
0xc2: {  	[dreg:$0x1] =	wrdreg $0xFFFFFFFF  }
0xc3: {  	_ =	task.clear_ibuf [dreg:s8], $0x2FFFF;
	_ =	strace $0x9FFFFFFF  }
0xc4: {  	(tm) =	ssettm $0x7FFFFFFF  }
0xc5: {  	_ =	shalt  }
tec
execute0_lowered:
.L_overlay_start_1:
0x0: {  	(tag) =	ssettag $0x1  }
0x1: {  	s1 =	rddreg [dreg:$0x0]  }
0x2: {  	s0 =	rddreg [dreg:$0x1]  }
0x3: {  	s2 =	srdreg.scid;
	s4 =	stileid.u32  }
0x4: {  	s3 =	rddreg [dreg:$0x2];
	s29 =	simm.s32 $0x14200;
	s30 =	simm.s32 $0x14A00  }
0x5: {  	s31 =	simm.s32 $0x15200;
	s11 =	simm.s32 $0x16A00;
	s12 =	simm.s32 $0x17200  }
0x6: {  	s13 =	simm.s32 $0x17A00;
	s14 =	simm.s32 $0x1;
	s15 =	simm.s32 $0x5  }
0x7: {  	s16 =	simm.s32 $0x6;
	s17 =	simm.s32 $0x3;
	s18 =	simm.s32 $0x7  }
0x8: {  	s19 =	simm.s32 $0x4;
	s20 =	simm.s32 $0x8;
	s2 =	sand.u32 $0x1, s2  }
0x9: {  	s5 =	sshll.u32 s4, $0x1;
	s4 =	simm.s32 $0x0;
	s9 =	sadd.s32 $0x200, s3  }
0xa: {  	s10 =	sadd.s32 $0x300, s3;
	s5 =	sor.u32 s2, s5;
	[smem:$0x7FF] =	sst s4  }
0xb: {  	s2 =	ssub.s32 $0x2, s2;
	s6 =	sshll.u32 s5, $0x4;
	_ =	strace $0x80000047  }
0xc: {  	s7 =	sshrl.u32 s2, $0x1;
	s22 =	sshll.u32 s5, $0x6;
	s8 =	sshll.u32 s5, $0x11  }
0xd: {  	s5 =	sshll.u32 s5, $0x9;
	s6 =	sadd.s32 s6, s3;
	s0 =	sadd.s32 s0, s22  }
0xe: {  	s2 =	ssub.s32 s2, s7;
	s23 =	sadd.s32 s1, s8;
	[dreg:$0x4] =	wrdreg s0  }
0xf: {  	s8 =	sadd.s32 $0x100, s3;
	s24 =	sadd.s32 $0x800, s23;
	[dreg:$0x5] =	wrdreg s23  }
0x10: {  	s22 =	simm.s32 $0x9;
	s25 =	sadd.s32 $0x1000, s23;
	[dreg:$0x6] =	wrdreg s24  }
0x11: {  	s7 =	simm.s32 $0x2;
	s0 =	sadd.s32 $0x1800, s23;
	[dreg:$0x7] =	wrdreg s25  }
0x12: {  	v0 =	vlaneseq.u32;
	s26 =	sadd.s32 $0x40000, s6;
	s28 =	smax.u32 s2, $0x1;
	[dreg:$0x8] =	wrdreg s0  }
0x13: {  	v1 =	vshrl.u32 v0, $0x3;
	s2 =	simm.s32 $0x15A00;
	s6 =	simm.s32 $0x16200;
	[dreg:$0x9] =	wrdreg s26  }
0x14: {  	vm0 =	vmmov $0xffff;
	v0 =	vand.u32 $0x7, v0;
	v1 =	vmul.u32 $0x8, v1;
	s23 =	simm.s32 $0x0;
	[dreg:$0xa] =	wrdreg s28;
	s0 =	simm.s32 $0xC200  }
.LBB2_1:
0x15: {  	[dreg:$0xb] =	wrdreg s23  }
0x16: {  	s21 =	rddreg [dreg:$0x4]  }
0x17: {  	[tilespmem:s4], [sflag:$0x9] =	stream.linear.gather [hbm4b:s21+s4], $0x200, $0x38;
	[tilespmem:$0x18280] =	vst v63  }
0x18: {  	_ =	swait.ge [sflag:s22], $0x200  }
0x19: {  	[sflag:s22] =	ssyncset.done $0x0  }
0x1a: {  	s26 =	simm.s32 $0x200;
	s25 =	rddreg [dreg:$0x5];
	[sflag:s22] =	ssyncadd.s32 $0xFFFFFE00  }
0x1b: {  	[tilespmem:s26], [sflag:$0x1] =	stream.linear.gather [hbm4b:s25+s4], $0x4000, $0x38;
	[tilespmem:$0x18280] =	vst v63  }
0x1c: {  	v2 =	vld.msk [tilespmem:$0x0], $0xff;
	_ =	sdelay $0x4  }
0x1d: {  	v3 =	vshll.u32 v2, $0x3  }
0x1e: {  	v2 =	vand.u32 $0x7, v2;
	v3 =	vand.u32 $0xFFFFFFC0, v3  }
0x1f: {  	v2 =	vor.u32 v2, v3  }
0x20: {  	v2 =	vperm.xlane v2, v0;
	_ =	sdelay $0x1  }
0x21: {  	v2 =	vadd.s32 v1, v2;
	_ =	sdelay $0x3  }
0x22: {  	s28 =	simm.s32 $0x10200  }
0x23: {  	[tilespmem:s28], [sflag:$0x5] =	stream.indirect_vreg.gather [hbm4b:s3+s4], $0x80, v2, vm0, $0xb8;
	[tilespmem:$0x18280] =	vst v63  }
0x24: {  	s22 =	simm.s32 $0x10A00  }
0x25: {  	[tilespmem:s22], [sflag:$0x5] =	stream.indirect_vreg.gather [hbm4b:s8+s4], $0x80, v2, vm0, $0xb8;
	[tilespmem:$0x18280] =	vst v63  }
0x26: {  	s23 =	simm.s32 $0x11200  }
0x27: {  	[tilespmem:s23], [sflag:$0x5] =	stream.indirect_vreg.gather [hbm4b:s9+s4], $0x80, v2, vm0, $0xb8;
	[tilespmem:$0x18280] =	vst v63  }
0x28: {  	s24 =	simm.s32 $0x11A00  }
0x29: {  	[tilespmem:s24], [sflag:$0x5] =	stream.indirect_vreg.gather [hbm4b:s10+s4], $0x80, v2, vm0, $0xb8;
	[tilespmem:$0x18280] =	vst v63  }
0x2a: {  	s25 =	rddreg [dreg:$0x6];
	s26 =	simm.s32 $0x4200  }
0x2b: {  	[tilespmem:s26], [sflag:$0x2] =	stream.linear.gather [hbm4b:s25+s4], $0x4000, $0x38;
	[tilespmem:$0x18280] =	vst v63  }
0x2c: {  	v2 =	vld.msk [tilespmem:$0x8], $0xff;
	_ =	sdelay $0x4  }
0x2d: {  	v3 =	vshll.u32 v2, $0x3  }
0x2e: {  	v2 =	vand.u32 $0x7, v2;
	v3 =	vand.u32 $0xFFFFFFC0, v3  }
0x2f: {  	v2 =	vor.u32 v2, v3  }
0x30: {  	v2 =	vperm.xlane v2, v0;
	_ =	sdelay $0x1  }
0x31: {  	v2 =	vadd.s32 v1, v2;
	_ =	sdelay $0x3  }
0x32: {  	s28 =	simm.s32 $0x12200  }
0x33: {  	[tilespmem:s28], [sflag:$0x6] =	stream.indirect_vreg.gather [hbm4b:s3+s4], $0x80, v2, vm0, $0xb8;
	[tilespmem:$0x18280] =	vst v63  }
0x34: {  	s22 =	simm.s32 $0x12A00  }
0x35: {  	[tilespmem:s22], [sflag:$0x6] =	stream.indirect_vreg.gather [hbm4b:s8+s4], $0x80, v2, vm0, $0xb8;
	[tilespmem:$0x18280] =	vst v63  }
0x36: {  	s23 =	simm.s32 $0x13200  }
0x37: {  	[tilespmem:s23], [sflag:$0x6] =	stream.indirect_vreg.gather [hbm4b:s9+s4], $0x80, v2, vm0, $0xb8;
	[tilespmem:$0x18280] =	vst v63  }
0x38: {  	s24 =	simm.s32 $0x13A00  }
0x39: {  	[tilespmem:s24], [sflag:$0x6] =	stream.indirect_vreg.gather [hbm4b:s10+s4], $0x80, v2, vm0, $0xb8;
	[tilespmem:$0x18280] =	vst v63  }
0x3a: {  	s25 =	rddreg [dreg:$0x7];
	s26 =	simm.s32 $0x8200  }
0x3b: {  	[tilespmem:s26], [sflag:$0x3] =	stream.linear.gather [hbm4b:s25+s4], $0x4000, $0x38;
	[tilespmem:$0x18280] =	vst v63  }
0x3c: {  	v2 =	vld.msk [tilespmem:$0x10], $0xff;
	_ =	sdelay $0x4  }
0x3d: {  	v3 =	vshll.u32 v2, $0x3  }
0x3e: {  	v2 =	vand.u32 $0x7, v2;
	v3 =	vand.u32 $0xFFFFFFC0, v3  }
0x3f: {  	v2 =	vor.u32 v2, v3  }
0x40: {  	v2 =	vperm.xlane v2, v0;
	_ =	sdelay $0x1  }
0x41: {  	v2 =	vadd.s32 v1, v2;
	_ =	sdelay $0x4  }
0x42: {  	[tilespmem:s29], [sflag:$0x7] =	stream.indirect_vreg.gather [hbm4b:s3+s4], $0x80, v2, vm0, $0xb8;
	[tilespmem:$0x18280] =	vst v63  }
0x43: {  	_ = 	snop  }
0x44: {  	[tilespmem:s30], [sflag:$0x7] =	stream.indirect_vreg.gather [hbm4b:s8+s4], $0x80, v2, vm0, $0xb8;
	[tilespmem:$0x18280] =	vst v63  }
0x45: {  	_ = 	snop  }
0x46: {  	[tilespmem:s31], [sflag:$0x7] =	stream.indirect_vreg.gather [hbm4b:s9+s4], $0x80, v2, vm0, $0xb8;
	[tilespmem:$0x18280] =	vst v63  }
0x47: {  	_ = 	snop  }
0x48: {  	[tilespmem:s2], [sflag:$0x7] =	stream.indirect_vreg.gather [hbm4b:s10+s4], $0x80, v2, vm0, $0xb8;
	[tilespmem:$0x18280] =	vst v63  }
0x49: {  	s28 =	rddreg [dreg:$0x8]  }
0x4a: {  	[tilespmem:s0], [sflag:$0x4] =	stream.linear.gather [hbm4b:s28+s4], $0x4000, $0x38;
	[tilespmem:$0x18280] =	vst v63  }
0x4b: {  	v2 =	vld.msk [tilespmem:$0x18], $0xff;
	_ =	sdelay $0x4  }
0x4c: {  	v3 =	vshll.u32 v2, $0x3  }
0x4d: {  	v2 =	vand.u32 $0x7, v2;
	v3 =	vand.u32 $0xFFFFFFC0, v3  }
0x4e: {  	v2 =	vor.u32 v2, v3  }
0x4f: {  	v2 =	vperm.xlane v2, v0;
	_ =	sdelay $0x1  }
0x50: {  	v2 =	vadd.s32 v1, v2;
	_ =	sdelay $0x4  }
0x51: {  	[tilespmem:s6], [sflag:$0x8] =	stream.indirect_vreg.gather [hbm4b:s3+s4], $0x80, v2, vm0, $0xb8;
	[tilespmem:$0x18280] =	vst v63  }
0x52: {  	_ = 	snop  }
0x53: {  	[tilespmem:s11], [sflag:$0x8] =	stream.indirect_vreg.gather [hbm4b:s8+s4], $0x80, v2, vm0, $0xb8;
	[tilespmem:$0x18280] =	vst v63  }
0x54: {  	_ = 	snop  }
0x55: {  	v8 =	vimm.f32 $0.0e+00;
	v9 =	vimm.f32 $0.0e+00;
	[tilespmem:s12], [sflag:$0x8] =	stream.indirect_vreg.gather [hbm4b:s9+s4], $0x80, v2, vm0, $0xb8;
	[tilespmem:$0x18280] =	vst v63  }
0x56: {  	v6 =	vimm.f32 $0.0e+00;
	v7 =	vimm.f32 $0.0e+00;
	v4 =	vimm.f32 $0.0e+00;
	s21 =	simm.s32 $0x0  }
0x57: {  	v5 =	vimm.f32 $0.0e+00;
	v3 =	vimm.f32 $0.0e+00;
	[tilespmem:s13], [sflag:$0x8] =	stream.indirect_vreg.gather [hbm4b:s10+s4], $0x80, v2, vm0, $0xb8;
	v2 =	vimm.f32 $0.0e+00;
	[tilespmem:$0x18280] =	vst v63  }
.LBB2_2:
0x58: {  	_ =	swait.ge [sflag:s14], $0x4000  }
0x59: {  	[sflag:s14] =	ssyncset.done $0x0  }
0x5a: {  	[sflag:s14] =	ssyncadd.s32 $0xFFFFC000  }
0x5b: {  	_ =	swait.ge [sflag:s15], $0x2000  }
0x5c: {  	s22 =	simm.s32 $0x0;
	[sflag:s15] =	ssyncset.done $0x0  }
0x5d: {  	s23 =	simm.s32 $0x10200;
	s24 =	simm.s32 $0x2200;
	[sflag:s15] =	ssyncadd.s32 $0xFFFFE000  }
.LBB2_3:
0x5e: {  	v10 =	vmov s24;
	_ =	sdelay $0x3  }
0x5f: {  	s25 =	simm.s32 $0x0  }
0x60: {  	v30 =	vld.idx.msk [tilespmem:v10+s25+$0x30 ss:$0x1], $0xffff  }
0x61: {  	v12 =	vmov s23;
	v18 =	vld.idx.msk [tilespmem:v10+s25+$0xFFFFE000 ss:$0x1], $0xffff  }
0x62: {  	v13 =	vld.idx.msk [tilespmem:v10+s25+$0x60 ss:$0x1], $0xffff  }
0x63: {  	v15 =	vld.idx.msk [tilespmem:v10+s25+$0x0 ss:$0x1], $0xffff  }
0x64: {  	v14 =	vld.idx.msk [tilespmem:v10+s25+$0x50 ss:$0x1], $0xffff  }
0x65: {  	v21 =	vld.idx.msk [tilespmem:v10+s25+$0xFFFFE040 ss:$0x1], $0xffff  }
0x66: {  	v17 =	vld.idx.msk [tilespmem:v12+s25+$0x0 ss:$0x1], $0xffff  }
0x67: {  	v25 =	vld.idx.msk [tilespmem:v10+s25+$0xFFFFE070 ss:$0x1], $0xffff  }
0x68: {  	v11 =	vld.idx.msk [tilespmem:v10+s25+$0xFFFFE010 ss:$0x1], $0xffff  }
0x69: {  	v20 =	vld.idx.msk [tilespmem:v10+s25+$0xFFFFE030 ss:$0x1], $0xffff  }
0x6a: {  	v22 =	vld.idx.msk [tilespmem:v12+s25+$0x70 ss:$0x1], $0xffff  }
0x6b: {  	v26 =	vld.idx.msk [tilespmem:v12+s25+$0x40 ss:$0x1], $0xffff  }
0x6c: {  	v19 =	vld.idx.msk [tilespmem:v12+s25+$0x10 ss:$0x1], $0xffff  }
0x6d: {  	v33 =	vld.idx.msk [tilespmem:v12+s25+$0x50 ss:$0x1], $0xffff  }
0x6e: {  	v35 =	vld.idx.msk [tilespmem:v12+s25+$0x30 ss:$0x1], $0xffff  }
0x6f: {  	v16 =	vld.idx.msk [tilespmem:v12+s25+$0x60 ss:$0x1], $0xffff  }
0x70: {  	v23 =	vld.idx.msk [tilespmem:v12+s25+$0x20 ss:$0x1], $0xffff;
	v27 =	vunpack.i.u.bf16.f32 v17;
	v24 =	vunpack.i.u.bf16.f32 v22  }
0x71: {  	v29 =	vld.idx.msk [tilespmem:v10+s25+$0x70 ss:$0x1], $0xffff;
	v28 =	vunpack.i.l.bf16.f32 v22;
	v31 =	vunpack.i.l.bf16.f32 v17;
	v22 =	vunpack.i.l.bf16.f32 v26  }
0x72: {  	v17 =	vunpack.i.l.bf16.f32 v19;
	v32 =	vsub.f32 v15, v27;
	v27 =	vsub.f32 v21, v22;
	v22 =	vld.idx.msk [tilespmem:v10+s25+$0xFFFFE050 ss:$0x1], $0xffff  }
0x73: {  	v38 =	vunpack.i.u.bf16.f32 v35;
	v37 =	vunpack.i.l.bf16.f32 v35;
	v36 =	vunpack.i.u.bf16.f32 v33;
	v21 =	vld.idx.msk [tilespmem:v10+s25+$0x20 ss:$0x1], $0xffff  }
0x74: {  	v15 =	vunpack.i.u.bf16.f32 v26;
	v26 =	vsub.f32 v18, v31;
	v34 =	vsub.f32 v25, v28;
	v18 =	vld.idx.msk [tilespmem:v10+s25+$0xFFFFE060 ss:$0x1], $0xffff  }
0x75: {  	v28 =	vunpack.i.l.bf16.f32 v33;
	v25 =	vunpack.i.u.bf16.f32 v16;
	v33 =	vld.idx.msk [tilespmem:v10+s25+$0xFFFFE020 ss:$0x1], $0xffff;
	v30 =	vsub.f32 v30, v38  }
0x76: {  	s26 =	simm.s32 $0x1000;
	v31 =	vmul.f32 v32, v32;
	v32 =	vld.idx.msk [tilespmem:v10+s25+$0x10 ss:$0x1], $0xffff;
	v35 =	vmul.f32 v26, v26;
	v26 =	vunpack.i.u.bf16.f32 v23  }
.LBB2_4:
0x77: {  	p0 =	sne.s32 s26, $0x7000;
	v20 =	vsub.f32 v20, v37;
	v37 =	vld.idx.msk [tilespmem:v10+s25+$0x40 ss:$0x1], $0xffff;
	s25 =	sshra.s32 s26, $0x2;
	s26 =	sadd.s32 $0x1000, s26;
	v14 =	vsub.f32 v14, v36;
	v34 =	vmul.f32 v34, v34  }
0x78: {  	v23 =	vunpack.i.l.bf16.f32 v23;
	v24 =	vsub.f32 v29, v24;
	v38 =	vld.idx.msk [tilespmem:v10+s25+$0x30 ss:$0x1], $0xffff;
	v5 =	vadd.f32 v35, v5  }
0x79: {  	v19 =	vunpack.i.u.bf16.f32 v19;
	v27 =	vmul.f32 v27, v27;
	v35 =	vld.idx.msk [tilespmem:v10+s25+$0xFFFFE000 ss:$0x1], $0xffff;
	v20 =	vmul.f32 v20, v20  }
0x7a: {  	v8 =	vadd.f32 v34, v8;
	v24 =	vmul.f32 v24, v24;
	v29 =	vld.idx.msk [tilespmem:v10+s25+$0x60 ss:$0x1], $0xffff;
	v5 =	vadd.f32 v5, v31  }
0x7b: {  	v22 =	vsub.f32 v22, v28;
	v28 =	vmul.f32 v14, v14;
	v19 =	vsub.f32 v32, v19;
	v31 =	vld.idx.msk [tilespmem:v10+s25+$0x0 ss:$0x1], $0xffff  }
0x7c: {  	v16 =	vunpack.i.l.bf16.f32 v16;
	v13 =	vsub.f32 v13, v25;
	v23 =	vsub.f32 v33, v23;
	v14 =	vld.idx.msk [tilespmem:v10+s25+$0x50 ss:$0x1], $0xffff  }
0x7d: {  	v22 =	vmul.f32 v22, v22;
	v6 =	vadd.f32 v20, v6;
	v20 =	vmul.f32 v30, v30;
	v25 =	vld.idx.msk [tilespmem:v10+s25+$0xFFFFE040 ss:$0x1], $0xffff  }
0x7e: {  	v8 =	vadd.f32 v8, v24;
	v32 =	vmul.f32 v19, v19;
	v19 =	vsub.f32 v21, v26;
	v30 =	vld.idx.msk [tilespmem:v12+s25+$0x0 ss:$0x1], $0xffff  }
0x7f: {  	v17 =	vsub.f32 v11, v17;
	v6 =	vadd.f32 v6, v20;
	v26 =	vld.idx.msk [tilespmem:v10+s25+$0xFFFFE070 ss:$0x1], $0xffff  }
0x80: {  	v9 =	vadd.f32 v27, v9;
	v16 =	vsub.f32 v18, v16;
	v21 =	vmul.f32 v23, v23;
	v11 =	vld.idx.msk [tilespmem:v10+s25+$0xFFFFE010 ss:$0x1], $0xffff  }
0x81: {  	v17 =	vmul.f32 v17, v17;
	v18 =	vmul.f32 v13, v13;
	v15 =	vsub.f32 v37, v15;
	v20 =	vld.idx.msk [tilespmem:v10+s25+$0xFFFFE030 ss:$0x1], $0xffff  }
0x82: {  	v3 =	vadd.f32 v22, v3;
	v16 =	vmul.f32 v16, v16;
	v7 =	vadd.f32 v21, v7;
	v27 =	vld.idx.msk [tilespmem:v12+s25+$0x70 ss:$0x1], $0xffff  }
0x83: {  	v4 =	vadd.f32 v17, v4;
	v17 =	vmul.f32 v19, v19;
	v15 =	vmul.f32 v15, v15;
	v21 =	vld.idx.msk [tilespmem:v12+s25+$0x40 ss:$0x1], $0xffff  }
0x84: {  	v3 =	vadd.f32 v3, v28;
	v2 =	vadd.f32 v16, v2;
	v13 =	vmov v29;
	v19 =	vld.idx.msk [tilespmem:v12+s25+$0x10 ss:$0x1], $0xffff  }
0x85: {  	v4 =	vadd.f32 v4, v32;
	v9 =	vadd.f32 v9, v15;
	v16 =	vld.idx.msk [tilespmem:v12+s25+$0x60 ss:$0x1], $0xffff  }
0x86: {  	v2 =	vadd.f32 v2, v18;
	v7 =	vadd.f32 v7, v17;
	v33 =	vld.idx.msk [tilespmem:v12+s25+$0x50 ss:$0x1], $0xffff  }
0x87: {  	v36 =	vld.idx.msk [tilespmem:v12+s25+$0x30 ss:$0x1], $0xffff  }
0x88: {  	v15 =	vunpack.i.u.bf16.f32 v30;
	v24 =	vunpack.i.u.bf16.f32 v27;
	v18 =	vunpack.i.l.bf16.f32 v27;
	v23 =	vld.idx.msk [tilespmem:v12+s25+$0x20 ss:$0x1], $0xffff  }
0x89: {  	v28 =	vunpack.i.l.bf16.f32 v30;
	v30 =	vsub.f32 v31, v15;
	v22 =	vunpack.i.l.bf16.f32 v21;
	v29 =	vld.idx.msk [tilespmem:v10+s25+$0x70 ss:$0x1], $0xffff  }
.Ltmp0:
0x8a: {  	v15 =	vunpack.i.u.bf16.f32 v21;
	v17 =	vunpack.i.l.bf16.f32 v19;
	v27 =	vsub.f32 v25, v22;
	v22 =	vld.idx.msk [tilespmem:v10+s25+$0xFFFFE050 ss:$0x1], $0xffff;
	(pc) =	sbr.rel @p0 .LBB2_4-.Ltmp0, $4  }
0x8b: {  	v35 =	vsub.f32 v35, v28;
	v34 =	vsub.f32 v26, v18;
	v21 =	vld.idx.msk [tilespmem:v10+s25+$0x20 ss:$0x1], $0xffff  }
0x8c: {  	v31 =	vmul.f32 v30, v30;
	v25 =	vunpack.i.u.bf16.f32 v16;
	v28 =	vunpack.i.l.bf16.f32 v33;
	v18 =	vld.idx.msk [tilespmem:v10+s25+$0xFFFFE060 ss:$0x1], $0xffff  }
0x8d: {  	v30 =	vunpack.i.u.bf16.f32 v36;
	v37 =	vunpack.i.l.bf16.f32 v36;
	v36 =	vunpack.i.u.bf16.f32 v33;
	v32 =	vld.idx.msk [tilespmem:v10+s25+$0x10 ss:$0x1], $0xffff  }
0x8e: {  	v35 =	vmul.f32 v35, v35;
	v26 =	vunpack.i.u.bf16.f32 v23;
	v30 =	vsub.f32 v38, v30;
	v33 =	vld.idx.msk [tilespmem:v10+s25+$0xFFFFE020 ss:$0x1], $0xffff  }
0x8f: {  	v12 =	vsub.f32 v20, v37  }
0x90: {  	v14 =	vsub.f32 v14, v36;
	v59 =	vmul.f32 v34, v34;
	v23 =	vunpack.i.l.bf16.f32 v23  }
0x91: {  	v24 =	vsub.f32 v29, v24;
	v19 =	vunpack.i.u.bf16.f32 v19;
	v27 =	vmul.f32 v27, v27  }
0x92: {  	v22 =	vsub.f32 v22, v28;
	v16 =	vunpack.i.l.bf16.f32 v16;
	v13 =	vsub.f32 v13, v25  }
0x93: {  	v11 =	vsub.f32 v11, v17;
	v5 =	vadd.f32 v35, v5;
	v61 =	vmul.f32 v30, v30  }
0x94: {  	v21 =	vsub.f32 v21, v26;
	v12 =	vmul.f32 v12, v12;
	v8 =	vadd.f32 v59, v8  }
0x95: {  	v10 =	vld.idx.msk [tilespmem:v10+s25+$0x40 ss:$0x1], $0xffff;
	v60 =	vmul.f32 v24, v24;
	v14 =	vmul.f32 v14, v14;
	v16 =	vsub.f32 v18, v16  }
0x96: {  	v22 =	vmul.f32 v22, v22;
	v9 =	vadd.f32 v27, v9;
	v5 =	vadd.f32 v5, v31  }
0x97: {  	v11 =	vmul.f32 v11, v11;
	v19 =	vsub.f32 v32, v19;
	v23 =	vsub.f32 v33, v23  }
0x98: {  	s22 =	sadd.s32 $0x1, s22;
	v13 =	vmul.f32 v13, v13;
	v6 =	vadd.f32 v12, v6;
	v8 =	vadd.f32 v8, v60  }
0x99: {  	p0 =	sne.s32 s22, $0x8;
	v3 =	vadd.f32 v22, v3;
	v63 =	vmul.f32 v16, v16;
	v4 =	vadd.f32 v11, v4  }
.Ltmp1:
0x9a: {  	v11 =	vmul.f32 v21, v21;
	v10 =	vsub.f32 v10, v15;
	v62 =	vmul.f32 v23, v23;
	(pc) =	sbr.rel @p0 .LBB2_3-.Ltmp1, $4  }
0x9b: {  	v19 =	vmul.f32 v19, v19;
	v6 =	vadd.f32 v6, v61;
	v2 =	vadd.f32 v63, v2  }
0x9c: {  	v3 =	vadd.f32 v3, v14;
	v10 =	vmul.f32 v10, v10;
	v7 =	vadd.f32 v62, v7  }
0x9d: {  	v4 =	vadd.f32 v4, v19;
	v2 =	vadd.f32 v2, v13  }
0x9e: {  	s23 =	sadd.s32 $0x80, s23;
	s24 =	sadd.s32 $0x80, s24;
	v9 =	vadd.f32 v9, v10;
	v7 =	vadd.f32 v7, v11  }
0x9f: {  	s22 =	sshll.u32 s21, $0x5  }
0xa0: {  	s23 =	sadd.s32 $0x20, s22  }
0xa1: {  	s23 =	sadd.s32 s5, s23  }
0xa2: {  	s23 =	sshll.u32 s23, $0x8  }
0xa3: {  	s25 =	simm.s32 $0x200;
	s24 =	sadd.s32 s1, s23;
	s23 =	simm.s32 $0x0  }
0xa4: {  	[tilespmem:s25], [sflag:$0x1] =	stream.linear.gather [hbm4b:s24+s23], $0x4000, $0x38;
	[tilespmem:$0x18280] =	vst v63  }
0xa5: {  	v10 =	vld.msk [tilespmem:s22+$0x20], $0xff;
	_ =	sdelay $0x4  }
0xa6: {  	v11 =	vshll.u32 v10, $0x3  }
0xa7: {  	v10 =	vand.u32 $0x7, v10;
	v11 =	vand.u32 $0xFFFFFFC0, v11  }
0xa8: {  	v10 =	vor.u32 v10, v11  }
0xa9: {  	v10 =	vperm.xlane v10, v0;
	_ =	sdelay $0x1  }
0xaa: {  	v10 =	vadd.s32 v1, v10;
	_ =	sdelay $0x3  }
0xab: {  	s28 =	simm.s32 $0x10200  }
0xac: {  	[tilespmem:s28], [sflag:$0x5] =	stream.indirect_vreg.gather [hbm4b:s3+s23], $0x80, v10, vm0, $0xb8;
	[tilespmem:$0x18280] =	vst v63  }
0xad: {  	s25 =	simm.s32 $0x10A00  }
0xae: {  	[tilespmem:s25], [sflag:$0x5] =	stream.indirect_vreg.gather [hbm4b:s8+s23], $0x80, v10, vm0, $0xb8;
	[tilespmem:$0x18280] =	vst v63  }
0xaf: {  	s26 =	simm.s32 $0x11200  }
0xb0: {  	[tilespmem:s26], [sflag:$0x5] =	stream.indirect_vreg.gather [hbm4b:s9+s23], $0x80, v10, vm0, $0xb8;
	[tilespmem:$0x18280] =	vst v63  }
0xb1: {  	s28 =	simm.s32 $0x11A00  }
0xb2: {  	[tilespmem:s28], [sflag:$0x5] =	stream.indirect_vreg.gather [hbm4b:s10+s23], $0x80, v10, vm0, $0xb8;
	[tilespmem:$0x18280] =	vst v63  }
0xb3: {  	_ =	swait.ge [sflag:s7], $0x4000  }
0xb4: {  	[sflag:s7] =	ssyncset.done $0x0  }
0xb5: {  	[sflag:s7] =	ssyncadd.s32 $0xFFFFC000  }
0xb6: {  	_ =	swait.ge [sflag:s16], $0x2000  }
0xb7: {  	[sflag:s16] =	ssyncset.done $0x0  }
0xb8: {  	s24 =	simm.s32 $0x12200;
	s25 =	simm.s32 $0x6200;
	[sflag:s16] =	ssyncadd.s32 $0xFFFFE000  }
.LBB2_7:
0xb9: {  	v10 =	vmov s25;
	_ =	sdelay $0x3  }
0xba: {  	s26 =	simm.s32 $0x0  }
0xbb: {  	v30 =	vld.idx.msk [tilespmem:v10+s26+$0x30 ss:$0x1], $0xffff  }
0xbc: {  	v12 =	vmov s24;
	v18 =	vld.idx.msk [tilespmem:v10+s26+$0xFFFFE000 ss:$0x1], $0xffff  }
0xbd: {  	v13 =	vld.idx.msk [tilespmem:v10+s26+$0x60 ss:$0x1], $0xffff  }
0xbe: {  	v15 =	vld.idx.msk [tilespmem:v10+s26+$0x0 ss:$0x1], $0xffff  }
0xbf: {  	v14 =	vld.idx.msk [tilespmem:v10+s26+$0x50 ss:$0x1], $0xffff  }
0xc0: {  	v21 =	vld.idx.msk [tilespmem:v10+s26+$0xFFFFE040 ss:$0x1], $0xffff  }
0xc1: {  	v17 =	vld.idx.msk [tilespmem:v12+s26+$0x0 ss:$0x1], $0xffff  }
0xc2: {  	v25 =	vld.idx.msk [tilespmem:v10+s26+$0xFFFFE070 ss:$0x1], $0xffff  }
0xc3: {  	v11 =	vld.idx.msk [tilespmem:v10+s26+$0xFFFFE010 ss:$0x1], $0xffff  }
0xc4: {  	v20 =	vld.idx.msk [tilespmem:v10+s26+$0xFFFFE030 ss:$0x1], $0xffff  }
0xc5: {  	v22 =	vld.idx.msk [tilespmem:v12+s26+$0x70 ss:$0x1], $0xffff  }
0xc6: {  	v26 =	vld.idx.msk [tilespmem:v12+s26+$0x40 ss:$0x1], $0xffff  }
0xc7: {  	v19 =	vld.idx.msk [tilespmem:v12+s26+$0x10 ss:$0x1], $0xffff  }
0xc8: {  	v33 =	vld.idx.msk [tilespmem:v12+s26+$0x50 ss:$0x1], $0xffff  }
0xc9: {  	v35 =	vld.idx.msk [tilespmem:v12+s26+$0x30 ss:$0x1], $0xffff  }
0xca: {  	v16 =	vld.idx.msk [tilespmem:v12+s26+$0x60 ss:$0x1], $0xffff  }
0xcb: {  	v23 =	vld.idx.msk [tilespmem:v12+s26+$0x20 ss:$0x1], $0xffff;
	v27 =	vunpack.i.u.bf16.f32 v17;
	v24 =	vunpack.i.u.bf16.f32 v22  }
0xcc: {  	v29 =	vld.idx.msk [tilespmem:v10+s26+$0x70 ss:$0x1], $0xffff;
	v28 =	vunpack.i.l.bf16.f32 v22;
	v31 =	vunpack.i.l.bf16.f32 v17;
	v22 =	vunpack.i.l.bf16.f32 v26  }
0xcd: {  	v17 =	vunpack.i.l.bf16.f32 v19;
	v32 =	vsub.f32 v15, v27;
	v27 =	vsub.f32 v21, v22;
	v22 =	vld.idx.msk [tilespmem:v10+s26+$0xFFFFE050 ss:$0x1], $0xffff  }
0xce: {  	v38 =	vunpack.i.u.bf16.f32 v35;
	v37 =	vunpack.i.l.bf16.f32 v35;
	v36 =	vunpack.i.u.bf16.f32 v33;
	v21 =	vld.idx.msk [tilespmem:v10+s26+$0x20 ss:$0x1], $0xffff  }
0xcf: {  	v15 =	vunpack.i.u.bf16.f32 v26;
	v26 =	vsub.f32 v18, v31;
	v34 =	vsub.f32 v25, v28;
	v18 =	vld.idx.msk [tilespmem:v10+s26+$0xFFFFE060 ss:$0x1], $0xffff  }
0xd0: {  	v28 =	vunpack.i.l.bf16.f32 v33;
	v25 =	vunpack.i.u.bf16.f32 v16;
	v33 =	vld.idx.msk [tilespmem:v10+s26+$0xFFFFE020 ss:$0x1], $0xffff;
	v30 =	vsub.f32 v30, v38  }
0xd1: {  	s28 =	simm.s32 $0x1000;
	v31 =	vmul.f32 v32, v32;
	v32 =	vld.idx.msk [tilespmem:v10+s26+$0x10 ss:$0x1], $0xffff;
	v35 =	vmul.f32 v26, v26;
	v26 =	vunpack.i.u.bf16.f32 v23  }
.LBB2_8:
0xd2: {  	p0 =	sne.s32 s28, $0x7000;
	v20 =	vsub.f32 v20, v37;
	v37 =	vld.idx.msk [tilespmem:v10+s26+$0x40 ss:$0x1], $0xffff;
	s26 =	sshra.s32 s28, $0x2;
	s28 =	sadd.s32 $0x1000, s28;
	v14 =	vsub.f32 v14, v36;
	v34 =	vmul.f32 v34, v34  }
0xd3: {  	v23 =	vunpack.i.l.bf16.f32 v23;
	v24 =	vsub.f32 v29, v24;
	v38 =	vld.idx.msk [tilespmem:v10+s26+$0x30 ss:$0x1], $0xffff;
	v5 =	vadd.f32 v35, v5  }
0xd4: {  	v19 =	vunpack.i.u.bf16.f32 v19;
	v27 =	vmul.f32 v27, v27;
	v35 =	vld.idx.msk [tilespmem:v10+s26+$0xFFFFE000 ss:$0x1], $0xffff;
	v20 =	vmul.f32 v20, v20  }
0xd5: {  	v8 =	vadd.f32 v34, v8;
	v24 =	vmul.f32 v24, v24;
	v29 =	vld.idx.msk [tilespmem:v10+s26+$0x60 ss:$0x1], $0xffff;
	v5 =	vadd.f32 v5, v31  }
0xd6: {  	v22 =	vsub.f32 v22, v28;
	v28 =	vmul.f32 v14, v14;
	v19 =	vsub.f32 v32, v19;
	v31 =	vld.idx.msk [tilespmem:v10+s26+$0x0 ss:$0x1], $0xffff  }
0xd7: {  	v16 =	vunpack.i.l.bf16.f32 v16;
	v13 =	vsub.f32 v13, v25;
	v23 =	vsub.f32 v33, v23;
	v14 =	vld.idx.msk [tilespmem:v10+s26+$0x50 ss:$0x1], $0xffff  }
0xd8: {  	v22 =	vmul.f32 v22, v22;
	v6 =	vadd.f32 v20, v6;
	v20 =	vmul.f32 v30, v30;
	v25 =	vld.idx.msk [tilespmem:v10+s26+$0xFFFFE040 ss:$0x1], $0xffff  }
0xd9: {  	v8 =	vadd.f32 v8, v24;
	v32 =	vmul.f32 v19, v19;
	v19 =	vsub.f32 v21, v26;
	v30 =	vld.idx.msk [tilespmem:v12+s26+$0x0 ss:$0x1], $0xffff  }
0xda: {  	v17 =	vsub.f32 v11, v17;
	v6 =	vadd.f32 v6, v20;
	v26 =	vld.idx.msk [tilespmem:v10+s26+$0xFFFFE070 ss:$0x1], $0xffff  }
0xdb: {  	v9 =	vadd.f32 v27, v9;
	v16 =	vsub.f32 v18, v16;
	v21 =	vmul.f32 v23, v23;
	v11 =	vld.idx.msk [tilespmem:v10+s26+$0xFFFFE010 ss:$0x1], $0xffff  }
0xdc: {  	v17 =	vmul.f32 v17, v17;
	v18 =	vmul.f32 v13, v13;
	v15 =	vsub.f32 v37, v15;
	v20 =	vld.idx.msk [tilespmem:v10+s26+$0xFFFFE030 ss:$0x1], $0xffff  }
0xdd: {  	v3 =	vadd.f32 v22, v3;
	v16 =	vmul.f32 v16, v16;
	v7 =	vadd.f32 v21, v7;
	v27 =	vld.idx.msk [tilespmem:v12+s26+$0x70 ss:$0x1], $0xffff  }
0xde: {  	v4 =	vadd.f32 v17, v4;
	v17 =	vmul.f32 v19, v19;
	v15 =	vmul.f32 v15, v15;
	v21 =	vld.idx.msk [tilespmem:v12+s26+$0x40 ss:$0x1], $0xffff  }
0xdf: {  	v3 =	vadd.f32 v3, v28;
	v2 =	vadd.f32 v16, v2;
	v13 =	vmov v29;
	v19 =	vld.idx.msk [tilespmem:v12+s26+$0x10 ss:$0x1], $0xffff  }
0xe0: {  	v4 =	vadd.f32 v4, v32;
	v9 =	vadd.f32 v9, v15;
	v16 =	vld.idx.msk [tilespmem:v12+s26+$0x60 ss:$0x1], $0xffff  }
0xe1: {  	v2 =	vadd.f32 v2, v18;
	v7 =	vadd.f32 v7, v17;
	v33 =	vld.idx.msk [tilespmem:v12+s26+$0x50 ss:$0x1], $0xffff  }
0xe2: {  	v36 =	vld.idx.msk [tilespmem:v12+s26+$0x30 ss:$0x1], $0xffff  }
0xe3: {  	v15 =	vunpack.i.u.bf16.f32 v30;
	v24 =	vunpack.i.u.bf16.f32 v27;
	v18 =	vunpack.i.l.bf16.f32 v27;
	v23 =	vld.idx.msk [tilespmem:v12+s26+$0x20 ss:$0x1], $0xffff  }
0xe4: {  	v28 =	vunpack.i.l.bf16.f32 v30;
	v30 =	vsub.f32 v31, v15;
	v22 =	vunpack.i.l.bf16.f32 v21;
	v29 =	vld.idx.msk [tilespmem:v10+s26+$0x70 ss:$0x1], $0xffff  }
.Ltmp2:
0xe5: {  	v15 =	vunpack.i.u.bf16.f32 v21;
	v17 =	vunpack.i.l.bf16.f32 v19;
	v27 =	vsub.f32 v25, v22;
	v22 =	vld.idx.msk [tilespmem:v10+s26+$0xFFFFE050 ss:$0x1], $0xffff;
	(pc) =	sbr.rel @p0 .LBB2_8-.Ltmp2, $4  }
0xe6: {  	v35 =	vsub.f32 v35, v28;
	v34 =	vsub.f32 v26, v18;
	v21 =	vld.idx.msk [tilespmem:v10+s26+$0x20 ss:$0x1], $0xffff  }
0xe7: {  	v31 =	vmul.f32 v30, v30;
	v25 =	vunpack.i.u.bf16.f32 v16;
	v28 =	vunpack.i.l.bf16.f32 v33;
	v18 =	vld.idx.msk [tilespmem:v10+s26+$0xFFFFE060 ss:$0x1], $0xffff  }
0xe8: {  	v30 =	vunpack.i.u.bf16.f32 v36;
	v37 =	vunpack.i.l.bf16.f32 v36;
	v36 =	vunpack.i.u.bf16.f32 v33;
	v32 =	vld.idx.msk [tilespmem:v10+s26+$0x10 ss:$0x1], $0xffff  }
0xe9: {  	v35 =	vmul.f32 v35, v35;
	v26 =	vunpack.i.u.bf16.f32 v23;
	v30 =	vsub.f32 v38, v30;
	v33 =	vld.idx.msk [tilespmem:v10+s26+$0xFFFFE020 ss:$0x1], $0xffff  }
0xea: {  	v12 =	vsub.f32 v20, v37  }
0xeb: {  	v14 =	vsub.f32 v14, v36;
	v59 =	vmul.f32 v34, v34;
	v23 =	vunpack.i.l.bf16.f32 v23  }
0xec: {  	v24 =	vsub.f32 v29, v24;
	v19 =	vunpack.i.u.bf16.f32 v19;
	v27 =	vmul.f32 v27, v27  }
0xed: {  	v22 =	vsub.f32 v22, v28;
	v16 =	vunpack.i.l.bf16.f32 v16;
	v13 =	vsub.f32 v13, v25  }
0xee: {  	v11 =	vsub.f32 v11, v17;
	v5 =	vadd.f32 v35, v5;
	v61 =	vmul.f32 v30, v30  }
0xef: {  	v21 =	vsub.f32 v21, v26;
	v12 =	vmul.f32 v12, v12;
	v8 =	vadd.f32 v59, v8  }
0xf0: {  	v10 =	vld.idx.msk [tilespmem:v10+s26+$0x40 ss:$0x1], $0xffff;
	v60 =	vmul.f32 v24, v24;
	v14 =	vmul.f32 v14, v14;
	v16 =	vsub.f32 v18, v16  }
0xf1: {  	v22 =	vmul.f32 v22, v22;
	v9 =	vadd.f32 v27, v9;
	v5 =	vadd.f32 v5, v31  }
0xf2: {  	v11 =	vmul.f32 v11, v11;
	v19 =	vsub.f32 v32, v19;
	v23 =	vsub.f32 v33, v23  }
0xf3: {  	s23 =	sadd.s32 $0x1, s23;
	v13 =	vmul.f32 v13, v13;
	v6 =	vadd.f32 v12, v6;
	v8 =	vadd.f32 v8, v60  }
0xf4: {  	p0 =	sne.s32 s23, $0x8;
	v3 =	vadd.f32 v22, v3;
	v63 =	vmul.f32 v16, v16;
	v4 =	vadd.f32 v11, v4  }
.Ltmp3:
0xf5: {  	v11 =	vmul.f32 v21, v21;
	v10 =	vsub.f32 v10, v15;
	v62 =	vmul.f32 v23, v23;
	(pc) =	sbr.rel @p0 .LBB2_7-.Ltmp3, $4  }
0xf6: {  	v19 =	vmul.f32 v19, v19;
	v6 =	vadd.f32 v6, v61;
	v2 =	vadd.f32 v63, v2  }
0xf7: {  	v3 =	vadd.f32 v3, v14;
	v10 =	vmul.f32 v10, v10;
	v7 =	vadd.f32 v62, v7  }
0xf8: {  	v4 =	vadd.f32 v4, v19;
	v2 =	vadd.f32 v2, v13  }
0xf9: {  	s24 =	sadd.s32 $0x80, s24;
	s25 =	sadd.s32 $0x80, s25;
	v9 =	vadd.f32 v9, v10;
	v7 =	vadd.f32 v7, v11  }
0xfa: {  	s23 =	sadd.s32 $0x28, s22  }
0xfb: {  	s23 =	sadd.s32 s5, s23  }
0xfc: {  	s23 =	sshll.u32 s23, $0x8  }
0xfd: {  	s25 =	simm.s32 $0x4200;
	s24 =	sadd.s32 s1, s23;
	s23 =	simm.s32 $0x0  }
0xfe: {  	[tilespmem:s25], [sflag:$0x2] =	stream.linear.gather [hbm4b:s24+s23], $0x4000, $0x38;
	[tilespmem:$0x18280] =	vst v63  }
0xff: {  	v10 =	vld.msk [tilespmem:s22+$0x28], $0xff;
	_ =	sdelay $0x4  }
0x100: {  	v11 =	vshll.u32 v10, $0x3  }
0x101: {  	v10 =	vand.u32 $0x7, v10;
	v11 =	vand.u32 $0xFFFFFFC0, v11  }
0x102: {  	v10 =	vor.u32 v10, v11  }
0x103: {  	v10 =	vperm.xlane v10, v0;
	_ =	sdelay $0x1  }
0x104: {  	v10 =	vadd.s32 v1, v10;
	_ =	sdelay $0x3  }
0x105: {  	s28 =	simm.s32 $0x12200  }
0x106: {  	[tilespmem:s28], [sflag:$0x6] =	stream.indirect_vreg.gather [hbm4b:s3+s23], $0x80, v10, vm0, $0xb8;
	[tilespmem:$0x18280] =	vst v63  }
0x107: {  	s25 =	simm.s32 $0x12A00  }
0x108: {  	[tilespmem:s25], [sflag:$0x6] =	stream.indirect_vreg.gather [hbm4b:s8+s23], $0x80, v10, vm0, $0xb8;
	[tilespmem:$0x18280] =	vst v63  }
0x109: {  	s26 =	simm.s32 $0x13200  }
0x10a: {  	[tilespmem:s26], [sflag:$0x6] =	stream.indirect_vreg.gather [hbm4b:s9+s23], $0x80, v10, vm0, $0xb8;
	[tilespmem:$0x18280] =	vst v63  }
0x10b: {  	s28 =	simm.s32 $0x13A00  }
0x10c: {  	[tilespmem:s28], [sflag:$0x6] =	stream.indirect_vreg.gather [hbm4b:s10+s23], $0x80, v10, vm0, $0xb8;
	[tilespmem:$0x18280] =	vst v63  }
0x10d: {  	_ =	swait.ge [sflag:s17], $0x4000  }
0x10e: {  	[sflag:s17] =	ssyncset.done $0x0  }
0x10f: {  	[sflag:s17] =	ssyncadd.s32 $0xFFFFC000  }
0x110: {  	_ =	swait.ge [sflag:s18], $0x2000  }
0x111: {  	[sflag:s18] =	ssyncset.done $0x0  }
0x112: {  	s24 =	simm.s32 $0x14200;
	s25 =	simm.s32 $0xA200;
	[sflag:s18] =	ssyncadd.s32 $0xFFFFE000  }
.LBB2_11:
0x113: {  	v10 =	vmov s25;
	_ =	sdelay $0x3  }
0x114: {  	s26 =	simm.s32 $0x0  }
0x115: {  	v30 =	vld.idx.msk [tilespmem:v10+s26+$0x30 ss:$0x1], $0xffff  }
0x116: {  	v12 =	vmov s24;
	v18 =	vld.idx.msk [tilespmem:v10+s26+$0xFFFFE000 ss:$0x1], $0xffff  }
0x117: {  	v13 =	vld.idx.msk [tilespmem:v10+s26+$0x60 ss:$0x1], $0xffff  }
0x118: {  	v15 =	vld.idx.msk [tilespmem:v10+s26+$0x0 ss:$0x1], $0xffff  }
0x119: {  	v14 =	vld.idx.msk [tilespmem:v10+s26+$0x50 ss:$0x1], $0xffff  }
0x11a: {  	v21 =	vld.idx.msk [tilespmem:v10+s26+$0xFFFFE040 ss:$0x1], $0xffff  }
0x11b: {  	v17 =	vld.idx.msk [tilespmem:v12+s26+$0x0 ss:$0x1], $0xffff  }
0x11c: {  	v25 =	vld.idx.msk [tilespmem:v10+s26+$0xFFFFE070 ss:$0x1], $0xffff  }
0x11d: {  	v11 =	vld.idx.msk [tilespmem:v10+s26+$0xFFFFE010 ss:$0x1], $0xffff  }
0x11e: {  	v20 =	vld.idx.msk [tilespmem:v10+s26+$0xFFFFE030 ss:$0x1], $0xffff  }
0x11f: {  	v22 =	vld.idx.msk [tilespmem:v12+s26+$0x70 ss:$0x1], $0xffff  }
0x120: {  	v26 =	vld.idx.msk [tilespmem:v12+s26+$0x40 ss:$0x1], $0xffff  }
0x121: {  	v19 =	vld.idx.msk [tilespmem:v12+s26+$0x10 ss:$0x1], $0xffff  }
0x122: {  	v33 =	vld.idx.msk [tilespmem:v12+s26+$0x50 ss:$0x1], $0xffff  }
0x123: {  	v35 =	vld.idx.msk [tilespmem:v12+s26+$0x30 ss:$0x1], $0xffff  }
0x124: {  	v16 =	vld.idx.msk [tilespmem:v12+s26+$0x60 ss:$0x1], $0xffff  }
0x125: {  	v23 =	vld.idx.msk [tilespmem:v12+s26+$0x20 ss:$0x1], $0xffff;
	v27 =	vunpack.i.u.bf16.f32 v17;
	v24 =	vunpack.i.u.bf16.f32 v22  }
0x126: {  	v29 =	vld.idx.msk [tilespmem:v10+s26+$0x70 ss:$0x1], $0xffff;
	v28 =	vunpack.i.l.bf16.f32 v22;
	v31 =	vunpack.i.l.bf16.f32 v17;
	v22 =	vunpack.i.l.bf16.f32 v26  }
0x127: {  	v17 =	vunpack.i.l.bf16.f32 v19;
	v32 =	vsub.f32 v15, v27;
	v27 =	vsub.f32 v21, v22;
	v22 =	vld.idx.msk [tilespmem:v10+s26+$0xFFFFE050 ss:$0x1], $0xffff  }
0x128: {  	v38 =	vunpack.i.u.bf16.f32 v35;
	v37 =	vunpack.i.l.bf16.f32 v35;
	v36 =	vunpack.i.u.bf16.f32 v33;
	v21 =	vld.idx.msk [tilespmem:v10+s26+$0x20 ss:$0x1], $0xffff  }
0x129: {  	v15 =	vunpack.i.u.bf16.f32 v26;
	v26 =	vsub.f32 v18, v31;
	v34 =	vsub.f32 v25, v28;
	v18 =	vld.idx.msk [tilespmem:v10+s26+$0xFFFFE060 ss:$0x1], $0xffff  }
0x12a: {  	v28 =	vunpack.i.l.bf16.f32 v33;
	v25 =	vunpack.i.u.bf16.f32 v16;
	v33 =	vld.idx.msk [tilespmem:v10+s26+$0xFFFFE020 ss:$0x1], $0xffff;
	v30 =	vsub.f32 v30, v38  }
0x12b: {  	s28 =	simm.s32 $0x1000;
	v31 =	vmul.f32 v32, v32;
	v32 =	vld.idx.msk [tilespmem:v10+s26+$0x10 ss:$0x1], $0xffff;
	v35 =	vmul.f32 v26, v26;
	v26 =	vunpack.i.u.bf16.f32 v23  }
.LBB2_12:
0x12c: {  	p0 =	sne.s32 s28, $0x7000;
	v20 =	vsub.f32 v20, v37;
	v37 =	vld.idx.msk [tilespmem:v10+s26+$0x40 ss:$0x1], $0xffff;
	s26 =	sshra.s32 s28, $0x2;
	s28 =	sadd.s32 $0x1000, s28;
	v14 =	vsub.f32 v14, v36;
	v34 =	vmul.f32 v34, v34  }
0x12d: {  	v23 =	vunpack.i.l.bf16.f32 v23;
	v24 =	vsub.f32 v29, v24;
	v38 =	vld.idx.msk [tilespmem:v10+s26+$0x30 ss:$0x1], $0xffff;
	v5 =	vadd.f32 v35, v5  }
0x12e: {  	v19 =	vunpack.i.u.bf16.f32 v19;
	v27 =	vmul.f32 v27, v27;
	v35 =	vld.idx.msk [tilespmem:v10+s26+$0xFFFFE000 ss:$0x1], $0xffff;
	v20 =	vmul.f32 v20, v20  }
0x12f: {  	v8 =	vadd.f32 v34, v8;
	v24 =	vmul.f32 v24, v24;
	v29 =	vld.idx.msk [tilespmem:v10+s26+$0x60 ss:$0x1], $0xffff;
	v5 =	vadd.f32 v5, v31  }
0x130: {  	v22 =	vsub.f32 v22, v28;
	v28 =	vmul.f32 v14, v14;
	v19 =	vsub.f32 v32, v19;
	v31 =	vld.idx.msk [tilespmem:v10+s26+$0x0 ss:$0x1], $0xffff  }
0x131: {  	v16 =	vunpack.i.l.bf16.f32 v16;
	v13 =	vsub.f32 v13, v25;
	v23 =	vsub.f32 v33, v23;
	v14 =	vld.idx.msk [tilespmem:v10+s26+$0x50 ss:$0x1], $0xffff  }
0x132: {  	v22 =	vmul.f32 v22, v22;
	v6 =	vadd.f32 v20, v6;
	v20 =	vmul.f32 v30, v30;
	v25 =	vld.idx.msk [tilespmem:v10+s26+$0xFFFFE040 ss:$0x1], $0xffff  }
0x133: {  	v8 =	vadd.f32 v8, v24;
	v32 =	vmul.f32 v19, v19;
	v19 =	vsub.f32 v21, v26;
	v30 =	vld.idx.msk [tilespmem:v12+s26+$0x0 ss:$0x1], $0xffff  }
0x134: {  	v17 =	vsub.f32 v11, v17;
	v6 =	vadd.f32 v6, v20;
	v26 =	vld.idx.msk [tilespmem:v10+s26+$0xFFFFE070 ss:$0x1], $0xffff  }
0x135: {  	v9 =	vadd.f32 v27, v9;
	v16 =	vsub.f32 v18, v16;
	v21 =	vmul.f32 v23, v23;
	v11 =	vld.idx.msk [tilespmem:v10+s26+$0xFFFFE010 ss:$0x1], $0xffff  }
0x136: {  	v17 =	vmul.f32 v17, v17;
	v18 =	vmul.f32 v13, v13;
	v15 =	vsub.f32 v37, v15;
	v20 =	vld.idx.msk [tilespmem:v10+s26+$0xFFFFE030 ss:$0x1], $0xffff  }
0x137: {  	v3 =	vadd.f32 v22, v3;
	v16 =	vmul.f32 v16, v16;
	v7 =	vadd.f32 v21, v7;
	v27 =	vld.idx.msk [tilespmem:v12+s26+$0x70 ss:$0x1], $0xffff  }
0x138: {  	v4 =	vadd.f32 v17, v4;
	v17 =	vmul.f32 v19, v19;
	v15 =	vmul.f32 v15, v15;
	v21 =	vld.idx.msk [tilespmem:v12+s26+$0x40 ss:$0x1], $0xffff  }
0x139: {  	v3 =	vadd.f32 v3, v28;
	v2 =	vadd.f32 v16, v2;
	v13 =	vmov v29;
	v19 =	vld.idx.msk [tilespmem:v12+s26+$0x10 ss:$0x1], $0xffff  }
0x13a: {  	v4 =	vadd.f32 v4, v32;
	v9 =	vadd.f32 v9, v15;
	v16 =	vld.idx.msk [tilespmem:v12+s26+$0x60 ss:$0x1], $0xffff  }
0x13b: {  	v2 =	vadd.f32 v2, v18;
	v7 =	vadd.f32 v7, v17;
	v33 =	vld.idx.msk [tilespmem:v12+s26+$0x50 ss:$0x1], $0xffff  }
0x13c: {  	v36 =	vld.idx.msk [tilespmem:v12+s26+$0x30 ss:$0x1], $0xffff  }
0x13d: {  	v15 =	vunpack.i.u.bf16.f32 v30;
	v24 =	vunpack.i.u.bf16.f32 v27;
	v18 =	vunpack.i.l.bf16.f32 v27;
	v23 =	vld.idx.msk [tilespmem:v12+s26+$0x20 ss:$0x1], $0xffff  }
0x13e: {  	v28 =	vunpack.i.l.bf16.f32 v30;
	v30 =	vsub.f32 v31, v15;
	v22 =	vunpack.i.l.bf16.f32 v21;
	v29 =	vld.idx.msk [tilespmem:v10+s26+$0x70 ss:$0x1], $0xffff  }
.Ltmp4:
0x13f: {  	v15 =	vunpack.i.u.bf16.f32 v21;
	v17 =	vunpack.i.l.bf16.f32 v19;
	v27 =	vsub.f32 v25, v22;
	v22 =	vld.idx.msk [tilespmem:v10+s26+$0xFFFFE050 ss:$0x1], $0xffff;
	(pc) =	sbr.rel @p0 .LBB2_12-.Ltmp4, $4  }
0x140: {  	v35 =	vsub.f32 v35, v28;
	v34 =	vsub.f32 v26, v18;
	v21 =	vld.idx.msk [tilespmem:v10+s26+$0x20 ss:$0x1], $0xffff  }
0x141: {  	v31 =	vmul.f32 v30, v30;
	v25 =	vunpack.i.u.bf16.f32 v16;
	v28 =	vunpack.i.l.bf16.f32 v33;
	v18 =	vld.idx.msk [tilespmem:v10+s26+$0xFFFFE060 ss:$0x1], $0xffff  }
0x142: {  	v30 =	vunpack.i.u.bf16.f32 v36;
	v37 =	vunpack.i.l.bf16.f32 v36;
	v36 =	vunpack.i.u.bf16.f32 v33;
	v32 =	vld.idx.msk [tilespmem:v10+s26+$0x10 ss:$0x1], $0xffff  }
0x143: {  	v35 =	vmul.f32 v35, v35;
	v26 =	vunpack.i.u.bf16.f32 v23;
	v30 =	vsub.f32 v38, v30;
	v33 =	vld.idx.msk [tilespmem:v10+s26+$0xFFFFE020 ss:$0x1], $0xffff  }
0x144: {  	v12 =	vsub.f32 v20, v37  }
0x145: {  	v14 =	vsub.f32 v14, v36;
	v59 =	vmul.f32 v34, v34;
	v23 =	vunpack.i.l.bf16.f32 v23  }
0x146: {  	v24 =	vsub.f32 v29, v24;
	v19 =	vunpack.i.u.bf16.f32 v19;
	v27 =	vmul.f32 v27, v27  }
0x147: {  	v22 =	vsub.f32 v22, v28;
	v16 =	vunpack.i.l.bf16.f32 v16;
	v13 =	vsub.f32 v13, v25  }
0x148: {  	v11 =	vsub.f32 v11, v17;
	v5 =	vadd.f32 v35, v5;
	v61 =	vmul.f32 v30, v30  }
0x149: {  	v21 =	vsub.f32 v21, v26;
	v12 =	vmul.f32 v12, v12;
	v8 =	vadd.f32 v59, v8  }
0x14a: {  	v10 =	vld.idx.msk [tilespmem:v10+s26+$0x40 ss:$0x1], $0xffff;
	v60 =	vmul.f32 v24, v24;
	v14 =	vmul.f32 v14, v14;
	v16 =	vsub.f32 v18, v16  }
0x14b: {  	v22 =	vmul.f32 v22, v22;
	v9 =	vadd.f32 v27, v9;
	v5 =	vadd.f32 v5, v31  }
0x14c: {  	v11 =	vmul.f32 v11, v11;
	v19 =	vsub.f32 v32, v19;
	v23 =	vsub.f32 v33, v23  }
0x14d: {  	s23 =	sadd.s32 $0x1, s23;
	v13 =	vmul.f32 v13, v13;
	v6 =	vadd.f32 v12, v6;
	v8 =	vadd.f32 v8, v60  }
0x14e: {  	p0 =	sne.s32 s23, $0x8;
	v3 =	vadd.f32 v22, v3;
	v63 =	vmul.f32 v16, v16;
	v4 =	vadd.f32 v11, v4  }
.Ltmp5:
0x14f: {  	v11 =	vmul.f32 v21, v21;
	v10 =	vsub.f32 v10, v15;
	v62 =	vmul.f32 v23, v23;
	(pc) =	sbr.rel @p0 .LBB2_11-.Ltmp5, $4  }
0x150: {  	v19 =	vmul.f32 v19, v19;
	v6 =	vadd.f32 v6, v61;
	v2 =	vadd.f32 v63, v2  }
0x151: {  	v3 =	vadd.f32 v3, v14;
	v10 =	vmul.f32 v10, v10;
	v7 =	vadd.f32 v62, v7  }
0x152: {  	v4 =	vadd.f32 v4, v19;
	v2 =	vadd.f32 v2, v13  }
0x153: {  	s24 =	sadd.s32 $0x80, s24;
	s25 =	sadd.s32 $0x80, s25;
	v9 =	vadd.f32 v9, v10;
	v7 =	vadd.f32 v7, v11  }
0x154: {  	s23 =	sadd.s32 $0x30, s22  }
0x155: {  	s23 =	sadd.s32 s5, s23  }
0x156: {  	s23 =	sshll.u32 s23, $0x8  }
0x157: {  	s25 =	simm.s32 $0x8200;
	s24 =	sadd.s32 s1, s23;
	s23 =	simm.s32 $0x0  }
0x158: {  	[tilespmem:s25], [sflag:$0x3] =	stream.linear.gather [hbm4b:s24+s23], $0x4000, $0x38;
	[tilespmem:$0x18280] =	vst v63  }
0x159: {  	v10 =	vld.msk [tilespmem:s22+$0x30], $0xff;
	_ =	sdelay $0x4  }
0x15a: {  	v11 =	vshll.u32 v10, $0x3  }
0x15b: {  	v10 =	vand.u32 $0x7, v10;
	v11 =	vand.u32 $0xFFFFFFC0, v11  }
0x15c: {  	v10 =	vor.u32 v10, v11  }
0x15d: {  	v10 =	vperm.xlane v10, v0;
	_ =	sdelay $0x1  }
0x15e: {  	v10 =	vadd.s32 v1, v10;
	_ =	sdelay $0x4  }
0x15f: {  	[tilespmem:s29], [sflag:$0x7] =	stream.indirect_vreg.gather [hbm4b:s3+s23], $0x80, v10, vm0, $0xb8;
	[tilespmem:$0x18280] =	vst v63  }
0x160: {  	_ = 	snop  }
0x161: {  	[tilespmem:s30], [sflag:$0x7] =	stream.indirect_vreg.gather [hbm4b:s8+s23], $0x80, v10, vm0, $0xb8;
	[tilespmem:$0x18280] =	vst v63  }
0x162: {  	_ = 	snop  }
0x163: {  	[tilespmem:s31], [sflag:$0x7] =	stream.indirect_vreg.gather [hbm4b:s9+s23], $0x80, v10, vm0, $0xb8;
	[tilespmem:$0x18280] =	vst v63  }
0x164: {  	_ = 	snop  }
0x165: {  	[tilespmem:s2], [sflag:$0x7] =	stream.indirect_vreg.gather [hbm4b:s10+s23], $0x80, v10, vm0, $0xb8;
	[tilespmem:$0x18280] =	vst v63  }
0x166: {  	_ =	swait.ge [sflag:s19], $0x4000  }
0x167: {  	[sflag:s19] =	ssyncset.done $0x0  }
0x168: {  	[sflag:s19] =	ssyncadd.s32 $0xFFFFC000  }
0x169: {  	_ =	swait.ge [sflag:s20], $0x2000  }
0x16a: {  	[sflag:s20] =	ssyncset.done $0x0  }
0x16b: {  	s24 =	simm.s32 $0x16200;
	s25 =	simm.s32 $0xE200;
	[sflag:s20] =	ssyncadd.s32 $0xFFFFE000  }
.LBB2_15:
0x16c: {  	v10 =	vmov s25;
	_ =	sdelay $0x3  }
0x16d: {  	s26 =	simm.s32 $0x0  }
0x16e: {  	v30 =	vld.idx.msk [tilespmem:v10+s26+$0x30 ss:$0x1], $0xffff  }
0x16f: {  	v12 =	vmov s24;
	v18 =	vld.idx.msk [tilespmem:v10+s26+$0xFFFFE000 ss:$0x1], $0xffff  }
0x170: {  	v13 =	vld.idx.msk [tilespmem:v10+s26+$0x60 ss:$0x1], $0xffff  }
0x171: {  	v15 =	vld.idx.msk [tilespmem:v10+s26+$0x0 ss:$0x1], $0xffff  }
0x172: {  	v14 =	vld.idx.msk [tilespmem:v10+s26+$0x50 ss:$0x1], $0xffff  }
0x173: {  	v21 =	vld.idx.msk [tilespmem:v10+s26+$0xFFFFE040 ss:$0x1], $0xffff  }
0x174: {  	v17 =	vld.idx.msk [tilespmem:v12+s26+$0x0 ss:$0x1], $0xffff  }
0x175: {  	v25 =	vld.idx.msk [tilespmem:v10+s26+$0xFFFFE070 ss:$0x1], $0xffff  }
0x176: {  	v11 =	vld.idx.msk [tilespmem:v10+s26+$0xFFFFE010 ss:$0x1], $0xffff  }
0x177: {  	v20 =	vld.idx.msk [tilespmem:v10+s26+$0xFFFFE030 ss:$0x1], $0xffff  }
0x178: {  	v22 =	vld.idx.msk [tilespmem:v12+s26+$0x70 ss:$0x1], $0xffff  }
0x179: {  	v26 =	vld.idx.msk [tilespmem:v12+s26+$0x40 ss:$0x1], $0xffff  }
0x17a: {  	v19 =	vld.idx.msk [tilespmem:v12+s26+$0x10 ss:$0x1], $0xffff  }
0x17b: {  	v33 =	vld.idx.msk [tilespmem:v12+s26+$0x50 ss:$0x1], $0xffff  }
0x17c: {  	v35 =	vld.idx.msk [tilespmem:v12+s26+$0x30 ss:$0x1], $0xffff  }
0x17d: {  	v16 =	vld.idx.msk [tilespmem:v12+s26+$0x60 ss:$0x1], $0xffff  }
0x17e: {  	v23 =	vld.idx.msk [tilespmem:v12+s26+$0x20 ss:$0x1], $0xffff;
	v27 =	vunpack.i.u.bf16.f32 v17;
	v24 =	vunpack.i.u.bf16.f32 v22  }
0x17f: {  	v29 =	vld.idx.msk [tilespmem:v10+s26+$0x70 ss:$0x1], $0xffff;
	v28 =	vunpack.i.l.bf16.f32 v22;
	v31 =	vunpack.i.l.bf16.f32 v17;
	v22 =	vunpack.i.l.bf16.f32 v26  }
0x180: {  	v17 =	vunpack.i.l.bf16.f32 v19;
	v32 =	vsub.f32 v15, v27;
	v27 =	vsub.f32 v21, v22;
	v22 =	vld.idx.msk [tilespmem:v10+s26+$0xFFFFE050 ss:$0x1], $0xffff  }
0x181: {  	v38 =	vunpack.i.u.bf16.f32 v35;
	v37 =	vunpack.i.l.bf16.f32 v35;
	v36 =	vunpack.i.u.bf16.f32 v33;
	v21 =	vld.idx.msk [tilespmem:v10+s26+$0x20 ss:$0x1], $0xffff  }
0x182: {  	v15 =	vunpack.i.u.bf16.f32 v26;
	v26 =	vsub.f32 v18, v31;
	v34 =	vsub.f32 v25, v28;
	v18 =	vld.idx.msk [tilespmem:v10+s26+$0xFFFFE060 ss:$0x1], $0xffff  }
0x183: {  	v28 =	vunpack.i.l.bf16.f32 v33;
	v25 =	vunpack.i.u.bf16.f32 v16;
	v33 =	vld.idx.msk [tilespmem:v10+s26+$0xFFFFE020 ss:$0x1], $0xffff;
	v30 =	vsub.f32 v30, v38  }
0x184: {  	s28 =	simm.s32 $0x1000;
	v31 =	vmul.f32 v32, v32;
	v32 =	vld.idx.msk [tilespmem:v10+s26+$0x10 ss:$0x1], $0xffff;
	v35 =	vmul.f32 v26, v26;
	v26 =	vunpack.i.u.bf16.f32 v23  }
.LBB2_16:
0x185: {  	p0 =	sne.s32 s28, $0x7000;
	v20 =	vsub.f32 v20, v37;
	v37 =	vld.idx.msk [tilespmem:v10+s26+$0x40 ss:$0x1], $0xffff;
	s26 =	sshra.s32 s28, $0x2;
	s28 =	sadd.s32 $0x1000, s28;
	v14 =	vsub.f32 v14, v36;
	v34 =	vmul.f32 v34, v34  }
0x186: {  	v23 =	vunpack.i.l.bf16.f32 v23;
	v24 =	vsub.f32 v29, v24;
	v38 =	vld.idx.msk [tilespmem:v10+s26+$0x30 ss:$0x1], $0xffff;
	v5 =	vadd.f32 v35, v5  }
0x187: {  	v19 =	vunpack.i.u.bf16.f32 v19;
	v27 =	vmul.f32 v27, v27;
	v35 =	vld.idx.msk [tilespmem:v10+s26+$0xFFFFE000 ss:$0x1], $0xffff;
	v20 =	vmul.f32 v20, v20  }
0x188: {  	v8 =	vadd.f32 v34, v8;
	v24 =	vmul.f32 v24, v24;
	v29 =	vld.idx.msk [tilespmem:v10+s26+$0x60 ss:$0x1], $0xffff;
	v5 =	vadd.f32 v5, v31  }
0x189: {  	v22 =	vsub.f32 v22, v28;
	v28 =	vmul.f32 v14, v14;
	v19 =	vsub.f32 v32, v19;
	v31 =	vld.idx.msk [tilespmem:v10+s26+$0x0 ss:$0x1], $0xffff  }
0x18a: {  	v16 =	vunpack.i.l.bf16.f32 v16;
	v13 =	vsub.f32 v13, v25;
	v23 =	vsub.f32 v33, v23;
	v14 =	vld.idx.msk [tilespmem:v10+s26+$0x50 ss:$0x1], $0xffff  }
0x18b: {  	v22 =	vmul.f32 v22, v22;
	v6 =	vadd.f32 v20, v6;
	v20 =	vmul.f32 v30, v30;
	v25 =	vld.idx.msk [tilespmem:v10+s26+$0xFFFFE040 ss:$0x1], $0xffff  }
0x18c: {  	v8 =	vadd.f32 v8, v24;
	v32 =	vmul.f32 v19, v19;
	v19 =	vsub.f32 v21, v26;
	v30 =	vld.idx.msk [tilespmem:v12+s26+$0x0 ss:$0x1], $0xffff  }
0x18d: {  	v17 =	vsub.f32 v11, v17;
	v6 =	vadd.f32 v6, v20;
	v26 =	vld.idx.msk [tilespmem:v10+s26+$0xFFFFE070 ss:$0x1], $0xffff  }
0x18e: {  	v9 =	vadd.f32 v27, v9;
	v16 =	vsub.f32 v18, v16;
	v21 =	vmul.f32 v23, v23;
	v11 =	vld.idx.msk [tilespmem:v10+s26+$0xFFFFE010 ss:$0x1], $0xffff  }
0x18f: {  	v17 =	vmul.f32 v17, v17;
	v18 =	vmul.f32 v13, v13;
	v15 =	vsub.f32 v37, v15;
	v20 =	vld.idx.msk [tilespmem:v10+s26+$0xFFFFE030 ss:$0x1], $0xffff  }
0x190: {  	v3 =	vadd.f32 v22, v3;
	v16 =	vmul.f32 v16, v16;
	v7 =	vadd.f32 v21, v7;
	v27 =	vld.idx.msk [tilespmem:v12+s26+$0x70 ss:$0x1], $0xffff  }
0x191: {  	v4 =	vadd.f32 v17, v4;
	v17 =	vmul.f32 v19, v19;
	v15 =	vmul.f32 v15, v15;
	v21 =	vld.idx.msk [tilespmem:v12+s26+$0x40 ss:$0x1], $0xffff  }
0x192: {  	v3 =	vadd.f32 v3, v28;
	v2 =	vadd.f32 v16, v2;
	v13 =	vmov v29;
	v19 =	vld.idx.msk [tilespmem:v12+s26+$0x10 ss:$0x1], $0xffff  }
0x193: {  	v4 =	vadd.f32 v4, v32;
	v9 =	vadd.f32 v9, v15;
	v16 =	vld.idx.msk [tilespmem:v12+s26+$0x60 ss:$0x1], $0xffff  }
0x194: {  	v2 =	vadd.f32 v2, v18;
	v7 =	vadd.f32 v7, v17;
	v33 =	vld.idx.msk [tilespmem:v12+s26+$0x50 ss:$0x1], $0xffff  }
0x195: {  	v36 =	vld.idx.msk [tilespmem:v12+s26+$0x30 ss:$0x1], $0xffff  }
0x196: {  	v15 =	vunpack.i.u.bf16.f32 v30;
	v24 =	vunpack.i.u.bf16.f32 v27;
	v18 =	vunpack.i.l.bf16.f32 v27;
	v23 =	vld.idx.msk [tilespmem:v12+s26+$0x20 ss:$0x1], $0xffff  }
0x197: {  	v28 =	vunpack.i.l.bf16.f32 v30;
	v30 =	vsub.f32 v31, v15;
	v22 =	vunpack.i.l.bf16.f32 v21;
	v29 =	vld.idx.msk [tilespmem:v10+s26+$0x70 ss:$0x1], $0xffff  }
.Ltmp6:
0x198: {  	v15 =	vunpack.i.u.bf16.f32 v21;
	v17 =	vunpack.i.l.bf16.f32 v19;
	v27 =	vsub.f32 v25, v22;
	v22 =	vld.idx.msk [tilespmem:v10+s26+$0xFFFFE050 ss:$0x1], $0xffff;
	(pc) =	sbr.rel @p0 .LBB2_16-.Ltmp6, $4  }
0x199: {  	v35 =	vsub.f32 v35, v28;
	v34 =	vsub.f32 v26, v18;
	v21 =	vld.idx.msk [tilespmem:v10+s26+$0x20 ss:$0x1], $0xffff  }
0x19a: {  	v31 =	vmul.f32 v30, v30;
	v25 =	vunpack.i.u.bf16.f32 v16;
	v28 =	vunpack.i.l.bf16.f32 v33;
	v18 =	vld.idx.msk [tilespmem:v10+s26+$0xFFFFE060 ss:$0x1], $0xffff  }
0x19b: {  	v30 =	vunpack.i.u.bf16.f32 v36;
	v37 =	vunpack.i.l.bf16.f32 v36;
	v36 =	vunpack.i.u.bf16.f32 v33;
	v32 =	vld.idx.msk [tilespmem:v10+s26+$0x10 ss:$0x1], $0xffff  }
0x19c: {  	v35 =	vmul.f32 v35, v35;
	v26 =	vunpack.i.u.bf16.f32 v23;
	v30 =	vsub.f32 v38, v30;
	v33 =	vld.idx.msk [tilespmem:v10+s26+$0xFFFFE020 ss:$0x1], $0xffff  }
0x19d: {  	v12 =	vsub.f32 v20, v37  }
0x19e: {  	v14 =	vsub.f32 v14, v36;
	v59 =	vmul.f32 v34, v34;
	v23 =	vunpack.i.l.bf16.f32 v23  }
0x19f: {  	v24 =	vsub.f32 v29, v24;
	v19 =	vunpack.i.u.bf16.f32 v19;
	v27 =	vmul.f32 v27, v27  }
0x1a0: {  	v22 =	vsub.f32 v22, v28;
	v16 =	vunpack.i.l.bf16.f32 v16;
	v13 =	vsub.f32 v13, v25  }
0x1a1: {  	v11 =	vsub.f32 v11, v17;
	v5 =	vadd.f32 v35, v5;
	v61 =	vmul.f32 v30, v30  }
0x1a2: {  	v21 =	vsub.f32 v21, v26;
	v12 =	vmul.f32 v12, v12;
	v8 =	vadd.f32 v59, v8  }
0x1a3: {  	v10 =	vld.idx.msk [tilespmem:v10+s26+$0x40 ss:$0x1], $0xffff;
	v60 =	vmul.f32 v24, v24;
	v14 =	vmul.f32 v14, v14;
	v16 =	vsub.f32 v18, v16  }
0x1a4: {  	v22 =	vmul.f32 v22, v22;
	v9 =	vadd.f32 v27, v9;
	v5 =	vadd.f32 v5, v31  }
0x1a5: {  	v11 =	vmul.f32 v11, v11;
	v19 =	vsub.f32 v32, v19;
	v23 =	vsub.f32 v33, v23  }
0x1a6: {  	s23 =	sadd.s32 $0x1, s23;
	v13 =	vmul.f32 v13, v13;
	v6 =	vadd.f32 v12, v6;
	v8 =	vadd.f32 v8, v60  }
0x1a7: {  	p0 =	sne.s32 s23, $0x8;
	v3 =	vadd.f32 v22, v3;
	v63 =	vmul.f32 v16, v16;
	v4 =	vadd.f32 v11, v4  }
.Ltmp7:
0x1a8: {  	v11 =	vmul.f32 v21, v21;
	v10 =	vsub.f32 v10, v15;
	v62 =	vmul.f32 v23, v23;
	(pc) =	sbr.rel @p0 .LBB2_15-.Ltmp7, $4  }
0x1a9: {  	v19 =	vmul.f32 v19, v19;
	v6 =	vadd.f32 v6, v61;
	v2 =	vadd.f32 v63, v2  }
0x1aa: {  	v3 =	vadd.f32 v3, v14;
	v10 =	vmul.f32 v10, v10;
	v7 =	vadd.f32 v62, v7  }
0x1ab: {  	v4 =	vadd.f32 v4, v19;
	v2 =	vadd.f32 v2, v13  }
0x1ac: {  	s24 =	sadd.s32 $0x80, s24;
	s25 =	sadd.s32 $0x80, s25;
	v9 =	vadd.f32 v9, v10;
	v7 =	vadd.f32 v7, v11  }
0x1ad: {  	s23 =	sadd.s32 $0x38, s22  }
0x1ae: {  	s23 =	sadd.s32 s5, s23  }
0x1af: {  	s23 =	sshll.u32 s23, $0x8  }
0x1b0: {  	s23 =	sadd.s32 s1, s23  }
0x1b1: {  	[tilespmem:s0], [sflag:$0x4] =	stream.linear.gather [hbm4b:s23+s4], $0x4000, $0x38;
	[tilespmem:$0x18280] =	vst v63  }
0x1b2: {  	v10 =	vld.msk [tilespmem:s22+$0x38], $0xff;
	_ =	sdelay $0x4  }
0x1b3: {  	v11 =	vshll.u32 v10, $0x3  }
0x1b4: {  	v10 =	vand.u32 $0x7, v10;
	v11 =	vand.u32 $0xFFFFFFC0, v11  }
0x1b5: {  	v10 =	vor.u32 v10, v11  }
0x1b6: {  	v10 =	vperm.xlane v10, v0;
	_ =	sdelay $0x1  }
0x1b7: {  	v10 =	vadd.s32 v1, v10;
	_ =	sdelay $0x3  }
0x1b8: {  	s21 =	sadd.s32 $0x1, s21  }
0x1b9: {  	[tilespmem:s6], [sflag:$0x8] =	stream.indirect_vreg.gather [hbm4b:s3+s4], $0x80, v10, vm0, $0xb8;
	[tilespmem:$0x18280] =	vst v63  }
0x1ba: {  	p0 =	sne.s32 s21, $0xF  }
0x1bb: {  	[tilespmem:s11], [sflag:$0x8] =	stream.indirect_vreg.gather [hbm4b:s8+s4], $0x80, v10, vm0, $0xb8;
	[tilespmem:$0x18280] =	vst v63  }
.Ltmp8:
0x1bc: {  	_ = 	snop;
	(pc) =	sbr.rel @p0 .LBB2_2-.Ltmp8, $4  }
0x1bd: {  	_ = 	snop  }
0x1be: {  	[tilespmem:s12], [sflag:$0x8] =	stream.indirect_vreg.gather [hbm4b:s9+s4], $0x80, v10, vm0, $0xb8;
	[tilespmem:$0x18280] =	vst v63  }
0x1bf: {  	_ = 	snop  }
0x1c0: {  	[tilespmem:s13], [sflag:$0x8] =	stream.indirect_vreg.gather [hbm4b:s10+s4], $0x80, v10, vm0, $0xb8;
	[tilespmem:$0x18280] =	vst v63  }
0x1c1: {  	_ =	swait.ge [sflag:s14], $0x4000  }
0x1c2: {  	[sflag:s14] =	ssyncset.done $0x0  }
0x1c3: {  	[sflag:s14] =	ssyncadd.s32 $0xFFFFC000  }
0x1c4: {  	_ =	swait.ge [sflag:s15], $0x2000  }
0x1c5: {  	s21 =	simm.s32 $0x0;
	[sflag:s15] =	ssyncset.done $0x0  }
0x1c6: {  	s22 =	simm.s32 $0x10200;
	s23 =	simm.s32 $0x2200;
	[sflag:s15] =	ssyncadd.s32 $0xFFFFE000  }
.LBB2_20:
0x1c7: {  	v10 =	vmov s23;
	_ =	sdelay $0x3  }
0x1c8: {  	s24 =	simm.s32 $0x0  }
0x1c9: {  	v30 =	vld.idx.msk [tilespmem:v10+s24+$0x30 ss:$0x1], $0xffff  }
0x1ca: {  	v12 =	vmov s22;
	v18 =	vld.idx.msk [tilespmem:v10+s24+$0xFFFFE000 ss:$0x1], $0xffff  }
0x1cb: {  	v13 =	vld.idx.msk [tilespmem:v10+s24+$0x60 ss:$0x1], $0xffff  }
0x1cc: {  	v15 =	vld.idx.msk [tilespmem:v10+s24+$0x0 ss:$0x1], $0xffff  }
0x1cd: {  	v14 =	vld.idx.msk [tilespmem:v10+s24+$0x50 ss:$0x1], $0xffff  }
0x1ce: {  	v21 =	vld.idx.msk [tilespmem:v10+s24+$0xFFFFE040 ss:$0x1], $0xffff  }
0x1cf: {  	v17 =	vld.idx.msk [tilespmem:v12+s24+$0x0 ss:$0x1], $0xffff  }
0x1d0: {  	v25 =	vld.idx.msk [tilespmem:v10+s24+$0xFFFFE070 ss:$0x1], $0xffff  }
0x1d1: {  	v11 =	vld.idx.msk [tilespmem:v10+s24+$0xFFFFE010 ss:$0x1], $0xffff  }
0x1d2: {  	v20 =	vld.idx.msk [tilespmem:v10+s24+$0xFFFFE030 ss:$0x1], $0xffff  }
0x1d3: {  	v22 =	vld.idx.msk [tilespmem:v12+s24+$0x70 ss:$0x1], $0xffff  }
0x1d4: {  	v26 =	vld.idx.msk [tilespmem:v12+s24+$0x40 ss:$0x1], $0xffff  }
0x1d5: {  	v19 =	vld.idx.msk [tilespmem:v12+s24+$0x10 ss:$0x1], $0xffff  }
0x1d6: {  	v33 =	vld.idx.msk [tilespmem:v12+s24+$0x50 ss:$0x1], $0xffff  }
0x1d7: {  	v35 =	vld.idx.msk [tilespmem:v12+s24+$0x30 ss:$0x1], $0xffff  }
0x1d8: {  	v16 =	vld.idx.msk [tilespmem:v12+s24+$0x60 ss:$0x1], $0xffff  }
0x1d9: {  	v23 =	vld.idx.msk [tilespmem:v12+s24+$0x20 ss:$0x1], $0xffff;
	v27 =	vunpack.i.u.bf16.f32 v17;
	v24 =	vunpack.i.u.bf16.f32 v22  }
0x1da: {  	v29 =	vld.idx.msk [tilespmem:v10+s24+$0x70 ss:$0x1], $0xffff;
	v28 =	vunpack.i.l.bf16.f32 v22;
	v31 =	vunpack.i.l.bf16.f32 v17;
	v22 =	vunpack.i.l.bf16.f32 v26  }
0x1db: {  	v17 =	vunpack.i.l.bf16.f32 v19;
	v32 =	vsub.f32 v15, v27;
	v27 =	vsub.f32 v21, v22;
	v22 =	vld.idx.msk [tilespmem:v10+s24+$0xFFFFE050 ss:$0x1], $0xffff  }
0x1dc: {  	v38 =	vunpack.i.u.bf16.f32 v35;
	v37 =	vunpack.i.l.bf16.f32 v35;
	v36 =	vunpack.i.u.bf16.f32 v33;
	v21 =	vld.idx.msk [tilespmem:v10+s24+$0x20 ss:$0x1], $0xffff  }
0x1dd: {  	v15 =	vunpack.i.u.bf16.f32 v26;
	v26 =	vsub.f32 v18, v31;
	v34 =	vsub.f32 v25, v28;
	v18 =	vld.idx.msk [tilespmem:v10+s24+$0xFFFFE060 ss:$0x1], $0xffff  }
0x1de: {  	v28 =	vunpack.i.l.bf16.f32 v33;
	v25 =	vunpack.i.u.bf16.f32 v16;
	v33 =	vld.idx.msk [tilespmem:v10+s24+$0xFFFFE020 ss:$0x1], $0xffff;
	v30 =	vsub.f32 v30, v38  }
0x1df: {  	s25 =	simm.s32 $0x1000;
	v31 =	vmul.f32 v32, v32;
	v32 =	vld.idx.msk [tilespmem:v10+s24+$0x10 ss:$0x1], $0xffff;
	v35 =	vmul.f32 v26, v26;
	v26 =	vunpack.i.u.bf16.f32 v23  }
.LBB2_21:
0x1e0: {  	p0 =	sne.s32 s25, $0x7000;
	v20 =	vsub.f32 v20, v37;
	v37 =	vld.idx.msk [tilespmem:v10+s24+$0x40 ss:$0x1], $0xffff;
	s24 =	sshra.s32 s25, $0x2;
	s25 =	sadd.s32 $0x1000, s25;
	v14 =	vsub.f32 v14, v36;
	v34 =	vmul.f32 v34, v34  }
0x1e1: {  	v23 =	vunpack.i.l.bf16.f32 v23;
	v24 =	vsub.f32 v29, v24;
	v38 =	vld.idx.msk [tilespmem:v10+s24+$0x30 ss:$0x1], $0xffff;
	v5 =	vadd.f32 v35, v5  }
0x1e2: {  	v19 =	vunpack.i.u.bf16.f32 v19;
	v27 =	vmul.f32 v27, v27;
	v35 =	vld.idx.msk [tilespmem:v10+s24+$0xFFFFE000 ss:$0x1], $0xffff;
	v20 =	vmul.f32 v20, v20  }
0x1e3: {  	v8 =	vadd.f32 v34, v8;
	v24 =	vmul.f32 v24, v24;
	v29 =	vld.idx.msk [tilespmem:v10+s24+$0x60 ss:$0x1], $0xffff;
	v5 =	vadd.f32 v5, v31  }
0x1e4: {  	v22 =	vsub.f32 v22, v28;
	v28 =	vmul.f32 v14, v14;
	v19 =	vsub.f32 v32, v19;
	v31 =	vld.idx.msk [tilespmem:v10+s24+$0x0 ss:$0x1], $0xffff  }
0x1e5: {  	v16 =	vunpack.i.l.bf16.f32 v16;
	v13 =	vsub.f32 v13, v25;
	v23 =	vsub.f32 v33, v23;
	v14 =	vld.idx.msk [tilespmem:v10+s24+$0x50 ss:$0x1], $0xffff  }
0x1e6: {  	v22 =	vmul.f32 v22, v22;
	v6 =	vadd.f32 v20, v6;
	v20 =	vmul.f32 v30, v30;
	v25 =	vld.idx.msk [tilespmem:v10+s24+$0xFFFFE040 ss:$0x1], $0xffff  }
0x1e7: {  	v8 =	vadd.f32 v8, v24;
	v32 =	vmul.f32 v19, v19;
	v19 =	vsub.f32 v21, v26;
	v30 =	vld.idx.msk [tilespmem:v12+s24+$0x0 ss:$0x1], $0xffff  }
0x1e8: {  	v17 =	vsub.f32 v11, v17;
	v6 =	vadd.f32 v6, v20;
	v26 =	vld.idx.msk [tilespmem:v10+s24+$0xFFFFE070 ss:$0x1], $0xffff  }
0x1e9: {  	v9 =	vadd.f32 v27, v9;
	v16 =	vsub.f32 v18, v16;
	v21 =	vmul.f32 v23, v23;
	v11 =	vld.idx.msk [tilespmem:v10+s24+$0xFFFFE010 ss:$0x1], $0xffff  }
0x1ea: {  	v17 =	vmul.f32 v17, v17;
	v18 =	vmul.f32 v13, v13;
	v15 =	vsub.f32 v37, v15;
	v20 =	vld.idx.msk [tilespmem:v10+s24+$0xFFFFE030 ss:$0x1], $0xffff  }
0x1eb: {  	v3 =	vadd.f32 v22, v3;
	v16 =	vmul.f32 v16, v16;
	v7 =	vadd.f32 v21, v7;
	v27 =	vld.idx.msk [tilespmem:v12+s24+$0x70 ss:$0x1], $0xffff  }
0x1ec: {  	v4 =	vadd.f32 v17, v4;
	v17 =	vmul.f32 v19, v19;
	v15 =	vmul.f32 v15, v15;
	v21 =	vld.idx.msk [tilespmem:v12+s24+$0x40 ss:$0x1], $0xffff  }
0x1ed: {  	v3 =	vadd.f32 v3, v28;
	v2 =	vadd.f32 v16, v2;
	v13 =	vmov v29;
	v19 =	vld.idx.msk [tilespmem:v12+s24+$0x10 ss:$0x1], $0xffff  }
0x1ee: {  	v4 =	vadd.f32 v4, v32;
	v9 =	vadd.f32 v9, v15;
	v16 =	vld.idx.msk [tilespmem:v12+s24+$0x60 ss:$0x1], $0xffff  }
0x1ef: {  	v2 =	vadd.f32 v2, v18;
	v7 =	vadd.f32 v7, v17;
	v33 =	vld.idx.msk [tilespmem:v12+s24+$0x50 ss:$0x1], $0xffff  }
0x1f0: {  	v36 =	vld.idx.msk [tilespmem:v12+s24+$0x30 ss:$0x1], $0xffff  }
0x1f1: {  	v15 =	vunpack.i.u.bf16.f32 v30;
	v24 =	vunpack.i.u.bf16.f32 v27;
	v18 =	vunpack.i.l.bf16.f32 v27;
	v23 =	vld.idx.msk [tilespmem:v12+s24+$0x20 ss:$0x1], $0xffff  }
0x1f2: {  	v28 =	vunpack.i.l.bf16.f32 v30;
	v30 =	vsub.f32 v31, v15;
	v22 =	vunpack.i.l.bf16.f32 v21;
	v29 =	vld.idx.msk [tilespmem:v10+s24+$0x70 ss:$0x1], $0xffff  }
.Ltmp9:
0x1f3: {  	v15 =	vunpack.i.u.bf16.f32 v21;
	v17 =	vunpack.i.l.bf16.f32 v19;
	v27 =	vsub.f32 v25, v22;
	v22 =	vld.idx.msk [tilespmem:v10+s24+$0xFFFFE050 ss:$0x1], $0xffff;
	(pc) =	sbr.rel @p0 .LBB2_21-.Ltmp9, $4  }
0x1f4: {  	v35 =	vsub.f32 v35, v28;
	v34 =	vsub.f32 v26, v18;
	v21 =	vld.idx.msk [tilespmem:v10+s24+$0x20 ss:$0x1], $0xffff  }
0x1f5: {  	v31 =	vmul.f32 v30, v30;
	v25 =	vunpack.i.u.bf16.f32 v16;
	v28 =	vunpack.i.l.bf16.f32 v33;
	v18 =	vld.idx.msk [tilespmem:v10+s24+$0xFFFFE060 ss:$0x1], $0xffff  }
0x1f6: {  	v30 =	vunpack.i.u.bf16.f32 v36;
	v37 =	vunpack.i.l.bf16.f32 v36;
	v36 =	vunpack.i.u.bf16.f32 v33;
	v32 =	vld.idx.msk [tilespmem:v10+s24+$0x10 ss:$0x1], $0xffff  }
0x1f7: {  	v35 =	vmul.f32 v35, v35;
	v26 =	vunpack.i.u.bf16.f32 v23;
	v30 =	vsub.f32 v38, v30;
	v33 =	vld.idx.msk [tilespmem:v10+s24+$0xFFFFE020 ss:$0x1], $0xffff  }
0x1f8: {  	v12 =	vsub.f32 v20, v37  }
0x1f9: {  	v14 =	vsub.f32 v14, v36;
	v59 =	vmul.f32 v34, v34;
	v23 =	vunpack.i.l.bf16.f32 v23  }
0x1fa: {  	v24 =	vsub.f32 v29, v24;
	v19 =	vunpack.i.u.bf16.f32 v19;
	v27 =	vmul.f32 v27, v27  }
0x1fb: {  	v22 =	vsub.f32 v22, v28;
	v16 =	vunpack.i.l.bf16.f32 v16;
	v13 =	vsub.f32 v13, v25  }
0x1fc: {  	v11 =	vsub.f32 v11, v17;
	v5 =	vadd.f32 v35, v5;
	v61 =	vmul.f32 v30, v30  }
0x1fd: {  	v21 =	vsub.f32 v21, v26;
	v12 =	vmul.f32 v12, v12;
	v8 =	vadd.f32 v59, v8  }
0x1fe: {  	v10 =	vld.idx.msk [tilespmem:v10+s24+$0x40 ss:$0x1], $0xffff;
	v60 =	vmul.f32 v24, v24;
	v14 =	vmul.f32 v14, v14;
	v16 =	vsub.f32 v18, v16  }
0x1ff: {  	v22 =	vmul.f32 v22, v22;
	v9 =	vadd.f32 v27, v9;
	v5 =	vadd.f32 v5, v31  }
0x200: {  	v11 =	vmul.f32 v11, v11;
	v19 =	vsub.f32 v32, v19;
	v23 =	vsub.f32 v33, v23  }
0x201: {  	s21 =	sadd.s32 $0x1, s21;
	v13 =	vmul.f32 v13, v13;
	v6 =	vadd.f32 v12, v6;
	v8 =	vadd.f32 v8, v60  }
0x202: {  	p0 =	sne.s32 s21, $0x8;
	v3 =	vadd.f32 v22, v3;
	v63 =	vmul.f32 v16, v16;
	v4 =	vadd.f32 v11, v4  }
.Ltmp10:
0x203: {  	v11 =	vmul.f32 v21, v21;
	v10 =	vsub.f32 v10, v15;
	v62 =	vmul.f32 v23, v23;
	(pc) =	sbr.rel @p0 .LBB2_20-.Ltmp10, $4  }
0x204: {  	v19 =	vmul.f32 v19, v19;
	v6 =	vadd.f32 v6, v61;
	v2 =	vadd.f32 v63, v2  }
0x205: {  	v3 =	vadd.f32 v3, v14;
	v10 =	vmul.f32 v10, v10;
	v7 =	vadd.f32 v62, v7  }
0x206: {  	v4 =	vadd.f32 v4, v19;
	v2 =	vadd.f32 v2, v13  }
0x207: {  	s22 =	sadd.s32 $0x80, s22;
	s23 =	sadd.s32 $0x80, s23;
	v9 =	vadd.f32 v9, v10;
	v7 =	vadd.f32 v7, v11  }
0x208: {  	_ =	swait.ge [sflag:s7], $0x4000  }
0x209: {  	[sflag:s7] =	ssyncset.done $0x0  }
0x20a: {  	[sflag:s7] =	ssyncadd.s32 $0xFFFFC000  }
0x20b: {  	_ =	swait.ge [sflag:s16], $0x2000  }
0x20c: {  	s21 =	simm.s32 $0x0;
	[sflag:s16] =	ssyncset.done $0x0  }
0x20d: {  	s22 =	simm.s32 $0x12200;
	s23 =	simm.s32 $0x6200;
	[sflag:s16] =	ssyncadd.s32 $0xFFFFE000  }
.LBB2_24:
0x20e: {  	v10 =	vmov s23;
	_ =	sdelay $0x3  }
0x20f: {  	s24 =	simm.s32 $0x0  }
0x210: {  	v30 =	vld.idx.msk [tilespmem:v10+s24+$0x30 ss:$0x1], $0xffff  }
0x211: {  	v12 =	vmov s22;
	v18 =	vld.idx.msk [tilespmem:v10+s24+$0xFFFFE000 ss:$0x1], $0xffff  }
0x212: {  	v13 =	vld.idx.msk [tilespmem:v10+s24+$0x60 ss:$0x1], $0xffff  }
0x213: {  	v15 =	vld.idx.msk [tilespmem:v10+s24+$0x0 ss:$0x1], $0xffff  }
0x214: {  	v14 =	vld.idx.msk [tilespmem:v10+s24+$0x50 ss:$0x1], $0xffff  }
0x215: {  	v21 =	vld.idx.msk [tilespmem:v10+s24+$0xFFFFE040 ss:$0x1], $0xffff  }
0x216: {  	v17 =	vld.idx.msk [tilespmem:v12+s24+$0x0 ss:$0x1], $0xffff  }
0x217: {  	v25 =	vld.idx.msk [tilespmem:v10+s24+$0xFFFFE070 ss:$0x1], $0xffff  }
0x218: {  	v11 =	vld.idx.msk [tilespmem:v10+s24+$0xFFFFE010 ss:$0x1], $0xffff  }
0x219: {  	v20 =	vld.idx.msk [tilespmem:v10+s24+$0xFFFFE030 ss:$0x1], $0xffff  }
0x21a: {  	v22 =	vld.idx.msk [tilespmem:v12+s24+$0x70 ss:$0x1], $0xffff  }
0x21b: {  	v26 =	vld.idx.msk [tilespmem:v12+s24+$0x40 ss:$0x1], $0xffff  }
0x21c: {  	v19 =	vld.idx.msk [tilespmem:v12+s24+$0x10 ss:$0x1], $0xffff  }
0x21d: {  	v33 =	vld.idx.msk [tilespmem:v12+s24+$0x50 ss:$0x1], $0xffff  }
0x21e: {  	v35 =	vld.idx.msk [tilespmem:v12+s24+$0x30 ss:$0x1], $0xffff  }
0x21f: {  	v16 =	vld.idx.msk [tilespmem:v12+s24+$0x60 ss:$0x1], $0xffff  }
0x220: {  	v23 =	vld.idx.msk [tilespmem:v12+s24+$0x20 ss:$0x1], $0xffff;
	v27 =	vunpack.i.u.bf16.f32 v17;
	v24 =	vunpack.i.u.bf16.f32 v22  }
0x221: {  	v29 =	vld.idx.msk [tilespmem:v10+s24+$0x70 ss:$0x1], $0xffff;
	v28 =	vunpack.i.l.bf16.f32 v22;
	v31 =	vunpack.i.l.bf16.f32 v17;
	v22 =	vunpack.i.l.bf16.f32 v26  }
0x222: {  	v17 =	vunpack.i.l.bf16.f32 v19;
	v32 =	vsub.f32 v15, v27;
	v27 =	vsub.f32 v21, v22;
	v22 =	vld.idx.msk [tilespmem:v10+s24+$0xFFFFE050 ss:$0x1], $0xffff  }
0x223: {  	v38 =	vunpack.i.u.bf16.f32 v35;
	v37 =	vunpack.i.l.bf16.f32 v35;
	v36 =	vunpack.i.u.bf16.f32 v33;
	v21 =	vld.idx.msk [tilespmem:v10+s24+$0x20 ss:$0x1], $0xffff  }
0x224: {  	v15 =	vunpack.i.u.bf16.f32 v26;
	v26 =	vsub.f32 v18, v31;
	v34 =	vsub.f32 v25, v28;
	v18 =	vld.idx.msk [tilespmem:v10+s24+$0xFFFFE060 ss:$0x1], $0xffff  }
0x225: {  	v28 =	vunpack.i.l.bf16.f32 v33;
	v25 =	vunpack.i.u.bf16.f32 v16;
	v33 =	vld.idx.msk [tilespmem:v10+s24+$0xFFFFE020 ss:$0x1], $0xffff;
	v30 =	vsub.f32 v30, v38  }
0x226: {  	s25 =	simm.s32 $0x1000;
	v31 =	vmul.f32 v32, v32;
	v32 =	vld.idx.msk [tilespmem:v10+s24+$0x10 ss:$0x1], $0xffff;
	v35 =	vmul.f32 v26, v26;
	v26 =	vunpack.i.u.bf16.f32 v23  }
.LBB2_25:
0x227: {  	p0 =	sne.s32 s25, $0x7000;
	v20 =	vsub.f32 v20, v37;
	v37 =	vld.idx.msk [tilespmem:v10+s24+$0x40 ss:$0x1], $0xffff;
	s24 =	sshra.s32 s25, $0x2;
	s25 =	sadd.s32 $0x1000, s25;
	v14 =	vsub.f32 v14, v36;
	v34 =	vmul.f32 v34, v34  }
0x228: {  	v23 =	vunpack.i.l.bf16.f32 v23;
	v24 =	vsub.f32 v29, v24;
	v38 =	vld.idx.msk [tilespmem:v10+s24+$0x30 ss:$0x1], $0xffff;
	v5 =	vadd.f32 v35, v5  }
0x229: {  	v19 =	vunpack.i.u.bf16.f32 v19;
	v27 =	vmul.f32 v27, v27;
	v35 =	vld.idx.msk [tilespmem:v10+s24+$0xFFFFE000 ss:$0x1], $0xffff;
	v20 =	vmul.f32 v20, v20  }
0x22a: {  	v8 =	vadd.f32 v34, v8;
	v24 =	vmul.f32 v24, v24;
	v29 =	vld.idx.msk [tilespmem:v10+s24+$0x60 ss:$0x1], $0xffff;
	v5 =	vadd.f32 v5, v31  }
0x22b: {  	v22 =	vsub.f32 v22, v28;
	v28 =	vmul.f32 v14, v14;
	v19 =	vsub.f32 v32, v19;
	v31 =	vld.idx.msk [tilespmem:v10+s24+$0x0 ss:$0x1], $0xffff  }
0x22c: {  	v16 =	vunpack.i.l.bf16.f32 v16;
	v13 =	vsub.f32 v13, v25;
	v23 =	vsub.f32 v33, v23;
	v14 =	vld.idx.msk [tilespmem:v10+s24+$0x50 ss:$0x1], $0xffff  }
0x22d: {  	v22 =	vmul.f32 v22, v22;
	v6 =	vadd.f32 v20, v6;
	v20 =	vmul.f32 v30, v30;
	v25 =	vld.idx.msk [tilespmem:v10+s24+$0xFFFFE040 ss:$0x1], $0xffff  }
0x22e: {  	v8 =	vadd.f32 v8, v24;
	v32 =	vmul.f32 v19, v19;
	v19 =	vsub.f32 v21, v26;
	v30 =	vld.idx.msk [tilespmem:v12+s24+$0x0 ss:$0x1], $0xffff  }
0x22f: {  	v17 =	vsub.f32 v11, v17;
	v6 =	vadd.f32 v6, v20;
	v26 =	vld.idx.msk [tilespmem:v10+s24+$0xFFFFE070 ss:$0x1], $0xffff  }
0x230: {  	v9 =	vadd.f32 v27, v9;
	v16 =	vsub.f32 v18, v16;
	v21 =	vmul.f32 v23, v23;
	v11 =	vld.idx.msk [tilespmem:v10+s24+$0xFFFFE010 ss:$0x1], $0xffff  }
0x231: {  	v17 =	vmul.f32 v17, v17;
	v18 =	vmul.f32 v13, v13;
	v15 =	vsub.f32 v37, v15;
	v20 =	vld.idx.msk [tilespmem:v10+s24+$0xFFFFE030 ss:$0x1], $0xffff  }
0x232: {  	v3 =	vadd.f32 v22, v3;
	v16 =	vmul.f32 v16, v16;
	v7 =	vadd.f32 v21, v7;
	v27 =	vld.idx.msk [tilespmem:v12+s24+$0x70 ss:$0x1], $0xffff  }
0x233: {  	v4 =	vadd.f32 v17, v4;
	v17 =	vmul.f32 v19, v19;
	v15 =	vmul.f32 v15, v15;
	v21 =	vld.idx.msk [tilespmem:v12+s24+$0x40 ss:$0x1], $0xffff  }
0x234: {  	v3 =	vadd.f32 v3, v28;
	v2 =	vadd.f32 v16, v2;
	v13 =	vmov v29;
	v19 =	vld.idx.msk [tilespmem:v12+s24+$0x10 ss:$0x1], $0xffff  }
0x235: {  	v4 =	vadd.f32 v4, v32;
	v9 =	vadd.f32 v9, v15;
	v16 =	vld.idx.msk [tilespmem:v12+s24+$0x60 ss:$0x1], $0xffff  }
0x236: {  	v2 =	vadd.f32 v2, v18;
	v7 =	vadd.f32 v7, v17;
	v33 =	vld.idx.msk [tilespmem:v12+s24+$0x50 ss:$0x1], $0xffff  }
0x237: {  	v36 =	vld.idx.msk [tilespmem:v12+s24+$0x30 ss:$0x1], $0xffff  }
0x238: {  	v15 =	vunpack.i.u.bf16.f32 v30;
	v24 =	vunpack.i.u.bf16.f32 v27;
	v18 =	vunpack.i.l.bf16.f32 v27;
	v23 =	vld.idx.msk [tilespmem:v12+s24+$0x20 ss:$0x1], $0xffff  }
0x239: {  	v28 =	vunpack.i.l.bf16.f32 v30;
	v30 =	vsub.f32 v31, v15;
	v22 =	vunpack.i.l.bf16.f32 v21;
	v29 =	vld.idx.msk [tilespmem:v10+s24+$0x70 ss:$0x1], $0xffff  }
.Ltmp11:
0x23a: {  	v15 =	vunpack.i.u.bf16.f32 v21;
	v17 =	vunpack.i.l.bf16.f32 v19;
	v27 =	vsub.f32 v25, v22;
	v22 =	vld.idx.msk [tilespmem:v10+s24+$0xFFFFE050 ss:$0x1], $0xffff;
	(pc) =	sbr.rel @p0 .LBB2_25-.Ltmp11, $4  }
0x23b: {  	v35 =	vsub.f32 v35, v28;
	v34 =	vsub.f32 v26, v18;
	v21 =	vld.idx.msk [tilespmem:v10+s24+$0x20 ss:$0x1], $0xffff  }
0x23c: {  	v31 =	vmul.f32 v30, v30;
	v25 =	vunpack.i.u.bf16.f32 v16;
	v28 =	vunpack.i.l.bf16.f32 v33;
	v18 =	vld.idx.msk [tilespmem:v10+s24+$0xFFFFE060 ss:$0x1], $0xffff  }
0x23d: {  	v30 =	vunpack.i.u.bf16.f32 v36;
	v37 =	vunpack.i.l.bf16.f32 v36;
	v36 =	vunpack.i.u.bf16.f32 v33;
	v32 =	vld.idx.msk [tilespmem:v10+s24+$0x10 ss:$0x1], $0xffff  }
0x23e: {  	v35 =	vmul.f32 v35, v35;
	v26 =	vunpack.i.u.bf16.f32 v23;
	v30 =	vsub.f32 v38, v30;
	v33 =	vld.idx.msk [tilespmem:v10+s24+$0xFFFFE020 ss:$0x1], $0xffff  }
0x23f: {  	v12 =	vsub.f32 v20, v37  }
0x240: {  	v14 =	vsub.f32 v14, v36;
	v59 =	vmul.f32 v34, v34;
	v23 =	vunpack.i.l.bf16.f32 v23  }
0x241: {  	v24 =	vsub.f32 v29, v24;
	v19 =	vunpack.i.u.bf16.f32 v19;
	v27 =	vmul.f32 v27, v27  }
0x242: {  	v22 =	vsub.f32 v22, v28;
	v16 =	vunpack.i.l.bf16.f32 v16;
	v13 =	vsub.f32 v13, v25  }
0x243: {  	v11 =	vsub.f32 v11, v17;
	v5 =	vadd.f32 v35, v5;
	v61 =	vmul.f32 v30, v30  }
0x244: {  	v21 =	vsub.f32 v21, v26;
	v12 =	vmul.f32 v12, v12;
	v8 =	vadd.f32 v59, v8  }
0x245: {  	v10 =	vld.idx.msk [tilespmem:v10+s24+$0x40 ss:$0x1], $0xffff;
	v60 =	vmul.f32 v24, v24;
	v14 =	vmul.f32 v14, v14;
	v16 =	vsub.f32 v18, v16  }
0x246: {  	v22 =	vmul.f32 v22, v22;
	v9 =	vadd.f32 v27, v9;
	v5 =	vadd.f32 v5, v31  }
0x247: {  	v11 =	vmul.f32 v11, v11;
	v19 =	vsub.f32 v32, v19;
	v23 =	vsub.f32 v33, v23  }
0x248: {  	s21 =	sadd.s32 $0x1, s21;
	v13 =	vmul.f32 v13, v13;
	v6 =	vadd.f32 v12, v6;
	v8 =	vadd.f32 v8, v60  }
0x249: {  	p0 =	sne.s32 s21, $0x8;
	v3 =	vadd.f32 v22, v3;
	v63 =	vmul.f32 v16, v16;
	v4 =	vadd.f32 v11, v4  }
.Ltmp12:
0x24a: {  	v11 =	vmul.f32 v21, v21;
	v10 =	vsub.f32 v10, v15;
	v62 =	vmul.f32 v23, v23;
	(pc) =	sbr.rel @p0 .LBB2_24-.Ltmp12, $4  }
0x24b: {  	v19 =	vmul.f32 v19, v19;
	v6 =	vadd.f32 v6, v61;
	v2 =	vadd.f32 v63, v2  }
0x24c: {  	v3 =	vadd.f32 v3, v14;
	v10 =	vmul.f32 v10, v10;
	v7 =	vadd.f32 v62, v7  }
0x24d: {  	v4 =	vadd.f32 v4, v19;
	v2 =	vadd.f32 v2, v13  }
0x24e: {  	s22 =	sadd.s32 $0x80, s22;
	s23 =	sadd.s32 $0x80, s23;
	v9 =	vadd.f32 v9, v10;
	v7 =	vadd.f32 v7, v11  }
0x24f: {  	_ =	swait.ge [sflag:s17], $0x4000  }
0x250: {  	[sflag:s17] =	ssyncset.done $0x0  }
0x251: {  	[sflag:s17] =	ssyncadd.s32 $0xFFFFC000  }
0x252: {  	_ =	swait.ge [sflag:s18], $0x2000  }
0x253: {  	s21 =	simm.s32 $0x0;
	[sflag:s18] =	ssyncset.done $0x0  }
0x254: {  	s22 =	simm.s32 $0x14200;
	s23 =	simm.s32 $0xA200;
	[sflag:s18] =	ssyncadd.s32 $0xFFFFE000  }
.LBB2_28:
0x255: {  	v10 =	vmov s23;
	_ =	sdelay $0x3  }
0x256: {  	s24 =	simm.s32 $0x0  }
0x257: {  	v30 =	vld.idx.msk [tilespmem:v10+s24+$0x30 ss:$0x1], $0xffff  }
0x258: {  	v12 =	vmov s22;
	v18 =	vld.idx.msk [tilespmem:v10+s24+$0xFFFFE000 ss:$0x1], $0xffff  }
0x259: {  	v13 =	vld.idx.msk [tilespmem:v10+s24+$0x60 ss:$0x1], $0xffff  }
0x25a: {  	v15 =	vld.idx.msk [tilespmem:v10+s24+$0x0 ss:$0x1], $0xffff  }
0x25b: {  	v14 =	vld.idx.msk [tilespmem:v10+s24+$0x50 ss:$0x1], $0xffff  }
0x25c: {  	v21 =	vld.idx.msk [tilespmem:v10+s24+$0xFFFFE040 ss:$0x1], $0xffff  }
0x25d: {  	v17 =	vld.idx.msk [tilespmem:v12+s24+$0x0 ss:$0x1], $0xffff  }
0x25e: {  	v25 =	vld.idx.msk [tilespmem:v10+s24+$0xFFFFE070 ss:$0x1], $0xffff  }
0x25f: {  	v11 =	vld.idx.msk [tilespmem:v10+s24+$0xFFFFE010 ss:$0x1], $0xffff  }
0x260: {  	v20 =	vld.idx.msk [tilespmem:v10+s24+$0xFFFFE030 ss:$0x1], $0xffff  }
0x261: {  	v22 =	vld.idx.msk [tilespmem:v12+s24+$0x70 ss:$0x1], $0xffff  }
0x262: {  	v26 =	vld.idx.msk [tilespmem:v12+s24+$0x40 ss:$0x1], $0xffff  }
0x263: {  	v19 =	vld.idx.msk [tilespmem:v12+s24+$0x10 ss:$0x1], $0xffff  }
0x264: {  	v33 =	vld.idx.msk [tilespmem:v12+s24+$0x50 ss:$0x1], $0xffff  }
0x265: {  	v35 =	vld.idx.msk [tilespmem:v12+s24+$0x30 ss:$0x1], $0xffff  }
0x266: {  	v16 =	vld.idx.msk [tilespmem:v12+s24+$0x60 ss:$0x1], $0xffff  }
0x267: {  	v23 =	vld.idx.msk [tilespmem:v12+s24+$0x20 ss:$0x1], $0xffff;
	v27 =	vunpack.i.u.bf16.f32 v17;
	v24 =	vunpack.i.u.bf16.f32 v22  }
0x268: {  	v29 =	vld.idx.msk [tilespmem:v10+s24+$0x70 ss:$0x1], $0xffff;
	v28 =	vunpack.i.l.bf16.f32 v22;
	v31 =	vunpack.i.l.bf16.f32 v17;
	v22 =	vunpack.i.l.bf16.f32 v26  }
0x269: {  	v17 =	vunpack.i.l.bf16.f32 v19;
	v32 =	vsub.f32 v15, v27;
	v27 =	vsub.f32 v21, v22;
	v22 =	vld.idx.msk [tilespmem:v10+s24+$0xFFFFE050 ss:$0x1], $0xffff  }
0x26a: {  	v38 =	vunpack.i.u.bf16.f32 v35;
	v37 =	vunpack.i.l.bf16.f32 v35;
	v36 =	vunpack.i.u.bf16.f32 v33;
	v21 =	vld.idx.msk [tilespmem:v10+s24+$0x20 ss:$0x1], $0xffff  }
0x26b: {  	v15 =	vunpack.i.u.bf16.f32 v26;
	v26 =	vsub.f32 v18, v31;
	v34 =	vsub.f32 v25, v28;
	v18 =	vld.idx.msk [tilespmem:v10+s24+$0xFFFFE060 ss:$0x1], $0xffff  }
0x26c: {  	v28 =	vunpack.i.l.bf16.f32 v33;
	v25 =	vunpack.i.u.bf16.f32 v16;
	v33 =	vld.idx.msk [tilespmem:v10+s24+$0xFFFFE020 ss:$0x1], $0xffff;
	v30 =	vsub.f32 v30, v38  }
0x26d: {  	s25 =	simm.s32 $0x1000;
	v31 =	vmul.f32 v32, v32;
	v32 =	vld.idx.msk [tilespmem:v10+s24+$0x10 ss:$0x1], $0xffff;
	v35 =	vmul.f32 v26, v26;
	v26 =	vunpack.i.u.bf16.f32 v23  }
.LBB2_29:
0x26e: {  	p0 =	sne.s32 s25, $0x7000;
	v20 =	vsub.f32 v20, v37;
	v37 =	vld.idx.msk [tilespmem:v10+s24+$0x40 ss:$0x1], $0xffff;
	s24 =	sshra.s32 s25, $0x2;
	s25 =	sadd.s32 $0x1000, s25;
	v14 =	vsub.f32 v14, v36;
	v34 =	vmul.f32 v34, v34  }
0x26f: {  	v23 =	vunpack.i.l.bf16.f32 v23;
	v24 =	vsub.f32 v29, v24;
	v38 =	vld.idx.msk [tilespmem:v10+s24+$0x30 ss:$0x1], $0xffff;
	v5 =	vadd.f32 v35, v5  }
0x270: {  	v19 =	vunpack.i.u.bf16.f32 v19;
	v27 =	vmul.f32 v27, v27;
	v35 =	vld.idx.msk [tilespmem:v10+s24+$0xFFFFE000 ss:$0x1], $0xffff;
	v20 =	vmul.f32 v20, v20  }
0x271: {  	v8 =	vadd.f32 v34, v8;
	v24 =	vmul.f32 v24, v24;
	v29 =	vld.idx.msk [tilespmem:v10+s24+$0x60 ss:$0x1], $0xffff;
	v5 =	vadd.f32 v5, v31  }
0x272: {  	v22 =	vsub.f32 v22, v28;
	v28 =	vmul.f32 v14, v14;
	v19 =	vsub.f32 v32, v19;
	v31 =	vld.idx.msk [tilespmem:v10+s24+$0x0 ss:$0x1], $0xffff  }
0x273: {  	v16 =	vunpack.i.l.bf16.f32 v16;
	v13 =	vsub.f32 v13, v25;
	v23 =	vsub.f32 v33, v23;
	v14 =	vld.idx.msk [tilespmem:v10+s24+$0x50 ss:$0x1], $0xffff  }
0x274: {  	v22 =	vmul.f32 v22, v22;
	v6 =	vadd.f32 v20, v6;
	v20 =	vmul.f32 v30, v30;
	v25 =	vld.idx.msk [tilespmem:v10+s24+$0xFFFFE040 ss:$0x1], $0xffff  }
0x275: {  	v8 =	vadd.f32 v8, v24;
	v32 =	vmul.f32 v19, v19;
	v19 =	vsub.f32 v21, v26;
	v30 =	vld.idx.msk [tilespmem:v12+s24+$0x0 ss:$0x1], $0xffff  }
0x276: {  	v17 =	vsub.f32 v11, v17;
	v6 =	vadd.f32 v6, v20;
	v26 =	vld.idx.msk [tilespmem:v10+s24+$0xFFFFE070 ss:$0x1], $0xffff  }
0x277: {  	v9 =	vadd.f32 v27, v9;
	v16 =	vsub.f32 v18, v16;
	v21 =	vmul.f32 v23, v23;
	v11 =	vld.idx.msk [tilespmem:v10+s24+$0xFFFFE010 ss:$0x1], $0xffff  }
0x278: {  	v17 =	vmul.f32 v17, v17;
	v18 =	vmul.f32 v13, v13;
	v15 =	vsub.f32 v37, v15;
	v20 =	vld.idx.msk [tilespmem:v10+s24+$0xFFFFE030 ss:$0x1], $0xffff  }
0x279: {  	v3 =	vadd.f32 v22, v3;
	v16 =	vmul.f32 v16, v16;
	v7 =	vadd.f32 v21, v7;
	v27 =	vld.idx.msk [tilespmem:v12+s24+$0x70 ss:$0x1], $0xffff  }
0x27a: {  	v4 =	vadd.f32 v17, v4;
	v17 =	vmul.f32 v19, v19;
	v15 =	vmul.f32 v15, v15;
	v21 =	vld.idx.msk [tilespmem:v12+s24+$0x40 ss:$0x1], $0xffff  }
0x27b: {  	v3 =	vadd.f32 v3, v28;
	v2 =	vadd.f32 v16, v2;
	v13 =	vmov v29;
	v19 =	vld.idx.msk [tilespmem:v12+s24+$0x10 ss:$0x1], $0xffff  }
0x27c: {  	v4 =	vadd.f32 v4, v32;
	v9 =	vadd.f32 v9, v15;
	v16 =	vld.idx.msk [tilespmem:v12+s24+$0x60 ss:$0x1], $0xffff  }
0x27d: {  	v2 =	vadd.f32 v2, v18;
	v7 =	vadd.f32 v7, v17;
	v33 =	vld.idx.msk [tilespmem:v12+s24+$0x50 ss:$0x1], $0xffff  }
0x27e: {  	v36 =	vld.idx.msk [tilespmem:v12+s24+$0x30 ss:$0x1], $0xffff  }
0x27f: {  	v15 =	vunpack.i.u.bf16.f32 v30;
	v24 =	vunpack.i.u.bf16.f32 v27;
	v18 =	vunpack.i.l.bf16.f32 v27;
	v23 =	vld.idx.msk [tilespmem:v12+s24+$0x20 ss:$0x1], $0xffff  }
0x280: {  	v28 =	vunpack.i.l.bf16.f32 v30;
	v30 =	vsub.f32 v31, v15;
	v22 =	vunpack.i.l.bf16.f32 v21;
	v29 =	vld.idx.msk [tilespmem:v10+s24+$0x70 ss:$0x1], $0xffff  }
.Ltmp13:
0x281: {  	v15 =	vunpack.i.u.bf16.f32 v21;
	v17 =	vunpack.i.l.bf16.f32 v19;
	v27 =	vsub.f32 v25, v22;
	v22 =	vld.idx.msk [tilespmem:v10+s24+$0xFFFFE050 ss:$0x1], $0xffff;
	(pc) =	sbr.rel @p0 .LBB2_29-.Ltmp13, $4  }
0x282: {  	v35 =	vsub.f32 v35, v28;
	v34 =	vsub.f32 v26, v18;
	v21 =	vld.idx.msk [tilespmem:v10+s24+$0x20 ss:$0x1], $0xffff  }
0x283: {  	v31 =	vmul.f32 v30, v30;
	v25 =	vunpack.i.u.bf16.f32 v16;
	v28 =	vunpack.i.l.bf16.f32 v33;
	v18 =	vld.idx.msk [tilespmem:v10+s24+$0xFFFFE060 ss:$0x1], $0xffff  }
0x284: {  	v30 =	vunpack.i.u.bf16.f32 v36;
	v37 =	vunpack.i.l.bf16.f32 v36;
	v36 =	vunpack.i.u.bf16.f32 v33;
	v32 =	vld.idx.msk [tilespmem:v10+s24+$0x10 ss:$0x1], $0xffff  }
0x285: {  	v35 =	vmul.f32 v35, v35;
	v26 =	vunpack.i.u.bf16.f32 v23;
	v30 =	vsub.f32 v38, v30;
	v33 =	vld.idx.msk [tilespmem:v10+s24+$0xFFFFE020 ss:$0x1], $0xffff  }
0x286: {  	v12 =	vsub.f32 v20, v37  }
0x287: {  	v14 =	vsub.f32 v14, v36;
	v59 =	vmul.f32 v34, v34;
	v23 =	vunpack.i.l.bf16.f32 v23  }
0x288: {  	v24 =	vsub.f32 v29, v24;
	v19 =	vunpack.i.u.bf16.f32 v19;
	v27 =	vmul.f32 v27, v27  }
0x289: {  	v22 =	vsub.f32 v22, v28;
	v16 =	vunpack.i.l.bf16.f32 v16;
	v13 =	vsub.f32 v13, v25  }
0x28a: {  	v11 =	vsub.f32 v11, v17;
	v5 =	vadd.f32 v35, v5;
	v61 =	vmul.f32 v30, v30  }
0x28b: {  	v21 =	vsub.f32 v21, v26;
	v12 =	vmul.f32 v12, v12;
	v8 =	vadd.f32 v59, v8  }
0x28c: {  	v10 =	vld.idx.msk [tilespmem:v10+s24+$0x40 ss:$0x1], $0xffff;
	v60 =	vmul.f32 v24, v24;
	v14 =	vmul.f32 v14, v14;
	v16 =	vsub.f32 v18, v16  }
0x28d: {  	v22 =	vmul.f32 v22, v22;
	v9 =	vadd.f32 v27, v9;
	v5 =	vadd.f32 v5, v31  }
0x28e: {  	v11 =	vmul.f32 v11, v11;
	v19 =	vsub.f32 v32, v19;
	v23 =	vsub.f32 v33, v23  }
0x28f: {  	s21 =	sadd.s32 $0x1, s21;
	v13 =	vmul.f32 v13, v13;
	v6 =	vadd.f32 v12, v6;
	v8 =	vadd.f32 v8, v60  }
0x290: {  	p0 =	sne.s32 s21, $0x8;
	v3 =	vadd.f32 v22, v3;
	v63 =	vmul.f32 v16, v16;
	v4 =	vadd.f32 v11, v4  }
.Ltmp14:
0x291: {  	v11 =	vmul.f32 v21, v21;
	v10 =	vsub.f32 v10, v15;
	v62 =	vmul.f32 v23, v23;
	(pc) =	sbr.rel @p0 .LBB2_28-.Ltmp14, $4  }
0x292: {  	v19 =	vmul.f32 v19, v19;
	v6 =	vadd.f32 v6, v61;
	v2 =	vadd.f32 v63, v2  }
0x293: {  	v3 =	vadd.f32 v3, v14;
	v10 =	vmul.f32 v10, v10;
	v7 =	vadd.f32 v62, v7  }
0x294: {  	v4 =	vadd.f32 v4, v19;
	v2 =	vadd.f32 v2, v13  }
0x295: {  	s22 =	sadd.s32 $0x80, s22;
	s23 =	sadd.s32 $0x80, s23;
	v9 =	vadd.f32 v9, v10;
	v7 =	vadd.f32 v7, v11  }
0x296: {  	_ =	swait.ge [sflag:s19], $0x4000  }
0x297: {  	[sflag:s19] =	ssyncset.done $0x0  }
0x298: {  	[sflag:s19] =	ssyncadd.s32 $0xFFFFC000  }
0x299: {  	_ =	swait.ge [sflag:s20], $0x2000  }
0x29a: {  	s21 =	simm.s32 $0x0;
	[sflag:s20] =	ssyncset.done $0x0  }
0x29b: {  	s22 =	simm.s32 $0x16200;
	s23 =	simm.s32 $0xE200;
	[sflag:s20] =	ssyncadd.s32 $0xFFFFE000  }
.LBB2_32:
0x29c: {  	v10 =	vmov s23;
	_ =	sdelay $0x3  }
0x29d: {  	s24 =	simm.s32 $0x0  }
0x29e: {  	v30 =	vld.idx.msk [tilespmem:v10+s24+$0x30 ss:$0x1], $0xffff  }
0x29f: {  	v12 =	vmov s22;
	v18 =	vld.idx.msk [tilespmem:v10+s24+$0xFFFFE000 ss:$0x1], $0xffff  }
0x2a0: {  	v13 =	vld.idx.msk [tilespmem:v10+s24+$0x60 ss:$0x1], $0xffff  }
0x2a1: {  	v15 =	vld.idx.msk [tilespmem:v10+s24+$0x0 ss:$0x1], $0xffff  }
0x2a2: {  	v14 =	vld.idx.msk [tilespmem:v10+s24+$0x50 ss:$0x1], $0xffff  }
0x2a3: {  	v21 =	vld.idx.msk [tilespmem:v10+s24+$0xFFFFE040 ss:$0x1], $0xffff  }
0x2a4: {  	v17 =	vld.idx.msk [tilespmem:v12+s24+$0x0 ss:$0x1], $0xffff  }
0x2a5: {  	v25 =	vld.idx.msk [tilespmem:v10+s24+$0xFFFFE070 ss:$0x1], $0xffff  }
0x2a6: {  	v11 =	vld.idx.msk [tilespmem:v10+s24+$0xFFFFE010 ss:$0x1], $0xffff  }
0x2a7: {  	v20 =	vld.idx.msk [tilespmem:v10+s24+$0xFFFFE030 ss:$0x1], $0xffff  }
0x2a8: {  	v22 =	vld.idx.msk [tilespmem:v12+s24+$0x70 ss:$0x1], $0xffff  }
0x2a9: {  	v26 =	vld.idx.msk [tilespmem:v12+s24+$0x40 ss:$0x1], $0xffff  }
0x2aa: {  	v19 =	vld.idx.msk [tilespmem:v12+s24+$0x10 ss:$0x1], $0xffff  }
0x2ab: {  	v33 =	vld.idx.msk [tilespmem:v12+s24+$0x50 ss:$0x1], $0xffff  }
0x2ac: {  	v35 =	vld.idx.msk [tilespmem:v12+s24+$0x30 ss:$0x1], $0xffff  }
0x2ad: {  	v16 =	vld.idx.msk [tilespmem:v12+s24+$0x60 ss:$0x1], $0xffff  }
0x2ae: {  	v23 =	vld.idx.msk [tilespmem:v12+s24+$0x20 ss:$0x1], $0xffff;
	v27 =	vunpack.i.u.bf16.f32 v17;
	v24 =	vunpack.i.u.bf16.f32 v22  }
0x2af: {  	v29 =	vld.idx.msk [tilespmem:v10+s24+$0x70 ss:$0x1], $0xffff;
	v28 =	vunpack.i.l.bf16.f32 v22;
	v31 =	vunpack.i.l.bf16.f32 v17;
	v22 =	vunpack.i.l.bf16.f32 v26  }
0x2b0: {  	v17 =	vunpack.i.l.bf16.f32 v19;
	v32 =	vsub.f32 v15, v27;
	v27 =	vsub.f32 v21, v22;
	v22 =	vld.idx.msk [tilespmem:v10+s24+$0xFFFFE050 ss:$0x1], $0xffff  }
0x2b1: {  	v38 =	vunpack.i.u.bf16.f32 v35;
	v37 =	vunpack.i.l.bf16.f32 v35;
	v36 =	vunpack.i.u.bf16.f32 v33;
	v21 =	vld.idx.msk [tilespmem:v10+s24+$0x20 ss:$0x1], $0xffff  }
0x2b2: {  	v15 =	vunpack.i.u.bf16.f32 v26;
	v26 =	vsub.f32 v18, v31;
	v34 =	vsub.f32 v25, v28;
	v18 =	vld.idx.msk [tilespmem:v10+s24+$0xFFFFE060 ss:$0x1], $0xffff  }
0x2b3: {  	v28 =	vunpack.i.l.bf16.f32 v33;
	v25 =	vunpack.i.u.bf16.f32 v16;
	v33 =	vld.idx.msk [tilespmem:v10+s24+$0xFFFFE020 ss:$0x1], $0xffff;
	v30 =	vsub.f32 v30, v38  }
0x2b4: {  	s25 =	simm.s32 $0x1000;
	v31 =	vmul.f32 v32, v32;
	v32 =	vld.idx.msk [tilespmem:v10+s24+$0x10 ss:$0x1], $0xffff;
	v35 =	vmul.f32 v26, v26;
	v26 =	vunpack.i.u.bf16.f32 v23  }
.LBB2_33:
0x2b5: {  	p0 =	sne.s32 s25, $0x7000;
	v20 =	vsub.f32 v20, v37;
	v37 =	vld.idx.msk [tilespmem:v10+s24+$0x40 ss:$0x1], $0xffff;
	s24 =	sshra.s32 s25, $0x2;
	s25 =	sadd.s32 $0x1000, s25;
	v14 =	vsub.f32 v14, v36;
	v34 =	vmul.f32 v34, v34  }
0x2b6: {  	v23 =	vunpack.i.l.bf16.f32 v23;
	v24 =	vsub.f32 v29, v24;
	v38 =	vld.idx.msk [tilespmem:v10+s24+$0x30 ss:$0x1], $0xffff;
	v5 =	vadd.f32 v35, v5  }
0x2b7: {  	v19 =	vunpack.i.u.bf16.f32 v19;
	v27 =	vmul.f32 v27, v27;
	v35 =	vld.idx.msk [tilespmem:v10+s24+$0xFFFFE000 ss:$0x1], $0xffff;
	v20 =	vmul.f32 v20, v20  }
0x2b8: {  	v8 =	vadd.f32 v34, v8;
	v24 =	vmul.f32 v24, v24;
	v29 =	vld.idx.msk [tilespmem:v10+s24+$0x60 ss:$0x1], $0xffff;
	v5 =	vadd.f32 v5, v31  }
0x2b9: {  	v22 =	vsub.f32 v22, v28;
	v28 =	vmul.f32 v14, v14;
	v19 =	vsub.f32 v32, v19;
	v31 =	vld.idx.msk [tilespmem:v10+s24+$0x0 ss:$0x1], $0xffff  }
0x2ba: {  	v16 =	vunpack.i.l.bf16.f32 v16;
	v13 =	vsub.f32 v13, v25;
	v23 =	vsub.f32 v33, v23;
	v14 =	vld.idx.msk [tilespmem:v10+s24+$0x50 ss:$0x1], $0xffff  }
0x2bb: {  	v22 =	vmul.f32 v22, v22;
	v6 =	vadd.f32 v20, v6;
	v20 =	vmul.f32 v30, v30;
	v25 =	vld.idx.msk [tilespmem:v10+s24+$0xFFFFE040 ss:$0x1], $0xffff  }
0x2bc: {  	v8 =	vadd.f32 v8, v24;
	v32 =	vmul.f32 v19, v19;
	v19 =	vsub.f32 v21, v26;
	v30 =	vld.idx.msk [tilespmem:v12+s24+$0x0 ss:$0x1], $0xffff  }
0x2bd: {  	v17 =	vsub.f32 v11, v17;
	v6 =	vadd.f32 v6, v20;
	v26 =	vld.idx.msk [tilespmem:v10+s24+$0xFFFFE070 ss:$0x1], $0xffff  }
0x2be: {  	v9 =	vadd.f32 v27, v9;
	v16 =	vsub.f32 v18, v16;
	v21 =	vmul.f32 v23, v23;
	v11 =	vld.idx.msk [tilespmem:v10+s24+$0xFFFFE010 ss:$0x1], $0xffff  }
0x2bf: {  	v17 =	vmul.f32 v17, v17;
	v18 =	vmul.f32 v13, v13;
	v15 =	vsub.f32 v37, v15;
	v20 =	vld.idx.msk [tilespmem:v10+s24+$0xFFFFE030 ss:$0x1], $0xffff  }
0x2c0: {  	v3 =	vadd.f32 v22, v3;
	v16 =	vmul.f32 v16, v16;
	v7 =	vadd.f32 v21, v7;
	v27 =	vld.idx.msk [tilespmem:v12+s24+$0x70 ss:$0x1], $0xffff  }
0x2c1: {  	v4 =	vadd.f32 v17, v4;
	v17 =	vmul.f32 v19, v19;
	v15 =	vmul.f32 v15, v15;
	v21 =	vld.idx.msk [tilespmem:v12+s24+$0x40 ss:$0x1], $0xffff  }
0x2c2: {  	v3 =	vadd.f32 v3, v28;
	v2 =	vadd.f32 v16, v2;
	v13 =	vmov v29;
	v19 =	vld.idx.msk [tilespmem:v12+s24+$0x10 ss:$0x1], $0xffff  }
0x2c3: {  	v4 =	vadd.f32 v4, v32;
	v9 =	vadd.f32 v9, v15;
	v16 =	vld.idx.msk [tilespmem:v12+s24+$0x60 ss:$0x1], $0xffff  }
0x2c4: {  	v2 =	vadd.f32 v2, v18;
	v7 =	vadd.f32 v7, v17;
	v33 =	vld.idx.msk [tilespmem:v12+s24+$0x50 ss:$0x1], $0xffff  }
0x2c5: {  	v36 =	vld.idx.msk [tilespmem:v12+s24+$0x30 ss:$0x1], $0xffff  }
0x2c6: {  	v15 =	vunpack.i.u.bf16.f32 v30;
	v24 =	vunpack.i.u.bf16.f32 v27;
	v18 =	vunpack.i.l.bf16.f32 v27;
	v23 =	vld.idx.msk [tilespmem:v12+s24+$0x20 ss:$0x1], $0xffff  }
0x2c7: {  	v28 =	vunpack.i.l.bf16.f32 v30;
	v30 =	vsub.f32 v31, v15;
	v22 =	vunpack.i.l.bf16.f32 v21;
	v29 =	vld.idx.msk [tilespmem:v10+s24+$0x70 ss:$0x1], $0xffff  }
.Ltmp15:
0x2c8: {  	v15 =	vunpack.i.u.bf16.f32 v21;
	v17 =	vunpack.i.l.bf16.f32 v19;
	v27 =	vsub.f32 v25, v22;
	v22 =	vld.idx.msk [tilespmem:v10+s24+$0xFFFFE050 ss:$0x1], $0xffff;
	(pc) =	sbr.rel @p0 .LBB2_33-.Ltmp15, $4  }
0x2c9: {  	v35 =	vsub.f32 v35, v28;
	v34 =	vsub.f32 v26, v18;
	v21 =	vld.idx.msk [tilespmem:v10+s24+$0x20 ss:$0x1], $0xffff  }
0x2ca: {  	v31 =	vmul.f32 v30, v30;
	v25 =	vunpack.i.u.bf16.f32 v16;
	v28 =	vunpack.i.l.bf16.f32 v33;
	v18 =	vld.idx.msk [tilespmem:v10+s24+$0xFFFFE060 ss:$0x1], $0xffff  }
0x2cb: {  	v30 =	vunpack.i.u.bf16.f32 v36;
	v37 =	vunpack.i.l.bf16.f32 v36;
	v36 =	vunpack.i.u.bf16.f32 v33;
	v32 =	vld.idx.msk [tilespmem:v10+s24+$0x10 ss:$0x1], $0xffff  }
0x2cc: {  	v35 =	vmul.f32 v35, v35;
	v26 =	vunpack.i.u.bf16.f32 v23;
	v30 =	vsub.f32 v38, v30;
	v33 =	vld.idx.msk [tilespmem:v10+s24+$0xFFFFE020 ss:$0x1], $0xffff  }
0x2cd: {  	v12 =	vsub.f32 v20, v37  }
0x2ce: {  	v14 =	vsub.f32 v14, v36;
	v59 =	vmul.f32 v34, v34;
	v23 =	vunpack.i.l.bf16.f32 v23  }
0x2cf: {  	v24 =	vsub.f32 v29, v24;
	v19 =	vunpack.i.u.bf16.f32 v19;
	v27 =	vmul.f32 v27, v27  }
0x2d0: {  	v22 =	vsub.f32 v22, v28;
	v16 =	vunpack.i.l.bf16.f32 v16;
	v13 =	vsub.f32 v13, v25  }
0x2d1: {  	v11 =	vsub.f32 v11, v17;
	v5 =	vadd.f32 v35, v5;
	v61 =	vmul.f32 v30, v30  }
0x2d2: {  	v21 =	vsub.f32 v21, v26;
	v12 =	vmul.f32 v12, v12;
	v8 =	vadd.f32 v59, v8  }
0x2d3: {  	v10 =	vld.idx.msk [tilespmem:v10+s24+$0x40 ss:$0x1], $0xffff;
	v60 =	vmul.f32 v24, v24;
	v14 =	vmul.f32 v14, v14;
	v16 =	vsub.f32 v18, v16  }
0x2d4: {  	v22 =	vmul.f32 v22, v22;
	v9 =	vadd.f32 v27, v9;
	v5 =	vadd.f32 v5, v31  }
0x2d5: {  	v11 =	vmul.f32 v11, v11;
	v19 =	vsub.f32 v32, v19;
	v23 =	vsub.f32 v33, v23  }
0x2d6: {  	s21 =	sadd.s32 $0x1, s21;
	v13 =	vmul.f32 v13, v13;
	v6 =	vadd.f32 v12, v6;
	v8 =	vadd.f32 v8, v60  }
0x2d7: {  	p0 =	sne.s32 s21, $0x8;
	v3 =	vadd.f32 v22, v3;
	v63 =	vmul.f32 v16, v16;
	v4 =	vadd.f32 v11, v4  }
.Ltmp16:
0x2d8: {  	v11 =	vmul.f32 v21, v21;
	v10 =	vsub.f32 v10, v15;
	v62 =	vmul.f32 v23, v23;
	(pc) =	sbr.rel @p0 .LBB2_32-.Ltmp16, $4  }
0x2d9: {  	v19 =	vmul.f32 v19, v19;
	v6 =	vadd.f32 v6, v61;
	v2 =	vadd.f32 v63, v2  }
0x2da: {  	v3 =	vadd.f32 v3, v14;
	v10 =	vmul.f32 v10, v10;
	v7 =	vadd.f32 v62, v7  }
0x2db: {  	v4 =	vadd.f32 v4, v19;
	v2 =	vadd.f32 v2, v13  }
0x2dc: {  	s22 =	sadd.s32 $0x80, s22;
	s23 =	sadd.s32 $0x80, s23;
	v9 =	vadd.f32 v9, v10;
	v7 =	vadd.f32 v7, v11  }
0x2dd: {  	v4 =	vadd.f32 v4, v5;
	v2 =	vadd.f32 v8, v2  }
0x2de: {  	v63 =	vadd.f32 v6, v7;
	v3 =	vadd.f32 v3, v9;
	_ =	sdelay $0x1  }
0x2df: {  	v4 =	vadd.f32 v63, v4;
	v2 =	vadd.f32 v2, v3;
	_ =	sdelay $0x1  }
0x2e0: {  	v2 =	vadd.f32 v2, v4;
	_ =	sdelay $0x1  }
0x2e1: {  	s21 =	rddreg [dreg:$0x9];
	s22 =	simm.s32 $0x18200;
	[tilespmem:$0x18200] =	vst v2  }
0x2e2: {  	[hbm4b:s21+s4] =	stream.linear.scatter [tilespmem:s22], [sflag:$0x9], $0x80, $0x38;
	[tilespmem:$0x18280] =	vst v63  }
0x2e3: {  	s22 =	simm.s32 $0x9  }
0x2e4: {  	_ =	swait.ge [sflag:s22], $0x80  }
0x2e5: {  	s23 =	rddreg [dreg:$0xb]  }
0x2e6: {  	s28 =	rddreg [dreg:$0xa];
	s23 =	sadd.s32 $0x1, s23  }
0x2e7: {  	p0 =	sne.s32 s23, s28  }
.Ltmp17:
0x2e8: {  	_ = 	snop;
	(pc) =	sbr.rel @p0 .LBB2_1-.Ltmp17, $3  }
0x2e9: {  	_ =	sdelay $0x1  }
0x2ea: {  	[sflag:s22] =	ssyncset.done $0x0  }
0x2eb: {  	[sflag:s22] =	ssyncadd.s32 $0xFFFFFF80  }
0x2ec: {  	_ =	sfence.sel $0x180000  }
0x2ed: {  	[bflag:$0x0] =	sbarrier.arrive $0xFFFF  }
0x2ee: {  	_ =	strace $0x90000047  }
0x2ef: {  	s0 =	stileid.u32;
	[bflag:$0x2] =	sbarrier.arrive $0xFFFF  }
0x2f0: {  	p0 =	sne.s32 s0, $0x0;
	s0 =	rddreg [dreg:$0x3]  }
0x2f1: {  	s0 =	sadd.s32 @!p0 $0x100000, s0  }
0x2f2: {  	[sflag:s0] =	ssyncadd.tile.s32 @!p0 $0x1;
	_ =	shalt  }
.Lfunc_end2:
_tile_overlayer_lowered:
.L_overlay_start_2:
0x2f3: {  	(tag) =	ssettag $0x2  }
0x2f4: {  	s0 =	rddreg [dreg:$0x0];
	s2 =	stileid.u32  }
0x2f5: {  	s1 =	rddreg [dreg:$0x1];
	p0 =	sne.s32 s2, $0x0  }
0x2f6: {  	s3 =	rddreg [dreg:$0x2];
	[bflag:$0x3] =	sbarrier.arrive $0xFFFF;
	s2 =	simm.s32 @!p0 $0x1C09  }
0x2f7: {  	[timem:s3], [sflag:s2] =	dma.local @!p0 [hbm:s0], s1  }
0x2f8: {  	s0 =	simm.s32 @!p0 $0x9  }
0x2f9: {  	_ =	swait.ge @!p0 [sflag:s0], s1  }
0x2fa: {  	s1 =	ssub.s32 @!p0 $0x0, s1;
	[sflag:s0] =	ssyncset.done @!p0 $0x0  }
0x2fb: {  	[sflag:s0] =	ssyncadd.s32 @!p0 s1  }
0x2fc: {  	[bflag:$0x3] =	sbarrier.arrive $0xFFFF  }
0x2fd: {  	_ =	shalt  }

</sc_bundles>
